<compile_context>
chip_gen: v7x
topology: tpu7x:2x2x1
jax: 0.10.2.dev20260603
libtpu: 0.0.44.dev20260713+nightly
codegen_flags: <defaults>
</compile_context>

<pallas_src>
import jax
import jax.numpy as jnp
from jax import lax
from jax.experimental import pallas as pl
from jax.experimental.pallas import tpu as pltpu
from jax.experimental.pallas import tpu_sc as plsc

_BATCH = 16384
_D = 64
_LANES = 16
_NC = 2
_NS = 16
_NW = _NC * _NS
_BPW = _BATCH // _NW
_CHUNK = 128
_NCHUNK = _BPW // _CHUNK
_GROUPS_PER_CHUNK = _CHUNK // _LANES
_Y_HIGH = 5.5


def _body(x_hbm, uf_hbm, ub_hbm, mf_hbm, mb_hbm, out_hbm,
          xv, uidx, midx, urows, mrows, ubias, mbias, res, sem):
    wid = lax.axis_index("s") * _NC + lax.axis_index("c")
    base = wid * _BPW
    pltpu.sync_copy(x_hbm.at[pl.ds(base * 2, _BPW * 2)], xv)

    lane = lax.iota(jnp.int32, _LANES)
    for j in range(_NCHUNK):
        for g in range(_GROUPS_PER_CHUNK):
            flat = lane * 2 + (j * _CHUNK + g * _LANES) * 2
            uidx[j, pl.ds(g * _LANES, _LANES)] = plsc.load_gather(xv, [flat])
            midx[j, pl.ds(g * _LANES, _LANES)] = plsc.load_gather(xv, [flat + 1])

    copies = []
    for j in range(_NCHUNK):
        rsl = pl.ds(j * _CHUNK, _CHUNK)
        copies.append(pltpu.async_copy(uf_hbm.at[uidx.at[j]], urows.at[rsl], sem))
        copies.append(pltpu.async_copy(mf_hbm.at[midx.at[j]], mrows.at[rsl], sem))
        copies.append(pltpu.async_copy(ub_hbm.at[uidx.at[j]], ubias.at[rsl], sem))
        copies.append(pltpu.async_copy(mb_hbm.at[midx.at[j]], mbias.at[rsl], sem))
    for c in copies:
        c.wait()

    def group_body(g, carry):
        acc = jnp.zeros((_LANES,), jnp.float32)
        for rr in range(_LANES):
            r = g * _LANES + rr
            s = urows[r, pl.ds(0, _LANES)] * mrows[r, pl.ds(0, _LANES)]
            for k in range(1, _D // _LANES):
                s = s + (urows[r, pl.ds(k * _LANES, _LANES)] *
                         mrows[r, pl.ds(k * _LANES, _LANES)])
            acc = jnp.where(lane == rr, jnp.sum(s), acc)
        sl = pl.ds(g * _LANES, _LANES)
        acc = acc + ubias[sl] + mbias[sl]
        res[sl] = _Y_HIGH / (1.0 + jnp.exp(-acc))
        return carry

    lax.fori_loop(0, _BPW // _LANES, group_body, 0)
    pltpu.sync_copy(res, out_hbm.at[pl.ds(base, _BPW)])


@jax.jit
def kernel(x, user_factors, user_bias, movie_factors, movie_bias):
    f = pl.kernel(
        _body,
        out_type=jax.ShapeDtypeStruct((_BATCH,), jnp.float32),
        mesh=plsc.VectorSubcoreMesh(core_axis_name="c", subcore_axis_name="s"),
        compiler_params=pltpu.CompilerParams(
            needs_layout_passes=False, use_tc_tiling_on_sc=False),
        scratch_types=[
            pltpu.VMEM((_BPW * 2,), jnp.int32),
            pltpu.VMEM((_NCHUNK, _CHUNK), jnp.int32),
            pltpu.VMEM((_NCHUNK, _CHUNK), jnp.int32),
            pltpu.VMEM((_BPW, _D), jnp.float32),
            pltpu.VMEM((_BPW, _D), jnp.float32),
            pltpu.VMEM((_BPW,), jnp.float32),
            pltpu.VMEM((_BPW,), jnp.float32),
            pltpu.VMEM((_BPW,), jnp.float32),
            pltpu.SemaphoreType.DMA,
        ],
    )
    out = f(x.reshape(_BATCH * 2), user_factors,
            user_bias.reshape(user_bias.shape[0]), movie_factors,
            movie_bias.reshape(movie_bias.shape[0]))
    return out.reshape(_BATCH, 1)

# --- scband reference (transcript-rebuilt; emitter-appended) ---
"""Pipeline reference for scband-dot-product-bias-24335284699425 (READ-ONLY COPY).

The authoritative reference and input builder live on the scoring server;
editing this copy changes nothing except your own understanding.
"""

import jax, jax.numpy as jnp
import numpy as np

N_USERS = 1000000
N_MOVIES = 1000000
N_FACTORS = 64
BATCH = 16384
Y_LOW = 0.0
Y_HIGH = 5.5


def setup_inputs(seed: int = 0) -> dict:
    key = jax.random.key(seed)
    k_x, k_uf, k_ub, k_mf, k_mb = jax.random.split(key, 5)
    x = jax.random.randint(k_x, (BATCH, 2), 0, N_USERS, dtype=jnp.int64 if jax.config.jax_enable_x64 else jnp.int32).astype(jnp.int32)
    user_factors = jax.random.normal(k_uf, (N_USERS, N_FACTORS), dtype=jnp.float32)
    user_bias = jax.random.normal(k_ub, (N_USERS, 1), dtype=jnp.float32)
    movie_factors = jax.random.normal(k_mf, (N_MOVIES, N_FACTORS), dtype=jnp.float32)
    movie_bias = jax.random.normal(k_mb, (N_MOVIES, 1), dtype=jnp.float32)
    return {
        "x": x,
        "user_factors": user_factors,
        "user_bias": user_bias,
        "movie_factors": movie_factors,
        "movie_bias": movie_bias,
    }


def sigmoid_range(x, low, high):
    return jax.nn.sigmoid(x) * (high - low) + low


def reference(x, user_factors, user_bias, movie_factors, movie_bias):
    users = jnp.take(user_factors, x[:, 0], axis=0)
    movies = jnp.take(movie_factors, x[:, 1], axis=0)
    res = jnp.sum(users * movies, axis=1, keepdims=True)
    res = res + jnp.take(user_bias, x[:, 0], axis=0) + jnp.take(movie_bias, x[:, 1], axis=0)
    return sigmoid_range(res, Y_LOW, Y_HIGH)

if __name__ == "__main__":
    import jax
    _d = setup_inputs()
    print(jax.jit(kernel)(*tuple(_d.values())))

</pallas_src>

<mosaic_0001>
#map = affine_map<(d0, d1) -> (0)>
#map1 = affine_map<(d0, d1) -> (0, 0)>
module attributes {stable_mosaic.version = 14 : i64} {
  func.func @_body(%arg0: i32, %arg1: i32, %arg2: memref<32768xi32, #tpu.memory_space<hbm>>, %arg3: memref<1000000x64xf32, #tpu.memory_space<hbm>>, %arg4: memref<1000000xf32, #tpu.memory_space<hbm>>, %arg5: memref<1000000x64xf32, #tpu.memory_space<hbm>>, %arg6: memref<1000000xf32, #tpu.memory_space<hbm>>, %arg7: memref<16384xf32, #tpu.memory_space<hbm>>, %arg8: memref<1024xi32, #tpu.memory_space<vmem>>, %arg9: memref<4x128xi32, #tpu.memory_space<vmem>>, %arg10: memref<4x128xi32, #tpu.memory_space<vmem>>, %arg11: memref<512x64xf32, #tpu.memory_space<vmem>>, %arg12: memref<512x64xf32, #tpu.memory_space<vmem>>, %arg13: memref<512xf32, #tpu.memory_space<vmem>>, %arg14: memref<512xf32, #tpu.memory_space<vmem>>, %arg15: memref<512xf32, #tpu.memory_space<vmem>>, %arg16: memref<!tpu.dma_semaphore, #tpu.memory_space<semaphore_mem>>) attributes {dimension_semantics = [#tpu.dimension_semantics<core_parallel>, #tpu.dimension_semantics<subcore_parallel>], iteration_bounds = array<i64: 2, 16>, scalar_prefetch = 0 : i64, scratch_operands = 9 : i64, tpu.core_type = #tpu.core_type<sc_vector_subcore>, window_params = [{transform_indices = #map}, {transform_indices = #map1}, {transform_indices = #map}, {transform_indices = #map1}, {transform_indices = #map}, {transform_indices = #map}]} {
    %mul3A = arith.constant 2 : i32
    %mul3A_0 = arith.muli %arg1, %mul3A : i32
    %add3A = arith.addi %mul3A_0, %arg0 : i32
    %mul3A_1 = arith.constant 512 : i32
    %mul3A_2 = arith.muli %add3A, %mul3A_1 : i32
    %mul3A_3 = arith.constant 2 : i32
    %mul3A_4 = arith.muli %mul3A_2, %mul3A_3 : i32
    "tpu.region"() ({
      %run_scoped3A = tpu.sem_alloc : memref<!tpu.dma_semaphore, #tpu.memory_space<semaphore_mem>>
      %dma_start3A_902 = tpu.memref_slice %arg2[%mul3A_4] : memref<32768xi32, #tpu.memory_space<hbm>> -> memref<1024xi32, #tpu.memory_space<hbm>>
      %dma_start3A_903 = tpu.memref_slice %arg2[%mul3A_4] : memref<32768xi32, #tpu.memory_space<hbm>> -> memref<1024xi32, #tpu.memory_space<hbm>>
      tpu.enqueue_dma source(%dma_start3A_903 : memref<1024xi32, #tpu.memory_space<hbm>>) target(%arg8 : memref<1024xi32, #tpu.memory_space<vmem>>) target_semaphore(%run_scoped3A : memref<!tpu.dma_semaphore, #tpu.memory_space<semaphore_mem>>)
      %dma_wait3A_904 = tpu.memref_slice %arg2[%mul3A_4] : memref<32768xi32, #tpu.memory_space<hbm>> -> memref<1024xi32, #tpu.memory_space<hbm>>
      %dma_wait3A_905 = tpu.memref_slice %arg2[%mul3A_4] : memref<32768xi32, #tpu.memory_space<hbm>> -> memref<1024xi32, #tpu.memory_space<hbm>>
      tpu.wait_dma2 semaphore(%run_scoped3A : memref<!tpu.dma_semaphore, #tpu.memory_space<semaphore_mem>>) src(%dma_wait3A_905 : memref<1024xi32, #tpu.memory_space<hbm>>) dst(%arg8 : memref<1024xi32, #tpu.memory_space<vmem>>)
      tpu.yield
    }) : () -> ()
    %iota3A = tpu.iota {dimensions = array<i32: 0>} : vector<16xi32>
    %mul3A_5 = arith.constant 2 : i32
    %mul3A_6 = vector.broadcast %mul3A_5 : i32 to vector<16xi32>
    %mul3A_7 = arith.muli %iota3A, %mul3A_6 : vector<16xi32>
    %add3A_8 = arith.constant 0 : i32
    %add3A_9 = vector.broadcast %add3A_8 : i32 to vector<16xi32>
    %add3A_10 = arith.addi %mul3A_7, %add3A_9 : vector<16xi32>
    %gather3A = tpu.vector_load_idx %arg8[%add3A_10] : memref<1024xi32, #tpu.memory_space<vmem>>[vector<16xi32>], vector<16xi32>,
    %swap3A = arith.constant 0 : i32
    %swap3A_11 = arith.index_cast %swap3A : i32 to index
    %swap3A_12 = arith.constant 0 : index
    %swap3A_13 = tpu.vector_load %arg9[%swap3A_11, %swap3A_12] {strides = array<i32>} : memref<4x128xi32, #tpu.memory_space<vmem>>, vector<16xi32>,
    tpu.vector_store %arg9[%swap3A_11, %swap3A_12], %gather3A {strides = array<i32>} : memref<4x128xi32, #tpu.memory_space<vmem>>, vector<16xi32>,
    %add3A_14 = arith.constant 1 : i32
    %add3A_15 = vector.broadcast %add3A_14 : i32 to vector<16xi32>
    %add3A_16 = arith.addi %add3A_10, %add3A_15 : vector<16xi32>
    %gather3A_17 = tpu.vector_load_idx %arg8[%add3A_16] : memref<1024xi32, #tpu.memory_space<vmem>>[vector<16xi32>], vector<16xi32>,
    %swap3A_18 = arith.constant 0 : i32
    %swap3A_19 = arith.index_cast %swap3A_18 : i32 to index
    %swap3A_20 = arith.constant 0 : index
    %swap3A_21 = tpu.vector_load %arg10[%swap3A_19, %swap3A_20] {strides = array<i32>} : memref<4x128xi32, #tpu.memory_space<vmem>>, vector<16xi32>,
    tpu.vector_store %arg10[%swap3A_19, %swap3A_20], %gather3A_17 {strides = array<i32>} : memref<4x128xi32, #tpu.memory_space<vmem>>, vector<16xi32>,
    %mul3A_22 = arith.constant 2 : i32
    %mul3A_23 = vector.broadcast %mul3A_22 : i32 to vector<16xi32>
    %mul3A_24 = arith.muli %iota3A, %mul3A_23 : vector<16xi32>
    %add3A_25 = arith.constant 32 : i32
    %add3A_26 = vector.broadcast %add3A_25 : i32 to vector<16xi32>
    %add3A_27 = arith.addi %mul3A_24, %add3A_26 : vector<16xi32>
    %gather3A_28 = tpu.vector_load_idx %arg8[%add3A_27] : memref<1024xi32, #tpu.memory_space<vmem>>[vector<16xi32>], vector<16xi32>,
    %swap3A_29 = arith.constant 0 : i32
    %swap3A_30 = arith.index_cast %swap3A_29 : i32 to index
    %swap3A_31 = arith.constant 16 : index
    %swap3A_32 = tpu.vector_load %arg9[%swap3A_30, %swap3A_31] {strides = array<i32>} : memref<4x128xi32, #tpu.memory_space<vmem>>, vector<16xi32>,
    tpu.vector_store %arg9[%swap3A_30, %swap3A_31], %gather3A_28 {strides = array<i32>} : memref<4x128xi32, #tpu.memory_space<vmem>>, vector<16xi32>,
    %add3A_33 = arith.constant 1 : i32
    %add3A_34 = vector.broadcast %add3A_33 : i32 to vector<16xi32>
    %add3A_35 = arith.addi %add3A_27, %add3A_34 : vector<16xi32>
    %gather3A_36 = tpu.vector_load_idx %arg8[%add3A_35] : memref<1024xi32, #tpu.memory_space<vmem>>[vector<16xi32>], vector<16xi32>,
    %swap3A_37 = arith.constant 0 : i32
    %swap3A_38 = arith.index_cast %swap3A_37 : i32 to index
    %swap3A_39 = arith.constant 16 : index
    %swap3A_40 = tpu.vector_load %arg10[%swap3A_38, %swap3A_39] {strides = array<i32>} : memref<4x128xi32, #tpu.memory_space<vmem>>, vector<16xi32>,
    tpu.vector_store %arg10[%swap3A_38, %swap3A_39], %gather3A_36 {strides = array<i32>} : memref<4x128xi32, #tpu.memory_space<vmem>>, vector<16xi32>,
    %mul3A_41 = arith.constant 2 : i32
    %mul3A_42 = vector.broadcast %mul3A_41 : i32 to vector<16xi32>
    %mul3A_43 = arith.muli %iota3A, %mul3A_42 : vector<16xi32>
    %add3A_44 = arith.constant 64 : i32
    %add3A_45 = vector.broadcast %add3A_44 : i32 to vector<16xi32>
    %add3A_46 = arith.addi %mul3A_43, %add3A_45 : vector<16xi32>
    %gather3A_47 = tpu.vector_load_idx %arg8[%add3A_46] : memref<1024xi32, #tpu.memory_space<vmem>>[vector<16xi32>], vector<16xi32>,
    %swap3A_48 = arith.constant 0 : i32
    %swap3A_49 = arith.index_cast %swap3A_48 : i32 to index
    %swap3A_50 = arith.constant 32 : index
    %swap3A_51 = tpu.vector_load %arg9[%swap3A_49, %swap3A_50] {strides = array<i32>} : memref<4x128xi32, #tpu.memory_space<vmem>>, vector<16xi32>,
    tpu.vector_store %arg9[%swap3A_49, %swap3A_50], %gather3A_47 {strides = array<i32>} : memref<4x128xi32, #tpu.memory_space<vmem>>, vector<16xi32>,
    %add3A_52 = arith.constant 1 : i32
    %add3A_53 = vector.broadcast %add3A_52 : i32 to vector<16xi32>
    %add3A_54 = arith.addi %add3A_46, %add3A_53 : vector<16xi32>
    %gather3A_55 = tpu.vector_load_idx %arg8[%add3A_54] : memref<1024xi32, #tpu.memory_space<vmem>>[vector<16xi32>], vector<16xi32>,
    %swap3A_56 = arith.constant 0 : i32
    %swap3A_57 = arith.index_cast %swap3A_56 : i32 to index
    %swap3A_58 = arith.constant 32 : index
    %swap3A_59 = tpu.vector_load %arg10[%swap3A_57, %swap3A_58] {strides = array<i32>} : memref<4x128xi32, #tpu.memory_space<vmem>>, vector<16xi32>,
    tpu.vector_store %arg10[%swap3A_57, %swap3A_58], %gather3A_55 {strides = array<i32>} : memref<4x128xi32, #tpu.memory_space<vmem>>, vector<16xi32>,
    %mul3A_60 = arith.constant 2 : i32
    %mul3A_61 = vector.broadcast %mul3A_60 : i32 to vector<16xi32>
    %mul3A_62 = arith.muli %iota3A, %mul3A_61 : vector<16xi32>
    %add3A_63 = arith.constant 96 : i32
    %add3A_64 = vector.broadcast %add3A_63 : i32 to vector<16xi32>
    %add3A_65 = arith.addi %mul3A_62, %add3A_64 : vector<16xi32>
    %gather3A_66 = tpu.vector_load_idx %arg8[%add3A_65] : memref<1024xi32, #tpu.memory_space<vmem>>[vector<16xi32>], vector<16xi32>,
    %swap3A_67 = arith.constant 0 : i32
    %swap3A_68 = arith.index_cast %swap3A_67 : i32 to index
    %swap3A_69 = arith.constant 48 : index
    %swap3A_70 = tpu.vector_load %arg9[%swap3A_68, %swap3A_69] {strides = array<i32>} : memref<4x128xi32, #tpu.memory_space<vmem>>, vector<16xi32>,
    tpu.vector_store %arg9[%swap3A_68, %swap3A_69], %gather3A_66 {strides = array<i32>} : memref<4x128xi32, #tpu.memory_space<vmem>>, vector<16xi32>,
    %add3A_71 = arith.constant 1 : i32
    %add3A_72 = vector.broadcast %add3A_71 : i32 to vector<16xi32>
    %add3A_73 = arith.addi %add3A_65, %add3A_72 : vector<16xi32>
    %gather3A_74 = tpu.vector_load_idx %arg8[%add3A_73] : memref<1024xi32, #tpu.memory_space<vmem>>[vector<16xi32>], vector<16xi32>,
    %swap3A_75 = arith.constant 0 : i32
    %swap3A_76 = arith.index_cast %swap3A_75 : i32 to index
    %swap3A_77 = arith.constant 48 : index
    %swap3A_78 = tpu.vector_load %arg10[%swap3A_76, %swap3A_77] {strides = array<i32>} : memref<4x128xi32, #tpu.memory_space<vmem>>, vector<16xi32>,
    tpu.vector_store %arg10[%swap3A_76, %swap3A_77], %gather3A_74 {strides = array<i32>} : memref<4x128xi32, #tpu.memory_space<vmem>>, vector<16xi32>,
    %mul3A_79 = arith.constant 2 : i32
    %mul3A_80 = vector.broadcast %mul3A_79 : i32 to vector<16xi32>
    %mul3A_81 = arith.muli %iota3A, %mul3A_80 : vector<16xi32>
    %add3A_82 = arith.constant 128 : i32
    %add3A_83 = vector.broadcast %add3A_82 : i32 to vector<16xi32>
    %add3A_84 = arith.addi %mul3A_81, %add3A_83 : vector<16xi32>
    %gather3A_85 = tpu.vector_load_idx %arg8[%add3A_84] : memref<1024xi32, #tpu.memory_space<vmem>>[vector<16xi32>], vector<16xi32>,
    %swap3A_86 = arith.constant 0 : i32
    %swap3A_87 = arith.index_cast %swap3A_86 : i32 to index
    %swap3A_88 = arith.constant 64 : index
    %swap3A_89 = tpu.vector_load %arg9[%swap3A_87, %swap3A_88] {strides = array<i32>} : memref<4x128xi32, #tpu.memory_space<vmem>>, vector<16xi32>,
    tpu.vector_store %arg9[%swap3A_87, %swap3A_88], %gather3A_85 {strides = array<i32>} : memref<4x128xi32, #tpu.memory_space<vmem>>, vector<16xi32>,
    %add3A_90 = arith.constant 1 : i32
    %add3A_91 = vector.broadcast %add3A_90 : i32 to vector<16xi32>
    %add3A_92 = arith.addi %add3A_84, %add3A_91 : vector<16xi32>
    %gather3A_93 = tpu.vector_load_idx %arg8[%add3A_92] : memref<1024xi32, #tpu.memory_space<vmem>>[vector<16xi32>], vector<16xi32>,
    %swap3A_94 = arith.constant 0 : i32
    %swap3A_95 = arith.index_cast %swap3A_94 : i32 to index
    %swap3A_96 = arith.constant 64 : index
    %swap3A_97 = tpu.vector_load %arg10[%swap3A_95, %swap3A_96] {strides = array<i32>} : memref<4x128xi32, #tpu.memory_space<vmem>>, vector<16xi32>,
    tpu.vector_store %arg10[%swap3A_95, %swap3A_96], %gather3A_93 {strides = array<i32>} : memref<4x128xi32, #tpu.memory_space<vmem>>, vector<16xi32>,
    %mul3A_98 = arith.constant 2 : i32
    %mul3A_99 = vector.broadcast %mul3A_98 : i32 to vector<16xi32>
    %mul3A_100 = arith.muli %iota3A, %mul3A_99 : vector<16xi32>
    %add3A_101 = arith.constant 160 : i32
    %add3A_102 = vector.broadcast %add3A_101 : i32 to vector<16xi32>
    %add3A_103 = arith.addi %mul3A_100, %add3A_102 : vector<16xi32>
    %gather3A_104 = tpu.vector_load_idx %arg8[%add3A_103] : memref<1024xi32, #tpu.memory_space<vmem>>[vector<16xi32>], vector<16xi32>,
    %swap3A_105 = arith.constant 0 : i32
    %swap3A_106 = arith.index_cast %swap3A_105 : i32 to index
    %swap3A_107 = arith.constant 80 : index
    %swap3A_108 = tpu.vector_load %arg9[%swap3A_106, %swap3A_107] {strides = array<i32>} : memref<4x128xi32, #tpu.memory_space<vmem>>, vector<16xi32>,
    tpu.vector_store %arg9[%swap3A_106, %swap3A_107], %gather3A_104 {strides = array<i32>} : memref<4x128xi32, #tpu.memory_space<vmem>>, vector<16xi32>,
    %add3A_109 = arith.constant 1 : i32
    %add3A_110 = vector.broadcast %add3A_109 : i32 to vector<16xi32>
    %add3A_111 = arith.addi %add3A_103, %add3A_110 : vector<16xi32>
    %gather3A_112 = tpu.vector_load_idx %arg8[%add3A_111] : memref<1024xi32, #tpu.memory_space<vmem>>[vector<16xi32>], vector<16xi32>,
    %swap3A_113 = arith.constant 0 : i32
    %swap3A_114 = arith.index_cast %swap3A_113 : i32 to index
    %swap3A_115 = arith.constant 80 : index
    %swap3A_116 = tpu.vector_load %arg10[%swap3A_114, %swap3A_115] {strides = array<i32>} : memref<4x128xi32, #tpu.memory_space<vmem>>, vector<16xi32>,
    tpu.vector_store %arg10[%swap3A_114, %swap3A_115], %gather3A_112 {strides = array<i32>} : memref<4x128xi32, #tpu.memory_space<vmem>>, vector<16xi32>,
    %mul3A_117 = arith.constant 2 : i32
    %mul3A_118 = vector.broadcast %mul3A_117 : i32 to vector<16xi32>
    %mul3A_119 = arith.muli %iota3A, %mul3A_118 : vector<16xi32>
    %add3A_120 = arith.constant 192 : i32
    %add3A_121 = vector.broadcast %add3A_120 : i32 to vector<16xi32>
    %add3A_122 = arith.addi %mul3A_119, %add3A_121 : vector<16xi32>
    %gather3A_123 = tpu.vector_load_idx %arg8[%add3A_122] : memref<1024xi32, #tpu.memory_space<vmem>>[vector<16xi32>], vector<16xi32>,
    %swap3A_124 = arith.constant 0 : i32
    %swap3A_125 = arith.index_cast %swap3A_124 : i32 to index
    %swap3A_126 = arith.constant 96 : index
    %swap3A_127 = tpu.vector_load %arg9[%swap3A_125, %swap3A_126] {strides = array<i32>} : memref<4x128xi32, #tpu.memory_space<vmem>>, vector<16xi32>,
    tpu.vector_store %arg9[%swap3A_125, %swap3A_126], %gather3A_123 {strides = array<i32>} : memref<4x128xi32, #tpu.memory_space<vmem>>, vector<16xi32>,
    %add3A_128 = arith.constant 1 : i32
    %add3A_129 = vector.broadcast %add3A_128 : i32 to vector<16xi32>
    %add3A_130 = arith.addi %add3A_122, %add3A_129 : vector<16xi32>
    %gather3A_131 = tpu.vector_load_idx %arg8[%add3A_130] : memref<1024xi32, #tpu.memory_space<vmem>>[vector<16xi32>], vector<16xi32>,
    %swap3A_132 = arith.constant 0 : i32
    %swap3A_133 = arith.index_cast %swap3A_132 : i32 to index
    %swap3A_134 = arith.constant 96 : index
    %swap3A_135 = tpu.vector_load %arg10[%swap3A_133, %swap3A_134] {strides = array<i32>} : memref<4x128xi32, #tpu.memory_space<vmem>>, vector<16xi32>,
    tpu.vector_store %arg10[%swap3A_133, %swap3A_134], %gather3A_131 {strides = array<i32>} : memref<4x128xi32, #tpu.memory_space<vmem>>, vector<16xi32>,
    %mul3A_136 = arith.constant 2 : i32
    %mul3A_137 = vector.broadcast %mul3A_136 : i32 to vector<16xi32>
    %mul3A_138 = arith.muli %iota3A, %mul3A_137 : vector<16xi32>
    %add3A_139 = arith.constant 224 : i32
    %add3A_140 = vector.broadcast %add3A_139 : i32 to vector<16xi32>
    %add3A_141 = arith.addi %mul3A_138, %add3A_140 : vector<16xi32>
    %gather3A_142 = tpu.vector_load_idx %arg8[%add3A_141] : memref<1024xi32, #tpu.memory_space<vmem>>[vector<16xi32>], vector<16xi32>,
    %swap3A_143 = arith.constant 0 : i32
    %swap3A_144 = arith.index_cast %swap3A_143 : i32 to index
    %swap3A_145 = arith.constant 112 : index
    %swap3A_146 = tpu.vector_load %arg9[%swap3A_144, %swap3A_145] {strides = array<i32>} : memref<4x128xi32, #tpu.memory_space<vmem>>, vector<16xi32>,
    tpu.vector_store %arg9[%swap3A_144, %swap3A_145], %gather3A_142 {strides = array<i32>} : memref<4x128xi32, #tpu.memory_space<vmem>>, vector<16xi32>,
    %add3A_147 = arith.constant 1 : i32
    %add3A_148 = vector.broadcast %add3A_147 : i32 to vector<16xi32>
    %add3A_149 = arith.addi %add3A_141, %add3A_148 : vector<16xi32>
    %gather3A_150 = tpu.vector_load_idx %arg8[%add3A_149] : memref<1024xi32, #tpu.memory_space<vmem>>[vector<16xi32>], vector<16xi32>,
    %swap3A_151 = arith.constant 0 : i32
    %swap3A_152 = arith.index_cast %swap3A_151 : i32 to index
    %swap3A_153 = arith.constant 112 : index
    %swap3A_154 = tpu.vector_load %arg10[%swap3A_152, %swap3A_153] {strides = array<i32>} : memref<4x128xi32, #tpu.memory_space<vmem>>, vector<16xi32>,
    tpu.vector_store %arg10[%swap3A_152, %swap3A_153], %gather3A_150 {strides = array<i32>} : memref<4x128xi32, #tpu.memory_space<vmem>>, vector<16xi32>,
    %mul3A_155 = arith.constant 2 : i32
    %mul3A_156 = vector.broadcast %mul3A_155 : i32 to vector<16xi32>
    %mul3A_157 = arith.muli %iota3A, %mul3A_156 : vector<16xi32>
    %add3A_158 = arith.constant 256 : i32
    %add3A_159 = vector.broadcast %add3A_158 : i32 to vector<16xi32>
    %add3A_160 = arith.addi %mul3A_157, %add3A_159 : vector<16xi32>
    %gather3A_161 = tpu.vector_load_idx %arg8[%add3A_160] : memref<1024xi32, #tpu.memory_space<vmem>>[vector<16xi32>], vector<16xi32>,
    %swap3A_162 = arith.constant 1 : i32
    %swap3A_163 = arith.index_cast %swap3A_162 : i32 to index
    %swap3A_164 = arith.constant 0 : index
    %swap3A_165 = tpu.vector_load %arg9[%swap3A_163, %swap3A_164] {strides = array<i32>} : memref<4x128xi32, #tpu.memory_space<vmem>>, vector<16xi32>,
    tpu.vector_store %arg9[%swap3A_163, %swap3A_164], %gather3A_161 {strides = array<i32>} : memref<4x128xi32, #tpu.memory_space<vmem>>, vector<16xi32>,
    %add3A_166 = arith.constant 1 : i32
    %add3A_167 = vector.broadcast %add3A_166 : i32 to vector<16xi32>
    %add3A_168 = arith.addi %add3A_160, %add3A_167 : vector<16xi32>
    %gather3A_169 = tpu.vector_load_idx %arg8[%add3A_168] : memref<1024xi32, #tpu.memory_space<vmem>>[vector<16xi32>], vector<16xi32>,
    %swap3A_170 = arith.constant 1 : i32
    %swap3A_171 = arith.index_cast %swap3A_170 : i32 to index
    %swap3A_172 = arith.constant 0 : index
    %swap3A_173 = tpu.vector_load %arg10[%swap3A_171, %swap3A_172] {strides = array<i32>} : memref<4x128xi32, #tpu.memory_space<vmem>>, vector<16xi32>,
    tpu.vector_store %arg10[%swap3A_171, %swap3A_172], %gather3A_169 {strides = array<i32>} : memref<4x128xi32, #tpu.memory_space<vmem>>, vector<16xi32>,
    %mul3A_174 = arith.constant 2 : i32
    %mul3A_175 = vector.broadcast %mul3A_174 : i32 to vector<16xi32>
    %mul3A_176 = arith.muli %iota3A, %mul3A_175 : vector<16xi32>
    %add3A_177 = arith.constant 288 : i32
    %add3A_178 = vector.broadcast %add3A_177 : i32 to vector<16xi32>
    %add3A_179 = arith.addi %mul3A_176, %add3A_178 : vector<16xi32>
    %gather3A_180 = tpu.vector_load_idx %arg8[%add3A_179] : memref<1024xi32, #tpu.memory_space<vmem>>[vector<16xi32>], vector<16xi32>,
    %swap3A_181 = arith.constant 1 : i32
    %swap3A_182 = arith.index_cast %swap3A_181 : i32 to index
    %swap3A_183 = arith.constant 16 : index
    %swap3A_184 = tpu.vector_load %arg9[%swap3A_182, %swap3A_183] {strides = array<i32>} : memref<4x128xi32, #tpu.memory_space<vmem>>, vector<16xi32>,
    tpu.vector_store %arg9[%swap3A_182, %swap3A_183], %gather3A_180 {strides = array<i32>} : memref<4x128xi32, #tpu.memory_space<vmem>>, vector<16xi32>,
    %add3A_185 = arith.constant 1 : i32
    %add3A_186 = vector.broadcast %add3A_185 : i32 to vector<16xi32>
    %add3A_187 = arith.addi %add3A_179, %add3A_186 : vector<16xi32>
    %gather3A_188 = tpu.vector_load_idx %arg8[%add3A_187] : memref<1024xi32, #tpu.memory_space<vmem>>[vector<16xi32>], vector<16xi32>,
    %swap3A_189 = arith.constant 1 : i32
    %swap3A_190 = arith.index_cast %swap3A_189 : i32 to index
    %swap3A_191 = arith.constant 16 : index
    %swap3A_192 = tpu.vector_load %arg10[%swap3A_190, %swap3A_191] {strides = array<i32>} : memref<4x128xi32, #tpu.memory_space<vmem>>, vector<16xi32>,
    tpu.vector_store %arg10[%swap3A_190, %swap3A_191], %gather3A_188 {strides = array<i32>} : memref<4x128xi32, #tpu.memory_space<vmem>>, vector<16xi32>,
    %mul3A_193 = arith.constant 2 : i32
    %mul3A_194 = vector.broadcast %mul3A_193 : i32 to vector<16xi32>
    %mul3A_195 = arith.muli %iota3A, %mul3A_194 : vector<16xi32>
    %add3A_196 = arith.constant 320 : i32
    %add3A_197 = vector.broadcast %add3A_196 : i32 to vector<16xi32>
    %add3A_198 = arith.addi %mul3A_195, %add3A_197 : vector<16xi32>
    %gather3A_199 = tpu.vector_load_idx %arg8[%add3A_198] : memref<1024xi32, #tpu.memory_space<vmem>>[vector<16xi32>], vector<16xi32>,
    %swap3A_200 = arith.constant 1 : i32
    %swap3A_201 = arith.index_cast %swap3A_200 : i32 to index
    %swap3A_202 = arith.constant 32 : index
    %swap3A_203 = tpu.vector_load %arg9[%swap3A_201, %swap3A_202] {strides = array<i32>} : memref<4x128xi32, #tpu.memory_space<vmem>>, vector<16xi32>,
    tpu.vector_store %arg9[%swap3A_201, %swap3A_202], %gather3A_199 {strides = array<i32>} : memref<4x128xi32, #tpu.memory_space<vmem>>, vector<16xi32>,
    %add3A_204 = arith.constant 1 : i32
    %add3A_205 = vector.broadcast %add3A_204 : i32 to vector<16xi32>
    %add3A_206 = arith.addi %add3A_198, %add3A_205 : vector<16xi32>
    %gather3A_207 = tpu.vector_load_idx %arg8[%add3A_206] : memref<1024xi32, #tpu.memory_space<vmem>>[vector<16xi32>], vector<16xi32>,
    %swap3A_208 = arith.constant 1 : i32
    %swap3A_209 = arith.index_cast %swap3A_208 : i32 to index
    %swap3A_210 = arith.constant 32 : index
    %swap3A_211 = tpu.vector_load %arg10[%swap3A_209, %swap3A_210] {strides = array<i32>} : memref<4x128xi32, #tpu.memory_space<vmem>>, vector<16xi32>,
    tpu.vector_store %arg10[%swap3A_209, %swap3A_210], %gather3A_207 {strides = array<i32>} : memref<4x128xi32, #tpu.memory_space<vmem>>, vector<16xi32>,
    %mul3A_212 = arith.constant 2 : i32
    %mul3A_213 = vector.broadcast %mul3A_212 : i32 to vector<16xi32>
    %mul3A_214 = arith.muli %iota3A, %mul3A_213 : vector<16xi32>
    %add3A_215 = arith.constant 352 : i32
    %add3A_216 = vector.broadcast %add3A_215 : i32 to vector<16xi32>
    %add3A_217 = arith.addi %mul3A_214, %add3A_216 : vector<16xi32>
    %gather3A_218 = tpu.vector_load_idx %arg8[%add3A_217] : memref<1024xi32, #tpu.memory_space<vmem>>[vector<16xi32>], vector<16xi32>,
    %swap3A_219 = arith.constant 1 : i32
    %swap3A_220 = arith.index_cast %swap3A_219 : i32 to index
    %swap3A_221 = arith.constant 48 : index
    %swap3A_222 = tpu.vector_load %arg9[%swap3A_220, %swap3A_221] {strides = array<i32>} : memref<4x128xi32, #tpu.memory_space<vmem>>, vector<16xi32>,
    tpu.vector_store %arg9[%swap3A_220, %swap3A_221], %gather3A_218 {strides = array<i32>} : memref<4x128xi32, #tpu.memory_space<vmem>>, vector<16xi32>,
    %add3A_223 = arith.constant 1 : i32
    %add3A_224 = vector.broadcast %add3A_223 : i32 to vector<16xi32>
    %add3A_225 = arith.addi %add3A_217, %add3A_224 : vector<16xi32>
    %gather3A_226 = tpu.vector_load_idx %arg8[%add3A_225] : memref<1024xi32, #tpu.memory_space<vmem>>[vector<16xi32>], vector<16xi32>,
    %swap3A_227 = arith.constant 1 : i32
    %swap3A_228 = arith.index_cast %swap3A_227 : i32 to index
    %swap3A_229 = arith.constant 48 : index
    %swap3A_230 = tpu.vector_load %arg10[%swap3A_228, %swap3A_229] {strides = array<i32>} : memref<4x128xi32, #tpu.memory_space<vmem>>, vector<16xi32>,
    tpu.vector_store %arg10[%swap3A_228, %swap3A_229], %gather3A_226 {strides = array<i32>} : memref<4x128xi32, #tpu.memory_space<vmem>>, vector<16xi32>,
    %mul3A_231 = arith.constant 2 : i32
    %mul3A_232 = vector.broadcast %mul3A_231 : i32 to vector<16xi32>
    %mul3A_233 = arith.muli %iota3A, %mul3A_232 : vector<16xi32>
    %add3A_234 = arith.constant 384 : i32
    %add3A_235 = vector.broadcast %add3A_234 : i32 to vector<16xi32>
    %add3A_236 = arith.addi %mul3A_233, %add3A_235 : vector<16xi32>
    %gather3A_237 = tpu.vector_load_idx %arg8[%add3A_236] : memref<1024xi32, #tpu.memory_space<vmem>>[vector<16xi32>], vector<16xi32>,
    %swap3A_238 = arith.constant 1 : i32
    %swap3A_239 = arith.index_cast %swap3A_238 : i32 to index
    %swap3A_240 = arith.constant 64 : index
    %swap3A_241 = tpu.vector_load %arg9[%swap3A_239, %swap3A_240] {strides = array<i32>} : memref<4x128xi32, #tpu.memory_space<vmem>>, vector<16xi32>,
    tpu.vector_store %arg9[%swap3A_239, %swap3A_240], %gather3A_237 {strides = array<i32>} : memref<4x128xi32, #tpu.memory_space<vmem>>, vector<16xi32>,
    %add3A_242 = arith.constant 1 : i32
    %add3A_243 = vector.broadcast %add3A_242 : i32 to vector<16xi32>
    %add3A_244 = arith.addi %add3A_236, %add3A_243 : vector<16xi32>
    %gather3A_245 = tpu.vector_load_idx %arg8[%add3A_244] : memref<1024xi32, #tpu.memory_space<vmem>>[vector<16xi32>], vector<16xi32>,
    %swap3A_246 = arith.constant 1 : i32
    %swap3A_247 = arith.index_cast %swap3A_246 : i32 to index
    %swap3A_248 = arith.constant 64 : index
    %swap3A_249 = tpu.vector_load %arg10[%swap3A_247, %swap3A_248] {strides = array<i32>} : memref<4x128xi32, #tpu.memory_space<vmem>>, vector<16xi32>,
    tpu.vector_store %arg10[%swap3A_247, %swap3A_248], %gather3A_245 {strides = array<i32>} : memref<4x128xi32, #tpu.memory_space<vmem>>, vector<16xi32>,
    %mul3A_250 = arith.constant 2 : i32
    %mul3A_251 = vector.broadcast %mul3A_250 : i32 to vector<16xi32>
    %mul3A_252 = arith.muli %iota3A, %mul3A_251 : vector<16xi32>
    %add3A_253 = arith.constant 416 : i32
    %add3A_254 = vector.broadcast %add3A_253 : i32 to vector<16xi32>
    %add3A_255 = arith.addi %mul3A_252, %add3A_254 : vector<16xi32>
    %gather3A_256 = tpu.vector_load_idx %arg8[%add3A_255] : memref<1024xi32, #tpu.memory_space<vmem>>[vector<16xi32>], vector<16xi32>,
    %swap3A_257 = arith.constant 1 : i32
    %swap3A_258 = arith.index_cast %swap3A_257 : i32 to index
    %swap3A_259 = arith.constant 80 : index
    %swap3A_260 = tpu.vector_load %arg9[%swap3A_258, %swap3A_259] {strides = array<i32>} : memref<4x128xi32, #tpu.memory_space<vmem>>, vector<16xi32>,
    tpu.vector_store %arg9[%swap3A_258, %swap3A_259], %gather3A_256 {strides = array<i32>} : memref<4x128xi32, #tpu.memory_space<vmem>>, vector<16xi32>,
    %add3A_261 = arith.constant 1 : i32
    %add3A_262 = vector.broadcast %add3A_261 : i32 to vector<16xi32>
    %add3A_263 = arith.addi %add3A_255, %add3A_262 : vector<16xi32>
    %gather3A_264 = tpu.vector_load_idx %arg8[%add3A_263] : memref<1024xi32, #tpu.memory_space<vmem>>[vector<16xi32>], vector<16xi32>,
    %swap3A_265 = arith.constant 1 : i32
    %swap3A_266 = arith.index_cast %swap3A_265 : i32 to index
    %swap3A_267 = arith.constant 80 : index
    %swap3A_268 = tpu.vector_load %arg10[%swap3A_266, %swap3A_267] {strides = array<i32>} : memref<4x128xi32, #tpu.memory_space<vmem>>, vector<16xi32>,
    tpu.vector_store %arg10[%swap3A_266, %swap3A_267], %gather3A_264 {strides = array<i32>} : memref<4x128xi32, #tpu.memory_space<vmem>>, vector<16xi32>,
    %mul3A_269 = arith.constant 2 : i32
    %mul3A_270 = vector.broadcast %mul3A_269 : i32 to vector<16xi32>
    %mul3A_271 = arith.muli %iota3A, %mul3A_270 : vector<16xi32>
    %add3A_272 = arith.constant 448 : i32
    %add3A_273 = vector.broadcast %add3A_272 : i32 to vector<16xi32>
    %add3A_274 = arith.addi %mul3A_271, %add3A_273 : vector<16xi32>
    %gather3A_275 = tpu.vector_load_idx %arg8[%add3A_274] : memref<1024xi32, #tpu.memory_space<vmem>>[vector<16xi32>], vector<16xi32>,
    %swap3A_276 = arith.constant 1 : i32
    %swap3A_277 = arith.index_cast %swap3A_276 : i32 to index
    %swap3A_278 = arith.constant 96 : index
    %swap3A_279 = tpu.vector_load %arg9[%swap3A_277, %swap3A_278] {strides = array<i32>} : memref<4x128xi32, #tpu.memory_space<vmem>>, vector<16xi32>,
    tpu.vector_store %arg9[%swap3A_277, %swap3A_278], %gather3A_275 {strides = array<i32>} : memref<4x128xi32, #tpu.memory_space<vmem>>, vector<16xi32>,
    %add3A_280 = arith.constant 1 : i32
    %add3A_281 = vector.broadcast %add3A_280 : i32 to vector<16xi32>
    %add3A_282 = arith.addi %add3A_274, %add3A_281 : vector<16xi32>
    %gather3A_283 = tpu.vector_load_idx %arg8[%add3A_282] : memref<1024xi32, #tpu.memory_space<vmem>>[vector<16xi32>], vector<16xi32>,
    %swap3A_284 = arith.constant 1 : i32
    %swap3A_285 = arith.index_cast %swap3A_284 : i32 to index
    %swap3A_286 = arith.constant 96 : index
    %swap3A_287 = tpu.vector_load %arg10[%swap3A_285, %swap3A_286] {strides = array<i32>} : memref<4x128xi32, #tpu.memory_space<vmem>>, vector<16xi32>,
    tpu.vector_store %arg10[%swap3A_285, %swap3A_286], %gather3A_283 {strides = array<i32>} : memref<4x128xi32, #tpu.memory_space<vmem>>, vector<16xi32>,
    %mul3A_288 = arith.constant 2 : i32
    %mul3A_289 = vector.broadcast %mul3A_288 : i32 to vector<16xi32>
    %mul3A_290 = arith.muli %iota3A, %mul3A_289 : vector<16xi32>
    %add3A_291 = arith.constant 480 : i32
    %add3A_292 = vector.broadcast %add3A_291 : i32 to vector<16xi32>
    %add3A_293 = arith.addi %mul3A_290, %add3A_292 : vector<16xi32>
    %gather3A_294 = tpu.vector_load_idx %arg8[%add3A_293] : memref<1024xi32, #tpu.memory_space<vmem>>[vector<16xi32>], vector<16xi32>,
    %swap3A_295 = arith.constant 1 : i32
    %swap3A_296 = arith.index_cast %swap3A_295 : i32 to index
    %swap3A_297 = arith.constant 112 : index
    %swap3A_298 = tpu.vector_load %arg9[%swap3A_296, %swap3A_297] {strides = array<i32>} : memref<4x128xi32, #tpu.memory_space<vmem>>, vector<16xi32>,
    tpu.vector_store %arg9[%swap3A_296, %swap3A_297], %gather3A_294 {strides = array<i32>} : memref<4x128xi32, #tpu.memory_space<vmem>>, vector<16xi32>,
    %add3A_299 = arith.constant 1 : i32
    %add3A_300 = vector.broadcast %add3A_299 : i32 to vector<16xi32>
    %add3A_301 = arith.addi %add3A_293, %add3A_300 : vector<16xi32>
    %gather3A_302 = tpu.vector_load_idx %arg8[%add3A_301] : memref<1024xi32, #tpu.memory_space<vmem>>[vector<16xi32>], vector<16xi32>,
    %swap3A_303 = arith.constant 1 : i32
    %swap3A_304 = arith.index_cast %swap3A_303 : i32 to index
    %swap3A_305 = arith.constant 112 : index
    %swap3A_306 = tpu.vector_load %arg10[%swap3A_304, %swap3A_305] {strides = array<i32>} : memref<4x128xi32, #tpu.memory_space<vmem>>, vector<16xi32>,
    tpu.vector_store %arg10[%swap3A_304, %swap3A_305], %gather3A_302 {strides = array<i32>} : memref<4x128xi32, #tpu.memory_space<vmem>>, vector<16xi32>,
    %mul3A_307 = arith.constant 2 : i32
    %mul3A_308 = vector.broadcast %mul3A_307 : i32 to vector<16xi32>
    %mul3A_309 = arith.muli %iota3A, %mul3A_308 : vector<16xi32>
    %add3A_310 = arith.constant 512 : i32
    %add3A_311 = vector.broadcast %add3A_310 : i32 to vector<16xi32>
    %add3A_312 = arith.addi %mul3A_309, %add3A_311 : vector<16xi32>
    %gather3A_313 = tpu.vector_load_idx %arg8[%add3A_312] : memref<1024xi32, #tpu.memory_space<vmem>>[vector<16xi32>], vector<16xi32>,
    %swap3A_314 = arith.constant 2 : i32
    %swap3A_315 = arith.index_cast %swap3A_314 : i32 to index
    %swap3A_316 = arith.constant 0 : index
    %swap3A_317 = tpu.vector_load %arg9[%swap3A_315, %swap3A_316] {strides = array<i32>} : memref<4x128xi32, #tpu.memory_space<vmem>>, vector<16xi32>,
    tpu.vector_store %arg9[%swap3A_315, %swap3A_316], %gather3A_313 {strides = array<i32>} : memref<4x128xi32, #tpu.memory_space<vmem>>, vector<16xi32>,
    %add3A_318 = arith.constant 1 : i32
    %add3A_319 = vector.broadcast %add3A_318 : i32 to vector<16xi32>
    %add3A_320 = arith.addi %add3A_312, %add3A_319 : vector<16xi32>
    %gather3A_321 = tpu.vector_load_idx %arg8[%add3A_320] : memref<1024xi32, #tpu.memory_space<vmem>>[vector<16xi32>], vector<16xi32>,
    %swap3A_322 = arith.constant 2 : i32
    %swap3A_323 = arith.index_cast %swap3A_322 : i32 to index
    %swap3A_324 = arith.constant 0 : index
    %swap3A_325 = tpu.vector_load %arg10[%swap3A_323, %swap3A_324] {strides = array<i32>} : memref<4x128xi32, #tpu.memory_space<vmem>>, vector<16xi32>,
    tpu.vector_store %arg10[%swap3A_323, %swap3A_324], %gather3A_321 {strides = array<i32>} : memref<4x128xi32, #tpu.memory_space<vmem>>, vector<16xi32>,
    %mul3A_326 = arith.constant 2 : i32
    %mul3A_327 = vector.broadcast %mul3A_326 : i32 to vector<16xi32>
    %mul3A_328 = arith.muli %iota3A, %mul3A_327 : vector<16xi32>
    %add3A_329 = arith.constant 544 : i32
    %add3A_330 = vector.broadcast %add3A_329 : i32 to vector<16xi32>
    %add3A_331 = arith.addi %mul3A_328, %add3A_330 : vector<16xi32>
    %gather3A_332 = tpu.vector_load_idx %arg8[%add3A_331] : memref<1024xi32, #tpu.memory_space<vmem>>[vector<16xi32>], vector<16xi32>,
    %swap3A_333 = arith.constant 2 : i32
    %swap3A_334 = arith.index_cast %swap3A_333 : i32 to index
    %swap3A_335 = arith.constant 16 : index
    %swap3A_336 = tpu.vector_load %arg9[%swap3A_334, %swap3A_335] {strides = array<i32>} : memref<4x128xi32, #tpu.memory_space<vmem>>, vector<16xi32>,
    tpu.vector_store %arg9[%swap3A_334, %swap3A_335], %gather3A_332 {strides = array<i32>} : memref<4x128xi32, #tpu.memory_space<vmem>>, vector<16xi32>,
    %add3A_337 = arith.constant 1 : i32
    %add3A_338 = vector.broadcast %add3A_337 : i32 to vector<16xi32>
    %add3A_339 = arith.addi %add3A_331, %add3A_338 : vector<16xi32>
    %gather3A_340 = tpu.vector_load_idx %arg8[%add3A_339] : memref<1024xi32, #tpu.memory_space<vmem>>[vector<16xi32>], vector<16xi32>,
    %swap3A_341 = arith.constant 2 : i32
    %swap3A_342 = arith.index_cast %swap3A_341 : i32 to index
    %swap3A_343 = arith.constant 16 : index
    %swap3A_344 = tpu.vector_load %arg10[%swap3A_342, %swap3A_343] {strides = array<i32>} : memref<4x128xi32, #tpu.memory_space<vmem>>, vector<16xi32>,
    tpu.vector_store %arg10[%swap3A_342, %swap3A_343], %gather3A_340 {strides = array<i32>} : memref<4x128xi32, #tpu.memory_space<vmem>>, vector<16xi32>,
    %mul3A_345 = arith.constant 2 : i32
    %mul3A_346 = vector.broadcast %mul3A_345 : i32 to vector<16xi32>
    %mul3A_347 = arith.muli %iota3A, %mul3A_346 : vector<16xi32>
    %add3A_348 = arith.constant 576 : i32
    %add3A_349 = vector.broadcast %add3A_348 : i32 to vector<16xi32>
    %add3A_350 = arith.addi %mul3A_347, %add3A_349 : vector<16xi32>
    %gather3A_351 = tpu.vector_load_idx %arg8[%add3A_350] : memref<1024xi32, #tpu.memory_space<vmem>>[vector<16xi32>], vector<16xi32>,
    %swap3A_352 = arith.constant 2 : i32
    %swap3A_353 = arith.index_cast %swap3A_352 : i32 to index
    %swap3A_354 = arith.constant 32 : index
    %swap3A_355 = tpu.vector_load %arg9[%swap3A_353, %swap3A_354] {strides = array<i32>} : memref<4x128xi32, #tpu.memory_space<vmem>>, vector<16xi32>,
    tpu.vector_store %arg9[%swap3A_353, %swap3A_354], %gather3A_351 {strides = array<i32>} : memref<4x128xi32, #tpu.memory_space<vmem>>, vector<16xi32>,
    %add3A_356 = arith.constant 1 : i32
    %add3A_357 = vector.broadcast %add3A_356 : i32 to vector<16xi32>
    %add3A_358 = arith.addi %add3A_350, %add3A_357 : vector<16xi32>
    %gather3A_359 = tpu.vector_load_idx %arg8[%add3A_358] : memref<1024xi32, #tpu.memory_space<vmem>>[vector<16xi32>], vector<16xi32>,
    %swap3A_360 = arith.constant 2 : i32
    %swap3A_361 = arith.index_cast %swap3A_360 : i32 to index
    %swap3A_362 = arith.constant 32 : index
    %swap3A_363 = tpu.vector_load %arg10[%swap3A_361, %swap3A_362] {strides = array<i32>} : memref<4x128xi32, #tpu.memory_space<vmem>>, vector<16xi32>,
    tpu.vector_store %arg10[%swap3A_361, %swap3A_362], %gather3A_359 {strides = array<i32>} : memref<4x128xi32, #tpu.memory_space<vmem>>, vector<16xi32>,
    %mul3A_364 = arith.constant 2 : i32
    %mul3A_365 = vector.broadcast %mul3A_364 : i32 to vector<16xi32>
    %mul3A_366 = arith.muli %iota3A, %mul3A_365 : vector<16xi32>
    %add3A_367 = arith.constant 608 : i32
    %add3A_368 = vector.broadcast %add3A_367 : i32 to vector<16xi32>
    %add3A_369 = arith.addi %mul3A_366, %add3A_368 : vector<16xi32>
    %gather3A_370 = tpu.vector_load_idx %arg8[%add3A_369] : memref<1024xi32, #tpu.memory_space<vmem>>[vector<16xi32>], vector<16xi32>,
    %swap3A_371 = arith.constant 2 : i32
    %swap3A_372 = arith.index_cast %swap3A_371 : i32 to index
    %swap3A_373 = arith.constant 48 : index
    %swap3A_374 = tpu.vector_load %arg9[%swap3A_372, %swap3A_373] {strides = array<i32>} : memref<4x128xi32, #tpu.memory_space<vmem>>, vector<16xi32>,
    tpu.vector_store %arg9[%swap3A_372, %swap3A_373], %gather3A_370 {strides = array<i32>} : memref<4x128xi32, #tpu.memory_space<vmem>>, vector<16xi32>,
    %add3A_375 = arith.constant 1 : i32
    %add3A_376 = vector.broadcast %add3A_375 : i32 to vector<16xi32>
    %add3A_377 = arith.addi %add3A_369, %add3A_376 : vector<16xi32>
    %gather3A_378 = tpu.vector_load_idx %arg8[%add3A_377] : memref<1024xi32, #tpu.memory_space<vmem>>[vector<16xi32>], vector<16xi32>,
    %swap3A_379 = arith.constant 2 : i32
    %swap3A_380 = arith.index_cast %swap3A_379 : i32 to index
    %swap3A_381 = arith.constant 48 : index
    %swap3A_382 = tpu.vector_load %arg10[%swap3A_380, %swap3A_381] {strides = array<i32>} : memref<4x128xi32, #tpu.memory_space<vmem>>, vector<16xi32>,
    tpu.vector_store %arg10[%swap3A_380, %swap3A_381], %gather3A_378 {strides = array<i32>} : memref<4x128xi32, #tpu.memory_space<vmem>>, vector<16xi32>,
    %mul3A_383 = arith.constant 2 : i32
    %mul3A_384 = vector.broadcast %mul3A_383 : i32 to vector<16xi32>
    %mul3A_385 = arith.muli %iota3A, %mul3A_384 : vector<16xi32>
    %add3A_386 = arith.constant 640 : i32
    %add3A_387 = vector.broadcast %add3A_386 : i32 to vector<16xi32>
    %add3A_388 = arith.addi %mul3A_385, %add3A_387 : vector<16xi32>
    %gather3A_389 = tpu.vector_load_idx %arg8[%add3A_388] : memref<1024xi32, #tpu.memory_space<vmem>>[vector<16xi32>], vector<16xi32>,
    %swap3A_390 = arith.constant 2 : i32
    %swap3A_391 = arith.index_cast %swap3A_390 : i32 to index
    %swap3A_392 = arith.constant 64 : index
    %swap3A_393 = tpu.vector_load %arg9[%swap3A_391, %swap3A_392] {strides = array<i32>} : memref<4x128xi32, #tpu.memory_space<vmem>>, vector<16xi32>,
    tpu.vector_store %arg9[%swap3A_391, %swap3A_392], %gather3A_389 {strides = array<i32>} : memref<4x128xi32, #tpu.memory_space<vmem>>, vector<16xi32>,
    %add3A_394 = arith.constant 1 : i32
    %add3A_395 = vector.broadcast %add3A_394 : i32 to vector<16xi32>
    %add3A_396 = arith.addi %add3A_388, %add3A_395 : vector<16xi32>
    %gather3A_397 = tpu.vector_load_idx %arg8[%add3A_396] : memref<1024xi32, #tpu.memory_space<vmem>>[vector<16xi32>], vector<16xi32>,
    %swap3A_398 = arith.constant 2 : i32
    %swap3A_399 = arith.index_cast %swap3A_398 : i32 to index
    %swap3A_400 = arith.constant 64 : index
    %swap3A_401 = tpu.vector_load %arg10[%swap3A_399, %swap3A_400] {strides = array<i32>} : memref<4x128xi32, #tpu.memory_space<vmem>>, vector<16xi32>,
    tpu.vector_store %arg10[%swap3A_399, %swap3A_400], %gather3A_397 {strides = array<i32>} : memref<4x128xi32, #tpu.memory_space<vmem>>, vector<16xi32>,
    %mul3A_402 = arith.constant 2 : i32
    %mul3A_403 = vector.broadcast %mul3A_402 : i32 to vector<16xi32>
    %mul3A_404 = arith.muli %iota3A, %mul3A_403 : vector<16xi32>
    %add3A_405 = arith.constant 672 : i32
    %add3A_406 = vector.broadcast %add3A_405 : i32 to vector<16xi32>
    %add3A_407 = arith.addi %mul3A_404, %add3A_406 : vector<16xi32>
    %gather3A_408 = tpu.vector_load_idx %arg8[%add3A_407] : memref<1024xi32, #tpu.memory_space<vmem>>[vector<16xi32>], vector<16xi32>,
    %swap3A_409 = arith.constant 2 : i32
    %swap3A_410 = arith.index_cast %swap3A_409 : i32 to index
    %swap3A_411 = arith.constant 80 : index
    %swap3A_412 = tpu.vector_load %arg9[%swap3A_410, %swap3A_411] {strides = array<i32>} : memref<4x128xi32, #tpu.memory_space<vmem>>, vector<16xi32>,
    tpu.vector_store %arg9[%swap3A_410, %swap3A_411], %gather3A_408 {strides = array<i32>} : memref<4x128xi32, #tpu.memory_space<vmem>>, vector<16xi32>,
    %add3A_413 = arith.constant 1 : i32
    %add3A_414 = vector.broadcast %add3A_413 : i32 to vector<16xi32>
    %add3A_415 = arith.addi %add3A_407, %add3A_414 : vector<16xi32>
    %gather3A_416 = tpu.vector_load_idx %arg8[%add3A_415] : memref<1024xi32, #tpu.memory_space<vmem>>[vector<16xi32>], vector<16xi32>,
    %swap3A_417 = arith.constant 2 : i32
    %swap3A_418 = arith.index_cast %swap3A_417 : i32 to index
    %swap3A_419 = arith.constant 80 : index
    %swap3A_420 = tpu.vector_load %arg10[%swap3A_418, %swap3A_419] {strides = array<i32>} : memref<4x128xi32, #tpu.memory_space<vmem>>, vector<16xi32>,
    tpu.vector_store %arg10[%swap3A_418, %swap3A_419], %gather3A_416 {strides = array<i32>} : memref<4x128xi32, #tpu.memory_space<vmem>>, vector<16xi32>,
    %mul3A_421 = arith.constant 2 : i32
    %mul3A_422 = vector.broadcast %mul3A_421 : i32 to vector<16xi32>
    %mul3A_423 = arith.muli %iota3A, %mul3A_422 : vector<16xi32>
    %add3A_424 = arith.constant 704 : i32
    %add3A_425 = vector.broadcast %add3A_424 : i32 to vector<16xi32>
    %add3A_426 = arith.addi %mul3A_423, %add3A_425 : vector<16xi32>
    %gather3A_427 = tpu.vector_load_idx %arg8[%add3A_426] : memref<1024xi32, #tpu.memory_space<vmem>>[vector<16xi32>], vector<16xi32>,
    %swap3A_428 = arith.constant 2 : i32
    %swap3A_429 = arith.index_cast %swap3A_428 : i32 to index
    %swap3A_430 = arith.constant 96 : index
    %swap3A_431 = tpu.vector_load %arg9[%swap3A_429, %swap3A_430] {strides = array<i32>} : memref<4x128xi32, #tpu.memory_space<vmem>>, vector<16xi32>,
    tpu.vector_store %arg9[%swap3A_429, %swap3A_430], %gather3A_427 {strides = array<i32>} : memref<4x128xi32, #tpu.memory_space<vmem>>, vector<16xi32>,
    %add3A_432 = arith.constant 1 : i32
    %add3A_433 = vector.broadcast %add3A_432 : i32 to vector<16xi32>
    %add3A_434 = arith.addi %add3A_426, %add3A_433 : vector<16xi32>
    %gather3A_435 = tpu.vector_load_idx %arg8[%add3A_434] : memref<1024xi32, #tpu.memory_space<vmem>>[vector<16xi32>], vector<16xi32>,
    %swap3A_436 = arith.constant 2 : i32
    %swap3A_437 = arith.index_cast %swap3A_436 : i32 to index
    %swap3A_438 = arith.constant 96 : index
    %swap3A_439 = tpu.vector_load %arg10[%swap3A_437, %swap3A_438] {strides = array<i32>} : memref<4x128xi32, #tpu.memory_space<vmem>>, vector<16xi32>,
    tpu.vector_store %arg10[%swap3A_437, %swap3A_438], %gather3A_435 {strides = array<i32>} : memref<4x128xi32, #tpu.memory_space<vmem>>, vector<16xi32>,
    %mul3A_440 = arith.constant 2 : i32
    %mul3A_441 = vector.broadcast %mul3A_440 : i32 to vector<16xi32>
    %mul3A_442 = arith.muli %iota3A, %mul3A_441 : vector<16xi32>
    %add3A_443 = arith.constant 736 : i32
    %add3A_444 = vector.broadcast %add3A_443 : i32 to vector<16xi32>
    %add3A_445 = arith.addi %mul3A_442, %add3A_444 : vector<16xi32>
    %gather3A_446 = tpu.vector_load_idx %arg8[%add3A_445] : memref<1024xi32, #tpu.memory_space<vmem>>[vector<16xi32>], vector<16xi32>,
    %swap3A_447 = arith.constant 2 : i32
    %swap3A_448 = arith.index_cast %swap3A_447 : i32 to index
    %swap3A_449 = arith.constant 112 : index
    %swap3A_450 = tpu.vector_load %arg9[%swap3A_448, %swap3A_449] {strides = array<i32>} : memref<4x128xi32, #tpu.memory_space<vmem>>, vector<16xi32>,
    tpu.vector_store %arg9[%swap3A_448, %swap3A_449], %gather3A_446 {strides = array<i32>} : memref<4x128xi32, #tpu.memory_space<vmem>>, vector<16xi32>,
    %add3A_451 = arith.constant 1 : i32
    %add3A_452 = vector.broadcast %add3A_451 : i32 to vector<16xi32>
    %add3A_453 = arith.addi %add3A_445, %add3A_452 : vector<16xi32>
    %gather3A_454 = tpu.vector_load_idx %arg8[%add3A_453] : memref<1024xi32, #tpu.memory_space<vmem>>[vector<16xi32>], vector<16xi32>,
    %swap3A_455 = arith.constant 2 : i32
    %swap3A_456 = arith.index_cast %swap3A_455 : i32 to index
    %swap3A_457 = arith.constant 112 : index
    %swap3A_458 = tpu.vector_load %arg10[%swap3A_456, %swap3A_457] {strides = array<i32>} : memref<4x128xi32, #tpu.memory_space<vmem>>, vector<16xi32>,
    tpu.vector_store %arg10[%swap3A_456, %swap3A_457], %gather3A_454 {strides = array<i32>} : memref<4x128xi32, #tpu.memory_space<vmem>>, vector<16xi32>,
    %mul3A_459 = arith.constant 2 : i32
    %mul3A_460 = vector.broadcast %mul3A_459 : i32 to vector<16xi32>
    %mul3A_461 = arith.muli %iota3A, %mul3A_460 : vector<16xi32>
    %add3A_462 = arith.constant 768 : i32
    %add3A_463 = vector.broadcast %add3A_462 : i32 to vector<16xi32>
    %add3A_464 = arith.addi %mul3A_461, %add3A_463 : vector<16xi32>
    %gather3A_465 = tpu.vector_load_idx %arg8[%add3A_464] : memref<1024xi32, #tpu.memory_space<vmem>>[vector<16xi32>], vector<16xi32>,
    %swap3A_466 = arith.constant 3 : i32
    %swap3A_467 = arith.index_cast %swap3A_466 : i32 to index
    %swap3A_468 = arith.constant 0 : index
    %swap3A_469 = tpu.vector_load %arg9[%swap3A_467, %swap3A_468] {strides = array<i32>} : memref<4x128xi32, #tpu.memory_space<vmem>>, vector<16xi32>,
    tpu.vector_store %arg9[%swap3A_467, %swap3A_468], %gather3A_465 {strides = array<i32>} : memref<4x128xi32, #tpu.memory_space<vmem>>, vector<16xi32>,
    %add3A_470 = arith.constant 1 : i32
    %add3A_471 = vector.broadcast %add3A_470 : i32 to vector<16xi32>
    %add3A_472 = arith.addi %add3A_464, %add3A_471 : vector<16xi32>
    %gather3A_473 = tpu.vector_load_idx %arg8[%add3A_472] : memref<1024xi32, #tpu.memory_space<vmem>>[vector<16xi32>], vector<16xi32>,
    %swap3A_474 = arith.constant 3 : i32
    %swap3A_475 = arith.index_cast %swap3A_474 : i32 to index
    %swap3A_476 = arith.constant 0 : index
    %swap3A_477 = tpu.vector_load %arg10[%swap3A_475, %swap3A_476] {strides = array<i32>} : memref<4x128xi32, #tpu.memory_space<vmem>>, vector<16xi32>,
    tpu.vector_store %arg10[%swap3A_475, %swap3A_476], %gather3A_473 {strides = array<i32>} : memref<4x128xi32, #tpu.memory_space<vmem>>, vector<16xi32>,
    %mul3A_478 = arith.constant 2 : i32
    %mul3A_479 = vector.broadcast %mul3A_478 : i32 to vector<16xi32>
    %mul3A_480 = arith.muli %iota3A, %mul3A_479 : vector<16xi32>
    %add3A_481 = arith.constant 800 : i32
    %add3A_482 = vector.broadcast %add3A_481 : i32 to vector<16xi32>
    %add3A_483 = arith.addi %mul3A_480, %add3A_482 : vector<16xi32>
    %gather3A_484 = tpu.vector_load_idx %arg8[%add3A_483] : memref<1024xi32, #tpu.memory_space<vmem>>[vector<16xi32>], vector<16xi32>,
    %swap3A_485 = arith.constant 3 : i32
    %swap3A_486 = arith.index_cast %swap3A_485 : i32 to index
    %swap3A_487 = arith.constant 16 : index
    %swap3A_488 = tpu.vector_load %arg9[%swap3A_486, %swap3A_487] {strides = array<i32>} : memref<4x128xi32, #tpu.memory_space<vmem>>, vector<16xi32>,
    tpu.vector_store %arg9[%swap3A_486, %swap3A_487], %gather3A_484 {strides = array<i32>} : memref<4x128xi32, #tpu.memory_space<vmem>>, vector<16xi32>,
    %add3A_489 = arith.constant 1 : i32
    %add3A_490 = vector.broadcast %add3A_489 : i32 to vector<16xi32>
    %add3A_491 = arith.addi %add3A_483, %add3A_490 : vector<16xi32>
    %gather3A_492 = tpu.vector_load_idx %arg8[%add3A_491] : memref<1024xi32, #tpu.memory_space<vmem>>[vector<16xi32>], vector<16xi32>,
    %swap3A_493 = arith.constant 3 : i32
    %swap3A_494 = arith.index_cast %swap3A_493 : i32 to index
    %swap3A_495 = arith.constant 16 : index
    %swap3A_496 = tpu.vector_load %arg10[%swap3A_494, %swap3A_495] {strides = array<i32>} : memref<4x128xi32, #tpu.memory_space<vmem>>, vector<16xi32>,
    tpu.vector_store %arg10[%swap3A_494, %swap3A_495], %gather3A_492 {strides = array<i32>} : memref<4x128xi32, #tpu.memory_space<vmem>>, vector<16xi32>,
    %mul3A_497 = arith.constant 2 : i32
    %mul3A_498 = vector.broadcast %mul3A_497 : i32 to vector<16xi32>
    %mul3A_499 = arith.muli %iota3A, %mul3A_498 : vector<16xi32>
    %add3A_500 = arith.constant 832 : i32
    %add3A_501 = vector.broadcast %add3A_500 : i32 to vector<16xi32>
    %add3A_502 = arith.addi %mul3A_499, %add3A_501 : vector<16xi32>
    %gather3A_503 = tpu.vector_load_idx %arg8[%add3A_502] : memref<1024xi32, #tpu.memory_space<vmem>>[vector<16xi32>], vector<16xi32>,
    %swap3A_504 = arith.constant 3 : i32
    %swap3A_505 = arith.index_cast %swap3A_504 : i32 to index
    %swap3A_506 = arith.constant 32 : index
    %swap3A_507 = tpu.vector_load %arg9[%swap3A_505, %swap3A_506] {strides = array<i32>} : memref<4x128xi32, #tpu.memory_space<vmem>>, vector<16xi32>,
    tpu.vector_store %arg9[%swap3A_505, %swap3A_506], %gather3A_503 {strides = array<i32>} : memref<4x128xi32, #tpu.memory_space<vmem>>, vector<16xi32>,
    %add3A_508 = arith.constant 1 : i32
    %add3A_509 = vector.broadcast %add3A_508 : i32 to vector<16xi32>
    %add3A_510 = arith.addi %add3A_502, %add3A_509 : vector<16xi32>
    %gather3A_511 = tpu.vector_load_idx %arg8[%add3A_510] : memref<1024xi32, #tpu.memory_space<vmem>>[vector<16xi32>], vector<16xi32>,
    %swap3A_512 = arith.constant 3 : i32
    %swap3A_513 = arith.index_cast %swap3A_512 : i32 to index
    %swap3A_514 = arith.constant 32 : index
    %swap3A_515 = tpu.vector_load %arg10[%swap3A_513, %swap3A_514] {strides = array<i32>} : memref<4x128xi32, #tpu.memory_space<vmem>>, vector<16xi32>,
    tpu.vector_store %arg10[%swap3A_513, %swap3A_514], %gather3A_511 {strides = array<i32>} : memref<4x128xi32, #tpu.memory_space<vmem>>, vector<16xi32>,
    %mul3A_516 = arith.constant 2 : i32
    %mul3A_517 = vector.broadcast %mul3A_516 : i32 to vector<16xi32>
    %mul3A_518 = arith.muli %iota3A, %mul3A_517 : vector<16xi32>
    %add3A_519 = arith.constant 864 : i32
    %add3A_520 = vector.broadcast %add3A_519 : i32 to vector<16xi32>
    %add3A_521 = arith.addi %mul3A_518, %add3A_520 : vector<16xi32>
    %gather3A_522 = tpu.vector_load_idx %arg8[%add3A_521] : memref<1024xi32, #tpu.memory_space<vmem>>[vector<16xi32>], vector<16xi32>,
    %swap3A_523 = arith.constant 3 : i32
    %swap3A_524 = arith.index_cast %swap3A_523 : i32 to index
    %swap3A_525 = arith.constant 48 : index
    %swap3A_526 = tpu.vector_load %arg9[%swap3A_524, %swap3A_525] {strides = array<i32>} : memref<4x128xi32, #tpu.memory_space<vmem>>, vector<16xi32>,
    tpu.vector_store %arg9[%swap3A_524, %swap3A_525], %gather3A_522 {strides = array<i32>} : memref<4x128xi32, #tpu.memory_space<vmem>>, vector<16xi32>,
    %add3A_527 = arith.constant 1 : i32
    %add3A_528 = vector.broadcast %add3A_527 : i32 to vector<16xi32>
    %add3A_529 = arith.addi %add3A_521, %add3A_528 : vector<16xi32>
    %gather3A_530 = tpu.vector_load_idx %arg8[%add3A_529] : memref<1024xi32, #tpu.memory_space<vmem>>[vector<16xi32>], vector<16xi32>,
    %swap3A_531 = arith.constant 3 : i32
    %swap3A_532 = arith.index_cast %swap3A_531 : i32 to index
    %swap3A_533 = arith.constant 48 : index
    %swap3A_534 = tpu.vector_load %arg10[%swap3A_532, %swap3A_533] {strides = array<i32>} : memref<4x128xi32, #tpu.memory_space<vmem>>, vector<16xi32>,
    tpu.vector_store %arg10[%swap3A_532, %swap3A_533], %gather3A_530 {strides = array<i32>} : memref<4x128xi32, #tpu.memory_space<vmem>>, vector<16xi32>,
    %mul3A_535 = arith.constant 2 : i32
    %mul3A_536 = vector.broadcast %mul3A_535 : i32 to vector<16xi32>
    %mul3A_537 = arith.muli %iota3A, %mul3A_536 : vector<16xi32>
    %add3A_538 = arith.constant 896 : i32
    %add3A_539 = vector.broadcast %add3A_538 : i32 to vector<16xi32>
    %add3A_540 = arith.addi %mul3A_537, %add3A_539 : vector<16xi32>
    %gather3A_541 = tpu.vector_load_idx %arg8[%add3A_540] : memref<1024xi32, #tpu.memory_space<vmem>>[vector<16xi32>], vector<16xi32>,
    %swap3A_542 = arith.constant 3 : i32
    %swap3A_543 = arith.index_cast %swap3A_542 : i32 to index
    %swap3A_544 = arith.constant 64 : index
    %swap3A_545 = tpu.vector_load %arg9[%swap3A_543, %swap3A_544] {strides = array<i32>} : memref<4x128xi32, #tpu.memory_space<vmem>>, vector<16xi32>,
    tpu.vector_store %arg9[%swap3A_543, %swap3A_544], %gather3A_541 {strides = array<i32>} : memref<4x128xi32, #tpu.memory_space<vmem>>, vector<16xi32>,
    %add3A_546 = arith.constant 1 : i32
    %add3A_547 = vector.broadcast %add3A_546 : i32 to vector<16xi32>
    %add3A_548 = arith.addi %add3A_540, %add3A_547 : vector<16xi32>
    %gather3A_549 = tpu.vector_load_idx %arg8[%add3A_548] : memref<1024xi32, #tpu.memory_space<vmem>>[vector<16xi32>], vector<16xi32>,
    %swap3A_550 = arith.constant 3 : i32
    %swap3A_551 = arith.index_cast %swap3A_550 : i32 to index
    %swap3A_552 = arith.constant 64 : index
    %swap3A_553 = tpu.vector_load %arg10[%swap3A_551, %swap3A_552] {strides = array<i32>} : memref<4x128xi32, #tpu.memory_space<vmem>>, vector<16xi32>,
    tpu.vector_store %arg10[%swap3A_551, %swap3A_552], %gather3A_549 {strides = array<i32>} : memref<4x128xi32, #tpu.memory_space<vmem>>, vector<16xi32>,
    %mul3A_554 = arith.constant 2 : i32
    %mul3A_555 = vector.broadcast %mul3A_554 : i32 to vector<16xi32>
    %mul3A_556 = arith.muli %iota3A, %mul3A_555 : vector<16xi32>
    %add3A_557 = arith.constant 928 : i32
    %add3A_558 = vector.broadcast %add3A_557 : i32 to vector<16xi32>
    %add3A_559 = arith.addi %mul3A_556, %add3A_558 : vector<16xi32>
    %gather3A_560 = tpu.vector_load_idx %arg8[%add3A_559] : memref<1024xi32, #tpu.memory_space<vmem>>[vector<16xi32>], vector<16xi32>,
    %swap3A_561 = arith.constant 3 : i32
    %swap3A_562 = arith.index_cast %swap3A_561 : i32 to index
    %swap3A_563 = arith.constant 80 : index
    %swap3A_564 = tpu.vector_load %arg9[%swap3A_562, %swap3A_563] {strides = array<i32>} : memref<4x128xi32, #tpu.memory_space<vmem>>, vector<16xi32>,
    tpu.vector_store %arg9[%swap3A_562, %swap3A_563], %gather3A_560 {strides = array<i32>} : memref<4x128xi32, #tpu.memory_space<vmem>>, vector<16xi32>,
    %add3A_565 = arith.constant 1 : i32
    %add3A_566 = vector.broadcast %add3A_565 : i32 to vector<16xi32>
    %add3A_567 = arith.addi %add3A_559, %add3A_566 : vector<16xi32>
    %gather3A_568 = tpu.vector_load_idx %arg8[%add3A_567] : memref<1024xi32, #tpu.memory_space<vmem>>[vector<16xi32>], vector<16xi32>,
    %swap3A_569 = arith.constant 3 : i32
    %swap3A_570 = arith.index_cast %swap3A_569 : i32 to index
    %swap3A_571 = arith.constant 80 : index
    %swap3A_572 = tpu.vector_load %arg10[%swap3A_570, %swap3A_571] {strides = array<i32>} : memref<4x128xi32, #tpu.memory_space<vmem>>, vector<16xi32>,
    tpu.vector_store %arg10[%swap3A_570, %swap3A_571], %gather3A_568 {strides = array<i32>} : memref<4x128xi32, #tpu.memory_space<vmem>>, vector<16xi32>,
    %mul3A_573 = arith.constant 2 : i32
    %mul3A_574 = vector.broadcast %mul3A_573 : i32 to vector<16xi32>
    %mul3A_575 = arith.muli %iota3A, %mul3A_574 : vector<16xi32>
    %add3A_576 = arith.constant 960 : i32
    %add3A_577 = vector.broadcast %add3A_576 : i32 to vector<16xi32>
    %add3A_578 = arith.addi %mul3A_575, %add3A_577 : vector<16xi32>
    %gather3A_579 = tpu.vector_load_idx %arg8[%add3A_578] : memref<1024xi32, #tpu.memory_space<vmem>>[vector<16xi32>], vector<16xi32>,
    %swap3A_580 = arith.constant 3 : i32
    %swap3A_581 = arith.index_cast %swap3A_580 : i32 to index
    %swap3A_582 = arith.constant 96 : index
    %swap3A_583 = tpu.vector_load %arg9[%swap3A_581, %swap3A_582] {strides = array<i32>} : memref<4x128xi32, #tpu.memory_space<vmem>>, vector<16xi32>,
    tpu.vector_store %arg9[%swap3A_581, %swap3A_582], %gather3A_579 {strides = array<i32>} : memref<4x128xi32, #tpu.memory_space<vmem>>, vector<16xi32>,
    %add3A_584 = arith.constant 1 : i32
    %add3A_585 = vector.broadcast %add3A_584 : i32 to vector<16xi32>
    %add3A_586 = arith.addi %add3A_578, %add3A_585 : vector<16xi32>
    %gather3A_587 = tpu.vector_load_idx %arg8[%add3A_586] : memref<1024xi32, #tpu.memory_space<vmem>>[vector<16xi32>], vector<16xi32>,
    %swap3A_588 = arith.constant 3 : i32
    %swap3A_589 = arith.index_cast %swap3A_588 : i32 to index
    %swap3A_590 = arith.constant 96 : index
    %swap3A_591 = tpu.vector_load %arg10[%swap3A_589, %swap3A_590] {strides = array<i32>} : memref<4x128xi32, #tpu.memory_space<vmem>>, vector<16xi32>,
    tpu.vector_store %arg10[%swap3A_589, %swap3A_590], %gather3A_587 {strides = array<i32>} : memref<4x128xi32, #tpu.memory_space<vmem>>, vector<16xi32>,
    %mul3A_592 = arith.constant 2 : i32
    %mul3A_593 = vector.broadcast %mul3A_592 : i32 to vector<16xi32>
    %mul3A_594 = arith.muli %iota3A, %mul3A_593 : vector<16xi32>
    %add3A_595 = arith.constant 992 : i32
    %add3A_596 = vector.broadcast %add3A_595 : i32 to vector<16xi32>
    %add3A_597 = arith.addi %mul3A_594, %add3A_596 : vector<16xi32>
    %gather3A_598 = tpu.vector_load_idx %arg8[%add3A_597] : memref<1024xi32, #tpu.memory_space<vmem>>[vector<16xi32>], vector<16xi32>,
    %swap3A_599 = arith.constant 3 : i32
    %swap3A_600 = arith.index_cast %swap3A_599 : i32 to index
    %swap3A_601 = arith.constant 112 : index
    %swap3A_602 = tpu.vector_load %arg9[%swap3A_600, %swap3A_601] {strides = array<i32>} : memref<4x128xi32, #tpu.memory_space<vmem>>, vector<16xi32>,
    tpu.vector_store %arg9[%swap3A_600, %swap3A_601], %gather3A_598 {strides = array<i32>} : memref<4x128xi32, #tpu.memory_space<vmem>>, vector<16xi32>,
    %add3A_603 = arith.constant 1 : i32
    %add3A_604 = vector.broadcast %add3A_603 : i32 to vector<16xi32>
    %add3A_605 = arith.addi %add3A_597, %add3A_604 : vector<16xi32>
    %gather3A_606 = tpu.vector_load_idx %arg8[%add3A_605] : memref<1024xi32, #tpu.memory_space<vmem>>[vector<16xi32>], vector<16xi32>,
    %swap3A_607 = arith.constant 3 : i32
    %swap3A_608 = arith.index_cast %swap3A_607 : i32 to index
    %swap3A_609 = arith.constant 112 : index
    %swap3A_610 = tpu.vector_load %arg10[%swap3A_608, %swap3A_609] {strides = array<i32>} : memref<4x128xi32, #tpu.memory_space<vmem>>, vector<16xi32>,
    tpu.vector_store %arg10[%swap3A_608, %swap3A_609], %gather3A_606 {strides = array<i32>} : memref<4x128xi32, #tpu.memory_space<vmem>>, vector<16xi32>,
    %dma_start3A = arith.constant 0 : i32
    %dma_start3A_611 = arith.constant 0 : i32
    %dma_start3A_612 = arith.constant 0 : i32
    %dma_start3A_613 = tpu.memref_slice %arg11[%dma_start3A_611, %dma_start3A_612] : memref<512x64xf32, #tpu.memory_space<vmem>> -> memref<128x64xf32, #tpu.memory_space<vmem>>
    %dma_start3A_614 = arith.constant 0 : i32
    %dma_start3A_615 = tpu.memref_slice %arg9[%dma_start3A, %dma_start3A_614] : memref<4x128xi32, #tpu.memory_space<vmem>> -> memref<1x128xi32, #tpu.memory_space<vmem>>
    %dma_start3A_616 = tpu.memref_squeeze %dma_start3A_615 : memref<1x128xi32, #tpu.memory_space<vmem>> -> memref<128xi32, #tpu.memory_space<vmem>>
    %dma_start3A_617 = arith.constant 0 : i32
    %dma_start3A_618 = arith.constant 0 : i32
    %dma_start3A_619 = tpu.memref_slice %arg3[%dma_start3A_617, %dma_start3A_618] : memref<1000000x64xf32, #tpu.memory_space<hbm>> -> memref<1000000x64xf32, #tpu.memory_space<hbm>>
    tpu.enqueue_indirect_dma source(%dma_start3A_619 : memref<1000000x64xf32, #tpu.memory_space<hbm>>) target(%dma_start3A_613 : memref<128x64xf32, #tpu.memory_space<vmem>>) offsets(%dma_start3A_616 : memref<128xi32, #tpu.memory_space<vmem>>) semaphore(%arg16 : memref<!tpu.dma_semaphore, #tpu.memory_space<semaphore_mem>>)
    %dma_start3A_620 = arith.constant 0 : i32
    %dma_start3A_621 = arith.constant 0 : i32
    %dma_start3A_622 = arith.constant 0 : i32
    %dma_start3A_623 = tpu.memref_slice %arg12[%dma_start3A_621, %dma_start3A_622] : memref<512x64xf32, #tpu.memory_space<vmem>> -> memref<128x64xf32, #tpu.memory_space<vmem>>
    %dma_start3A_624 = arith.constant 0 : i32
    %dma_start3A_625 = tpu.memref_slice %arg10[%dma_start3A_620, %dma_start3A_624] : memref<4x128xi32, #tpu.memory_space<vmem>> -> memref<1x128xi32, #tpu.memory_space<vmem>>
    %dma_start3A_626 = tpu.memref_squeeze %dma_start3A_625 : memref<1x128xi32, #tpu.memory_space<vmem>> -> memref<128xi32, #tpu.memory_space<vmem>>
    %dma_start3A_627 = arith.constant 0 : i32
    %dma_start3A_628 = arith.constant 0 : i32
    %dma_start3A_629 = tpu.memref_slice %arg5[%dma_start3A_627, %dma_start3A_628] : memref<1000000x64xf32, #tpu.memory_space<hbm>> -> memref<1000000x64xf32, #tpu.memory_space<hbm>>
    tpu.enqueue_indirect_dma source(%dma_start3A_629 : memref<1000000x64xf32, #tpu.memory_space<hbm>>) target(%dma_start3A_623 : memref<128x64xf32, #tpu.memory_space<vmem>>) offsets(%dma_start3A_626 : memref<128xi32, #tpu.memory_space<vmem>>) semaphore(%arg16 : memref<!tpu.dma_semaphore, #tpu.memory_space<semaphore_mem>>)
    %dma_start3A_630 = arith.constant 0 : i32
    %dma_start3A_631 = arith.constant 0 : i32
    %dma_start3A_632 = tpu.memref_slice %arg13[%dma_start3A_631] : memref<512xf32, #tpu.memory_space<vmem>> -> memref<128xf32, #tpu.memory_space<vmem>>
    %dma_start3A_633 = arith.constant 0 : i32
    %dma_start3A_634 = tpu.memref_slice %arg9[%dma_start3A_630, %dma_start3A_633] : memref<4x128xi32, #tpu.memory_space<vmem>> -> memref<1x128xi32, #tpu.memory_space<vmem>>
    %dma_start3A_635 = tpu.memref_squeeze %dma_start3A_634 : memref<1x128xi32, #tpu.memory_space<vmem>> -> memref<128xi32, #tpu.memory_space<vmem>>
    %dma_start3A_636 = arith.constant 0 : i32
    %dma_start3A_637 = tpu.memref_slice %arg4[%dma_start3A_636] : memref<1000000xf32, #tpu.memory_space<hbm>> -> memref<1000000xf32, #tpu.memory_space<hbm>>
    tpu.enqueue_indirect_dma source(%dma_start3A_637 : memref<1000000xf32, #tpu.memory_space<hbm>>) target(%dma_start3A_632 : memref<128xf32, #tpu.memory_space<vmem>>) offsets(%dma_start3A_635 : memref<128xi32, #tpu.memory_space<vmem>>) semaphore(%arg16 : memref<!tpu.dma_semaphore, #tpu.memory_space<semaphore_mem>>)
    %dma_start3A_638 = arith.constant 0 : i32
    %dma_start3A_639 = arith.constant 0 : i32
    %dma_start3A_640 = tpu.memref_slice %arg14[%dma_start3A_639] : memref<512xf32, #tpu.memory_space<vmem>> -> memref<128xf32, #tpu.memory_space<vmem>>
    %dma_start3A_641 = arith.constant 0 : i32
    %dma_start3A_642 = tpu.memref_slice %arg10[%dma_start3A_638, %dma_start3A_641] : memref<4x128xi32, #tpu.memory_space<vmem>> -> memref<1x128xi32, #tpu.memory_space<vmem>>
    %dma_start3A_643 = tpu.memref_squeeze %dma_start3A_642 : memref<1x128xi32, #tpu.memory_space<vmem>> -> memref<128xi32, #tpu.memory_space<vmem>>
    %dma_start3A_644 = arith.constant 0 : i32
    %dma_start3A_645 = tpu.memref_slice %arg6[%dma_start3A_644] : memref<1000000xf32, #tpu.memory_space<hbm>> -> memref<1000000xf32, #tpu.memory_space<hbm>>
    tpu.enqueue_indirect_dma source(%dma_start3A_645 : memref<1000000xf32, #tpu.memory_space<hbm>>) target(%dma_start3A_640 : memref<128xf32, #tpu.memory_space<vmem>>) offsets(%dma_start3A_643 : memref<128xi32, #tpu.memory_space<vmem>>) semaphore(%arg16 : memref<!tpu.dma_semaphore, #tpu.memory_space<semaphore_mem>>)
    %dma_start3A_646 = arith.constant 1 : i32
    %dma_start3A_647 = arith.constant 128 : i32
    %dma_start3A_648 = arith.constant 0 : i32
    %dma_start3A_649 = tpu.memref_slice %arg11[%dma_start3A_647, %dma_start3A_648] : memref<512x64xf32, #tpu.memory_space<vmem>> -> memref<128x64xf32, #tpu.memory_space<vmem>>
    %dma_start3A_650 = arith.constant 0 : i32
    %dma_start3A_651 = tpu.memref_slice %arg9[%dma_start3A_646, %dma_start3A_650] : memref<4x128xi32, #tpu.memory_space<vmem>> -> memref<1x128xi32, #tpu.memory_space<vmem>>
    %dma_start3A_652 = tpu.memref_squeeze %dma_start3A_651 : memref<1x128xi32, #tpu.memory_space<vmem>> -> memref<128xi32, #tpu.memory_space<vmem>>
    %dma_start3A_653 = arith.constant 0 : i32
    %dma_start3A_654 = arith.constant 0 : i32
    %dma_start3A_655 = tpu.memref_slice %arg3[%dma_start3A_653, %dma_start3A_654] : memref<1000000x64xf32, #tpu.memory_space<hbm>> -> memref<1000000x64xf32, #tpu.memory_space<hbm>>
    tpu.enqueue_indirect_dma source(%dma_start3A_655 : memref<1000000x64xf32, #tpu.memory_space<hbm>>) target(%dma_start3A_649 : memref<128x64xf32, #tpu.memory_space<vmem>>) offsets(%dma_start3A_652 : memref<128xi32, #tpu.memory_space<vmem>>) semaphore(%arg16 : memref<!tpu.dma_semaphore, #tpu.memory_space<semaphore_mem>>)
    %dma_start3A_656 = arith.constant 1 : i32
    %dma_start3A_657 = arith.constant 128 : i32
    %dma_start3A_658 = arith.constant 0 : i32
    %dma_start3A_659 = tpu.memref_slice %arg12[%dma_start3A_657, %dma_start3A_658] : memref<512x64xf32, #tpu.memory_space<vmem>> -> memref<128x64xf32, #tpu.memory_space<vmem>>
    %dma_start3A_660 = arith.constant 0 : i32
    %dma_start3A_661 = tpu.memref_slice %arg10[%dma_start3A_656, %dma_start3A_660] : memref<4x128xi32, #tpu.memory_space<vmem>> -> memref<1x128xi32, #tpu.memory_space<vmem>>
    %dma_start3A_662 = tpu.memref_squeeze %dma_start3A_661 : memref<1x128xi32, #tpu.memory_space<vmem>> -> memref<128xi32, #tpu.memory_space<vmem>>
    %dma_start3A_663 = arith.constant 0 : i32
    %dma_start3A_664 = arith.constant 0 : i32
    %dma_start3A_665 = tpu.memref_slice %arg5[%dma_start3A_663, %dma_start3A_664] : memref<1000000x64xf32, #tpu.memory_space<hbm>> -> memref<1000000x64xf32, #tpu.memory_space<hbm>>
    tpu.enqueue_indirect_dma source(%dma_start3A_665 : memref<1000000x64xf32, #tpu.memory_space<hbm>>) target(%dma_start3A_659 : memref<128x64xf32, #tpu.memory_space<vmem>>) offsets(%dma_start3A_662 : memref<128xi32, #tpu.memory_space<vmem>>) semaphore(%arg16 : memref<!tpu.dma_semaphore, #tpu.memory_space<semaphore_mem>>)
    %dma_start3A_666 = arith.constant 1 : i32
    %dma_start3A_667 = arith.constant 128 : i32
    %dma_start3A_668 = tpu.memref_slice %arg13[%dma_start3A_667] : memref<512xf32, #tpu.memory_space<vmem>> -> memref<128xf32, #tpu.memory_space<vmem>>
    %dma_start3A_669 = arith.constant 0 : i32
    %dma_start3A_670 = tpu.memref_slice %arg9[%dma_start3A_666, %dma_start3A_669] : memref<4x128xi32, #tpu.memory_space<vmem>> -> memref<1x128xi32, #tpu.memory_space<vmem>>
    %dma_start3A_671 = tpu.memref_squeeze %dma_start3A_670 : memref<1x128xi32, #tpu.memory_space<vmem>> -> memref<128xi32, #tpu.memory_space<vmem>>
    %dma_start3A_672 = arith.constant 0 : i32
    %dma_start3A_673 = tpu.memref_slice %arg4[%dma_start3A_672] : memref<1000000xf32, #tpu.memory_space<hbm>> -> memref<1000000xf32, #tpu.memory_space<hbm>>
    tpu.enqueue_indirect_dma source(%dma_start3A_673 : memref<1000000xf32, #tpu.memory_space<hbm>>) target(%dma_start3A_668 : memref<128xf32, #tpu.memory_space<vmem>>) offsets(%dma_start3A_671 : memref<128xi32, #tpu.memory_space<vmem>>) semaphore(%arg16 : memref<!tpu.dma_semaphore, #tpu.memory_space<semaphore_mem>>)
    %dma_start3A_674 = arith.constant 1 : i32
    %dma_start3A_675 = arith.constant 128 : i32
    %dma_start3A_676 = tpu.memref_slice %arg14[%dma_start3A_675] : memref<512xf32, #tpu.memory_space<vmem>> -> memref<128xf32, #tpu.memory_space<vmem>>
    %dma_start3A_677 = arith.constant 0 : i32
    %dma_start3A_678 = tpu.memref_slice %arg10[%dma_start3A_674, %dma_start3A_677] : memref<4x128xi32, #tpu.memory_space<vmem>> -> memref<1x128xi32, #tpu.memory_space<vmem>>
    %dma_start3A_679 = tpu.memref_squeeze %dma_start3A_678 : memref<1x128xi32, #tpu.memory_space<vmem>> -> memref<128xi32, #tpu.memory_space<vmem>>
    %dma_start3A_680 = arith.constant 0 : i32
    %dma_start3A_681 = tpu.memref_slice %arg6[%dma_start3A_680] : memref<1000000xf32, #tpu.memory_space<hbm>> -> memref<1000000xf32, #tpu.memory_space<hbm>>
    tpu.enqueue_indirect_dma source(%dma_start3A_681 : memref<1000000xf32, #tpu.memory_space<hbm>>) target(%dma_start3A_676 : memref<128xf32, #tpu.memory_space<vmem>>) offsets(%dma_start3A_679 : memref<128xi32, #tpu.memory_space<vmem>>) semaphore(%arg16 : memref<!tpu.dma_semaphore, #tpu.memory_space<semaphore_mem>>)
    %dma_start3A_682 = arith.constant 2 : i32
    %dma_start3A_683 = arith.constant 256 : i32
    %dma_start3A_684 = arith.constant 0 : i32
    %dma_start3A_685 = tpu.memref_slice %arg11[%dma_start3A_683, %dma_start3A_684] : memref<512x64xf32, #tpu.memory_space<vmem>> -> memref<128x64xf32, #tpu.memory_space<vmem>>
    %dma_start3A_686 = arith.constant 0 : i32
    %dma_start3A_687 = tpu.memref_slice %arg9[%dma_start3A_682, %dma_start3A_686] : memref<4x128xi32, #tpu.memory_space<vmem>> -> memref<1x128xi32, #tpu.memory_space<vmem>>
    %dma_start3A_688 = tpu.memref_squeeze %dma_start3A_687 : memref<1x128xi32, #tpu.memory_space<vmem>> -> memref<128xi32, #tpu.memory_space<vmem>>
    %dma_start3A_689 = arith.constant 0 : i32
    %dma_start3A_690 = arith.constant 0 : i32
    %dma_start3A_691 = tpu.memref_slice %arg3[%dma_start3A_689, %dma_start3A_690] : memref<1000000x64xf32, #tpu.memory_space<hbm>> -> memref<1000000x64xf32, #tpu.memory_space<hbm>>
    tpu.enqueue_indirect_dma source(%dma_start3A_691 : memref<1000000x64xf32, #tpu.memory_space<hbm>>) target(%dma_start3A_685 : memref<128x64xf32, #tpu.memory_space<vmem>>) offsets(%dma_start3A_688 : memref<128xi32, #tpu.memory_space<vmem>>) semaphore(%arg16 : memref<!tpu.dma_semaphore, #tpu.memory_space<semaphore_mem>>)
    %dma_start3A_692 = arith.constant 2 : i32
    %dma_start3A_693 = arith.constant 256 : i32
    %dma_start3A_694 = arith.constant 0 : i32
    %dma_start3A_695 = tpu.memref_slice %arg12[%dma_start3A_693, %dma_start3A_694] : memref<512x64xf32, #tpu.memory_space<vmem>> -> memref<128x64xf32, #tpu.memory_space<vmem>>
    %dma_start3A_696 = arith.constant 0 : i32
    %dma_start3A_697 = tpu.memref_slice %arg10[%dma_start3A_692, %dma_start3A_696] : memref<4x128xi32, #tpu.memory_space<vmem>> -> memref<1x128xi32, #tpu.memory_space<vmem>>
    %dma_start3A_698 = tpu.memref_squeeze %dma_start3A_697 : memref<1x128xi32, #tpu.memory_space<vmem>> -> memref<128xi32, #tpu.memory_space<vmem>>
    %dma_start3A_699 = arith.constant 0 : i32
    %dma_start3A_700 = arith.constant 0 : i32
    %dma_start3A_701 = tpu.memref_slice %arg5[%dma_start3A_699, %dma_start3A_700] : memref<1000000x64xf32, #tpu.memory_space<hbm>> -> memref<1000000x64xf32, #tpu.memory_space<hbm>>
    tpu.enqueue_indirect_dma source(%dma_start3A_701 : memref<1000000x64xf32, #tpu.memory_space<hbm>>) target(%dma_start3A_695 : memref<128x64xf32, #tpu.memory_space<vmem>>) offsets(%dma_start3A_698 : memref<128xi32, #tpu.memory_space<vmem>>) semaphore(%arg16 : memref<!tpu.dma_semaphore, #tpu.memory_space<semaphore_mem>>)
    %dma_start3A_702 = arith.constant 2 : i32
    %dma_start3A_703 = arith.constant 256 : i32
    %dma_start3A_704 = tpu.memref_slice %arg13[%dma_start3A_703] : memref<512xf32, #tpu.memory_space<vmem>> -> memref<128xf32, #tpu.memory_space<vmem>>
    %dma_start3A_705 = arith.constant 0 : i32
    %dma_start3A_706 = tpu.memref_slice %arg9[%dma_start3A_702, %dma_start3A_705] : memref<4x128xi32, #tpu.memory_space<vmem>> -> memref<1x128xi32, #tpu.memory_space<vmem>>
    %dma_start3A_707 = tpu.memref_squeeze %dma_start3A_706 : memref<1x128xi32, #tpu.memory_space<vmem>> -> memref<128xi32, #tpu.memory_space<vmem>>
    %dma_start3A_708 = arith.constant 0 : i32
    %dma_start3A_709 = tpu.memref_slice %arg4[%dma_start3A_708] : memref<1000000xf32, #tpu.memory_space<hbm>> -> memref<1000000xf32, #tpu.memory_space<hbm>>
    tpu.enqueue_indirect_dma source(%dma_start3A_709 : memref<1000000xf32, #tpu.memory_space<hbm>>) target(%dma_start3A_704 : memref<128xf32, #tpu.memory_space<vmem>>) offsets(%dma_start3A_707 : memref<128xi32, #tpu.memory_space<vmem>>) semaphore(%arg16 : memref<!tpu.dma_semaphore, #tpu.memory_space<semaphore_mem>>)
    %dma_start3A_710 = arith.constant 2 : i32
    %dma_start3A_711 = arith.constant 256 : i32
    %dma_start3A_712 = tpu.memref_slice %arg14[%dma_start3A_711] : memref<512xf32, #tpu.memory_space<vmem>> -> memref<128xf32, #tpu.memory_space<vmem>>
    %dma_start3A_713 = arith.constant 0 : i32
    %dma_start3A_714 = tpu.memref_slice %arg10[%dma_start3A_710, %dma_start3A_713] : memref<4x128xi32, #tpu.memory_space<vmem>> -> memref<1x128xi32, #tpu.memory_space<vmem>>
    %dma_start3A_715 = tpu.memref_squeeze %dma_start3A_714 : memref<1x128xi32, #tpu.memory_space<vmem>> -> memref<128xi32, #tpu.memory_space<vmem>>
    %dma_start3A_716 = arith.constant 0 : i32
    %dma_start3A_717 = tpu.memref_slice %arg6[%dma_start3A_716] : memref<1000000xf32, #tpu.memory_space<hbm>> -> memref<1000000xf32, #tpu.memory_space<hbm>>
    tpu.enqueue_indirect_dma source(%dma_start3A_717 : memref<1000000xf32, #tpu.memory_space<hbm>>) target(%dma_start3A_712 : memref<128xf32, #tpu.memory_space<vmem>>) offsets(%dma_start3A_715 : memref<128xi32, #tpu.memory_space<vmem>>) semaphore(%arg16 : memref<!tpu.dma_semaphore, #tpu.memory_space<semaphore_mem>>)
    %dma_start3A_718 = arith.constant 3 : i32
    %dma_start3A_719 = arith.constant 384 : i32
    %dma_start3A_720 = arith.constant 0 : i32
    %dma_start3A_721 = tpu.memref_slice %arg11[%dma_start3A_719, %dma_start3A_720] : memref<512x64xf32, #tpu.memory_space<vmem>> -> memref<128x64xf32, #tpu.memory_space<vmem>>
    %dma_start3A_722 = arith.constant 0 : i32
    %dma_start3A_723 = tpu.memref_slice %arg9[%dma_start3A_718, %dma_start3A_722] : memref<4x128xi32, #tpu.memory_space<vmem>> -> memref<1x128xi32, #tpu.memory_space<vmem>>
    %dma_start3A_724 = tpu.memref_squeeze %dma_start3A_723 : memref<1x128xi32, #tpu.memory_space<vmem>> -> memref<128xi32, #tpu.memory_space<vmem>>
    %dma_start3A_725 = arith.constant 0 : i32
    %dma_start3A_726 = arith.constant 0 : i32
    %dma_start3A_727 = tpu.memref_slice %arg3[%dma_start3A_725, %dma_start3A_726] : memref<1000000x64xf32, #tpu.memory_space<hbm>> -> memref<1000000x64xf32, #tpu.memory_space<hbm>>
    tpu.enqueue_indirect_dma source(%dma_start3A_727 : memref<1000000x64xf32, #tpu.memory_space<hbm>>) target(%dma_start3A_721 : memref<128x64xf32, #tpu.memory_space<vmem>>) offsets(%dma_start3A_724 : memref<128xi32, #tpu.memory_space<vmem>>) semaphore(%arg16 : memref<!tpu.dma_semaphore, #tpu.memory_space<semaphore_mem>>)
    %dma_start3A_728 = arith.constant 3 : i32
    %dma_start3A_729 = arith.constant 384 : i32
    %dma_start3A_730 = arith.constant 0 : i32
    %dma_start3A_731 = tpu.memref_slice %arg12[%dma_start3A_729, %dma_start3A_730] : memref<512x64xf32, #tpu.memory_space<vmem>> -> memref<128x64xf32, #tpu.memory_space<vmem>>
    %dma_start3A_732 = arith.constant 0 : i32
    %dma_start3A_733 = tpu.memref_slice %arg10[%dma_start3A_728, %dma_start3A_732] : memref<4x128xi32, #tpu.memory_space<vmem>> -> memref<1x128xi32, #tpu.memory_space<vmem>>
    %dma_start3A_734 = tpu.memref_squeeze %dma_start3A_733 : memref<1x128xi32, #tpu.memory_space<vmem>> -> memref<128xi32, #tpu.memory_space<vmem>>
    %dma_start3A_735 = arith.constant 0 : i32
    %dma_start3A_736 = arith.constant 0 : i32
    %dma_start3A_737 = tpu.memref_slice %arg5[%dma_start3A_735, %dma_start3A_736] : memref<1000000x64xf32, #tpu.memory_space<hbm>> -> memref<1000000x64xf32, #tpu.memory_space<hbm>>
    tpu.enqueue_indirect_dma source(%dma_start3A_737 : memref<1000000x64xf32, #tpu.memory_space<hbm>>) target(%dma_start3A_731 : memref<128x64xf32, #tpu.memory_space<vmem>>) offsets(%dma_start3A_734 : memref<128xi32, #tpu.memory_space<vmem>>) semaphore(%arg16 : memref<!tpu.dma_semaphore, #tpu.memory_space<semaphore_mem>>)
    %dma_start3A_738 = arith.constant 3 : i32
    %dma_start3A_739 = arith.constant 384 : i32
    %dma_start3A_740 = tpu.memref_slice %arg13[%dma_start3A_739] : memref<512xf32, #tpu.memory_space<vmem>> -> memref<128xf32, #tpu.memory_space<vmem>>
    %dma_start3A_741 = arith.constant 0 : i32
    %dma_start3A_742 = tpu.memref_slice %arg9[%dma_start3A_738, %dma_start3A_741] : memref<4x128xi32, #tpu.memory_space<vmem>> -> memref<1x128xi32, #tpu.memory_space<vmem>>
    %dma_start3A_743 = tpu.memref_squeeze %dma_start3A_742 : memref<1x128xi32, #tpu.memory_space<vmem>> -> memref<128xi32, #tpu.memory_space<vmem>>
    %dma_start3A_744 = arith.constant 0 : i32
    %dma_start3A_745 = tpu.memref_slice %arg4[%dma_start3A_744] : memref<1000000xf32, #tpu.memory_space<hbm>> -> memref<1000000xf32, #tpu.memory_space<hbm>>
    tpu.enqueue_indirect_dma source(%dma_start3A_745 : memref<1000000xf32, #tpu.memory_space<hbm>>) target(%dma_start3A_740 : memref<128xf32, #tpu.memory_space<vmem>>) offsets(%dma_start3A_743 : memref<128xi32, #tpu.memory_space<vmem>>) semaphore(%arg16 : memref<!tpu.dma_semaphore, #tpu.memory_space<semaphore_mem>>)
    %dma_start3A_746 = arith.constant 3 : i32
    %dma_start3A_747 = arith.constant 384 : i32
    %dma_start3A_748 = tpu.memref_slice %arg14[%dma_start3A_747] : memref<512xf32, #tpu.memory_space<vmem>> -> memref<128xf32, #tpu.memory_space<vmem>>
    %dma_start3A_749 = arith.constant 0 : i32
    %dma_start3A_750 = tpu.memref_slice %arg10[%dma_start3A_746, %dma_start3A_749] : memref<4x128xi32, #tpu.memory_space<vmem>> -> memref<1x128xi32, #tpu.memory_space<vmem>>
    %dma_start3A_751 = tpu.memref_squeeze %dma_start3A_750 : memref<1x128xi32, #tpu.memory_space<vmem>> -> memref<128xi32, #tpu.memory_space<vmem>>
    %dma_start3A_752 = arith.constant 0 : i32
    %dma_start3A_753 = tpu.memref_slice %arg6[%dma_start3A_752] : memref<1000000xf32, #tpu.memory_space<hbm>> -> memref<1000000xf32, #tpu.memory_space<hbm>>
    tpu.enqueue_indirect_dma source(%dma_start3A_753 : memref<1000000xf32, #tpu.memory_space<hbm>>) target(%dma_start3A_748 : memref<128xf32, #tpu.memory_space<vmem>>) offsets(%dma_start3A_751 : memref<128xi32, #tpu.memory_space<vmem>>) semaphore(%arg16 : memref<!tpu.dma_semaphore, #tpu.memory_space<semaphore_mem>>)
    %dma_wait3A = arith.constant 0 : i32
    %dma_wait3A_754 = arith.constant 0 : i32
    %dma_wait3A_755 = arith.constant 0 : i32
    %dma_wait3A_756 = tpu.memref_slice %arg11[%dma_wait3A_754, %dma_wait3A_755] : memref<512x64xf32, #tpu.memory_space<vmem>> -> memref<128x64xf32, #tpu.memory_space<vmem>>
    %dma_wait3A_757 = arith.constant 0 : i32
    %dma_wait3A_758 = tpu.memref_slice %arg9[%dma_wait3A, %dma_wait3A_757] : memref<4x128xi32, #tpu.memory_space<vmem>> -> memref<1x128xi32, #tpu.memory_space<vmem>>
    %dma_wait3A_759 = tpu.memref_squeeze %dma_wait3A_758 : memref<1x128xi32, #tpu.memory_space<vmem>> -> memref<128xi32, #tpu.memory_space<vmem>>
    %dma_wait3A_760 = arith.constant 0 : i32
    %dma_wait3A_761 = arith.constant 0 : i32
    %dma_wait3A_762 = tpu.memref_slice %arg3[%dma_wait3A_760, %dma_wait3A_761] : memref<1000000x64xf32, #tpu.memory_space<hbm>> -> memref<1000000x64xf32, #tpu.memory_space<hbm>>
    tpu.wait_indirect_dma semaphore(%arg16 : memref<!tpu.dma_semaphore, #tpu.memory_space<semaphore_mem>>) src(%dma_wait3A_762 : memref<1000000x64xf32, #tpu.memory_space<hbm>>) dst(%dma_wait3A_756 : memref<128x64xf32, #tpu.memory_space<vmem>>)
    %dma_wait3A_763 = arith.constant 0 : i32
    %dma_wait3A_764 = arith.constant 0 : i32
    %dma_wait3A_765 = arith.constant 0 : i32
    %dma_wait3A_766 = tpu.memref_slice %arg12[%dma_wait3A_764, %dma_wait3A_765] : memref<512x64xf32, #tpu.memory_space<vmem>> -> memref<128x64xf32, #tpu.memory_space<vmem>>
    %dma_wait3A_767 = arith.constant 0 : i32
    %dma_wait3A_768 = tpu.memref_slice %arg10[%dma_wait3A_763, %dma_wait3A_767] : memref<4x128xi32, #tpu.memory_space<vmem>> -> memref<1x128xi32, #tpu.memory_space<vmem>>
    %dma_wait3A_769 = tpu.memref_squeeze %dma_wait3A_768 : memref<1x128xi32, #tpu.memory_space<vmem>> -> memref<128xi32, #tpu.memory_space<vmem>>
    %dma_wait3A_770 = arith.constant 0 : i32
    %dma_wait3A_771 = arith.constant 0 : i32
    %dma_wait3A_772 = tpu.memref_slice %arg5[%dma_wait3A_770, %dma_wait3A_771] : memref<1000000x64xf32, #tpu.memory_space<hbm>> -> memref<1000000x64xf32, #tpu.memory_space<hbm>>
    tpu.wait_indirect_dma semaphore(%arg16 : memref<!tpu.dma_semaphore, #tpu.memory_space<semaphore_mem>>) src(%dma_wait3A_772 : memref<1000000x64xf32, #tpu.memory_space<hbm>>) dst(%dma_wait3A_766 : memref<128x64xf32, #tpu.memory_space<vmem>>)
    %dma_wait3A_773 = arith.constant 0 : i32
    %dma_wait3A_774 = arith.constant 0 : i32
    %dma_wait3A_775 = tpu.memref_slice %arg13[%dma_wait3A_774] : memref<512xf32, #tpu.memory_space<vmem>> -> memref<128xf32, #tpu.memory_space<vmem>>
    %dma_wait3A_776 = arith.constant 0 : i32
    %dma_wait3A_777 = tpu.memref_slice %arg9[%dma_wait3A_773, %dma_wait3A_776] : memref<4x128xi32, #tpu.memory_space<vmem>> -> memref<1x128xi32, #tpu.memory_space<vmem>>
    %dma_wait3A_778 = tpu.memref_squeeze %dma_wait3A_777 : memref<1x128xi32, #tpu.memory_space<vmem>> -> memref<128xi32, #tpu.memory_space<vmem>>
    %dma_wait3A_779 = arith.constant 0 : i32
    %dma_wait3A_780 = tpu.memref_slice %arg4[%dma_wait3A_779] : memref<1000000xf32, #tpu.memory_space<hbm>> -> memref<1000000xf32, #tpu.memory_space<hbm>>
    tpu.wait_indirect_dma semaphore(%arg16 : memref<!tpu.dma_semaphore, #tpu.memory_space<semaphore_mem>>) src(%dma_wait3A_780 : memref<1000000xf32, #tpu.memory_space<hbm>>) dst(%dma_wait3A_775 : memref<128xf32, #tpu.memory_space<vmem>>)
    %dma_wait3A_781 = arith.constant 0 : i32
    %dma_wait3A_782 = arith.constant 0 : i32
    %dma_wait3A_783 = tpu.memref_slice %arg14[%dma_wait3A_782] : memref<512xf32, #tpu.memory_space<vmem>> -> memref<128xf32, #tpu.memory_space<vmem>>
    %dma_wait3A_784 = arith.constant 0 : i32
    %dma_wait3A_785 = tpu.memref_slice %arg10[%dma_wait3A_781, %dma_wait3A_784] : memref<4x128xi32, #tpu.memory_space<vmem>> -> memref<1x128xi32, #tpu.memory_space<vmem>>
    %dma_wait3A_786 = tpu.memref_squeeze %dma_wait3A_785 : memref<1x128xi32, #tpu.memory_space<vmem>> -> memref<128xi32, #tpu.memory_space<vmem>>
    %dma_wait3A_787 = arith.constant 0 : i32
    %dma_wait3A_788 = tpu.memref_slice %arg6[%dma_wait3A_787] : memref<1000000xf32, #tpu.memory_space<hbm>> -> memref<1000000xf32, #tpu.memory_space<hbm>>
    tpu.wait_indirect_dma semaphore(%arg16 : memref<!tpu.dma_semaphore, #tpu.memory_space<semaphore_mem>>) src(%dma_wait3A_788 : memref<1000000xf32, #tpu.memory_space<hbm>>) dst(%dma_wait3A_783 : memref<128xf32, #tpu.memory_space<vmem>>)
    %dma_wait3A_789 = arith.constant 1 : i32
    %dma_wait3A_790 = arith.constant 128 : i32
    %dma_wait3A_791 = arith.constant 0 : i32
    %dma_wait3A_792 = tpu.memref_slice %arg11[%dma_wait3A_790, %dma_wait3A_791] : memref<512x64xf32, #tpu.memory_space<vmem>> -> memref<128x64xf32, #tpu.memory_space<vmem>>
    %dma_wait3A_793 = arith.constant 0 : i32
    %dma_wait3A_794 = tpu.memref_slice %arg9[%dma_wait3A_789, %dma_wait3A_793] : memref<4x128xi32, #tpu.memory_space<vmem>> -> memref<1x128xi32, #tpu.memory_space<vmem>>
    %dma_wait3A_795 = tpu.memref_squeeze %dma_wait3A_794 : memref<1x128xi32, #tpu.memory_space<vmem>> -> memref<128xi32, #tpu.memory_space<vmem>>
    %dma_wait3A_796 = arith.constant 0 : i32
    %dma_wait3A_797 = arith.constant 0 : i32
    %dma_wait3A_798 = tpu.memref_slice %arg3[%dma_wait3A_796, %dma_wait3A_797] : memref<1000000x64xf32, #tpu.memory_space<hbm>> -> memref<1000000x64xf32, #tpu.memory_space<hbm>>
    tpu.wait_indirect_dma semaphore(%arg16 : memref<!tpu.dma_semaphore, #tpu.memory_space<semaphore_mem>>) src(%dma_wait3A_798 : memref<1000000x64xf32, #tpu.memory_space<hbm>>) dst(%dma_wait3A_792 : memref<128x64xf32, #tpu.memory_space<vmem>>)
    %dma_wait3A_799 = arith.constant 1 : i32
    %dma_wait3A_800 = arith.constant 128 : i32
    %dma_wait3A_801 = arith.constant 0 : i32
    %dma_wait3A_802 = tpu.memref_slice %arg12[%dma_wait3A_800, %dma_wait3A_801] : memref<512x64xf32, #tpu.memory_space<vmem>> -> memref<128x64xf32, #tpu.memory_space<vmem>>
    %dma_wait3A_803 = arith.constant 0 : i32
    %dma_wait3A_804 = tpu.memref_slice %arg10[%dma_wait3A_799, %dma_wait3A_803] : memref<4x128xi32, #tpu.memory_space<vmem>> -> memref<1x128xi32, #tpu.memory_space<vmem>>
    %dma_wait3A_805 = tpu.memref_squeeze %dma_wait3A_804 : memref<1x128xi32, #tpu.memory_space<vmem>> -> memref<128xi32, #tpu.memory_space<vmem>>
    %dma_wait3A_806 = arith.constant 0 : i32
    %dma_wait3A_807 = arith.constant 0 : i32
    %dma_wait3A_808 = tpu.memref_slice %arg5[%dma_wait3A_806, %dma_wait3A_807] : memref<1000000x64xf32, #tpu.memory_space<hbm>> -> memref<1000000x64xf32, #tpu.memory_space<hbm>>
    tpu.wait_indirect_dma semaphore(%arg16 : memref<!tpu.dma_semaphore, #tpu.memory_space<semaphore_mem>>) src(%dma_wait3A_808 : memref<1000000x64xf32, #tpu.memory_space<hbm>>) dst(%dma_wait3A_802 : memref<128x64xf32, #tpu.memory_space<vmem>>)
    %dma_wait3A_809 = arith.constant 1 : i32
    %dma_wait3A_810 = arith.constant 128 : i32
    %dma_wait3A_811 = tpu.memref_slice %arg13[%dma_wait3A_810] : memref<512xf32, #tpu.memory_space<vmem>> -> memref<128xf32, #tpu.memory_space<vmem>>
    %dma_wait3A_812 = arith.constant 0 : i32
    %dma_wait3A_813 = tpu.memref_slice %arg9[%dma_wait3A_809, %dma_wait3A_812] : memref<4x128xi32, #tpu.memory_space<vmem>> -> memref<1x128xi32, #tpu.memory_space<vmem>>
    %dma_wait3A_814 = tpu.memref_squeeze %dma_wait3A_813 : memref<1x128xi32, #tpu.memory_space<vmem>> -> memref<128xi32, #tpu.memory_space<vmem>>
    %dma_wait3A_815 = arith.constant 0 : i32
    %dma_wait3A_816 = tpu.memref_slice %arg4[%dma_wait3A_815] : memref<1000000xf32, #tpu.memory_space<hbm>> -> memref<1000000xf32, #tpu.memory_space<hbm>>
    tpu.wait_indirect_dma semaphore(%arg16 : memref<!tpu.dma_semaphore, #tpu.memory_space<semaphore_mem>>) src(%dma_wait3A_816 : memref<1000000xf32, #tpu.memory_space<hbm>>) dst(%dma_wait3A_811 : memref<128xf32, #tpu.memory_space<vmem>>)
    %dma_wait3A_817 = arith.constant 1 : i32
    %dma_wait3A_818 = arith.constant 128 : i32
    %dma_wait3A_819 = tpu.memref_slice %arg14[%dma_wait3A_818] : memref<512xf32, #tpu.memory_space<vmem>> -> memref<128xf32, #tpu.memory_space<vmem>>
    %dma_wait3A_820 = arith.constant 0 : i32
    %dma_wait3A_821 = tpu.memref_slice %arg10[%dma_wait3A_817, %dma_wait3A_820] : memref<4x128xi32, #tpu.memory_space<vmem>> -> memref<1x128xi32, #tpu.memory_space<vmem>>
    %dma_wait3A_822 = tpu.memref_squeeze %dma_wait3A_821 : memref<1x128xi32, #tpu.memory_space<vmem>> -> memref<128xi32, #tpu.memory_space<vmem>>
    %dma_wait3A_823 = arith.constant 0 : i32
    %dma_wait3A_824 = tpu.memref_slice %arg6[%dma_wait3A_823] : memref<1000000xf32, #tpu.memory_space<hbm>> -> memref<1000000xf32, #tpu.memory_space<hbm>>
    tpu.wait_indirect_dma semaphore(%arg16 : memref<!tpu.dma_semaphore, #tpu.memory_space<semaphore_mem>>) src(%dma_wait3A_824 : memref<1000000xf32, #tpu.memory_space<hbm>>) dst(%dma_wait3A_819 : memref<128xf32, #tpu.memory_space<vmem>>)
    %dma_wait3A_825 = arith.constant 2 : i32
    %dma_wait3A_826 = arith.constant 256 : i32
    %dma_wait3A_827 = arith.constant 0 : i32
    %dma_wait3A_828 = tpu.memref_slice %arg11[%dma_wait3A_826, %dma_wait3A_827] : memref<512x64xf32, #tpu.memory_space<vmem>> -> memref<128x64xf32, #tpu.memory_space<vmem>>
    %dma_wait3A_829 = arith.constant 0 : i32
    %dma_wait3A_830 = tpu.memref_slice %arg9[%dma_wait3A_825, %dma_wait3A_829] : memref<4x128xi32, #tpu.memory_space<vmem>> -> memref<1x128xi32, #tpu.memory_space<vmem>>
    %dma_wait3A_831 = tpu.memref_squeeze %dma_wait3A_830 : memref<1x128xi32, #tpu.memory_space<vmem>> -> memref<128xi32, #tpu.memory_space<vmem>>
    %dma_wait3A_832 = arith.constant 0 : i32
    %dma_wait3A_833 = arith.constant 0 : i32
    %dma_wait3A_834 = tpu.memref_slice %arg3[%dma_wait3A_832, %dma_wait3A_833] : memref<1000000x64xf32, #tpu.memory_space<hbm>> -> memref<1000000x64xf32, #tpu.memory_space<hbm>>
    tpu.wait_indirect_dma semaphore(%arg16 : memref<!tpu.dma_semaphore, #tpu.memory_space<semaphore_mem>>) src(%dma_wait3A_834 : memref<1000000x64xf32, #tpu.memory_space<hbm>>) dst(%dma_wait3A_828 : memref<128x64xf32, #tpu.memory_space<vmem>>)
    %dma_wait3A_835 = arith.constant 2 : i32
    %dma_wait3A_836 = arith.constant 256 : i32
    %dma_wait3A_837 = arith.constant 0 : i32
    %dma_wait3A_838 = tpu.memref_slice %arg12[%dma_wait3A_836, %dma_wait3A_837] : memref<512x64xf32, #tpu.memory_space<vmem>> -> memref<128x64xf32, #tpu.memory_space<vmem>>
    %dma_wait3A_839 = arith.constant 0 : i32
    %dma_wait3A_840 = tpu.memref_slice %arg10[%dma_wait3A_835, %dma_wait3A_839] : memref<4x128xi32, #tpu.memory_space<vmem>> -> memref<1x128xi32, #tpu.memory_space<vmem>>
    %dma_wait3A_841 = tpu.memref_squeeze %dma_wait3A_840 : memref<1x128xi32, #tpu.memory_space<vmem>> -> memref<128xi32, #tpu.memory_space<vmem>>
    %dma_wait3A_842 = arith.constant 0 : i32
    %dma_wait3A_843 = arith.constant 0 : i32
    %dma_wait3A_844 = tpu.memref_slice %arg5[%dma_wait3A_842, %dma_wait3A_843] : memref<1000000x64xf32, #tpu.memory_space<hbm>> -> memref<1000000x64xf32, #tpu.memory_space<hbm>>
    tpu.wait_indirect_dma semaphore(%arg16 : memref<!tpu.dma_semaphore, #tpu.memory_space<semaphore_mem>>) src(%dma_wait3A_844 : memref<1000000x64xf32, #tpu.memory_space<hbm>>) dst(%dma_wait3A_838 : memref<128x64xf32, #tpu.memory_space<vmem>>)
    %dma_wait3A_845 = arith.constant 2 : i32
    %dma_wait3A_846 = arith.constant 256 : i32
    %dma_wait3A_847 = tpu.memref_slice %arg13[%dma_wait3A_846] : memref<512xf32, #tpu.memory_space<vmem>> -> memref<128xf32, #tpu.memory_space<vmem>>
    %dma_wait3A_848 = arith.constant 0 : i32
    %dma_wait3A_849 = tpu.memref_slice %arg9[%dma_wait3A_845, %dma_wait3A_848] : memref<4x128xi32, #tpu.memory_space<vmem>> -> memref<1x128xi32, #tpu.memory_space<vmem>>
    %dma_wait3A_850 = tpu.memref_squeeze %dma_wait3A_849 : memref<1x128xi32, #tpu.memory_space<vmem>> -> memref<128xi32, #tpu.memory_space<vmem>>
    %dma_wait3A_851 = arith.constant 0 : i32
    %dma_wait3A_852 = tpu.memref_slice %arg4[%dma_wait3A_851] : memref<1000000xf32, #tpu.memory_space<hbm>> -> memref<1000000xf32, #tpu.memory_space<hbm>>
    tpu.wait_indirect_dma semaphore(%arg16 : memref<!tpu.dma_semaphore, #tpu.memory_space<semaphore_mem>>) src(%dma_wait3A_852 : memref<1000000xf32, #tpu.memory_space<hbm>>) dst(%dma_wait3A_847 : memref<128xf32, #tpu.memory_space<vmem>>)
    %dma_wait3A_853 = arith.constant 2 : i32
    %dma_wait3A_854 = arith.constant 256 : i32
    %dma_wait3A_855 = tpu.memref_slice %arg14[%dma_wait3A_854] : memref<512xf32, #tpu.memory_space<vmem>> -> memref<128xf32, #tpu.memory_space<vmem>>
    %dma_wait3A_856 = arith.constant 0 : i32
    %dma_wait3A_857 = tpu.memref_slice %arg10[%dma_wait3A_853, %dma_wait3A_856] : memref<4x128xi32, #tpu.memory_space<vmem>> -> memref<1x128xi32, #tpu.memory_space<vmem>>
    %dma_wait3A_858 = tpu.memref_squeeze %dma_wait3A_857 : memref<1x128xi32, #tpu.memory_space<vmem>> -> memref<128xi32, #tpu.memory_space<vmem>>
    %dma_wait3A_859 = arith.constant 0 : i32
    %dma_wait3A_860 = tpu.memref_slice %arg6[%dma_wait3A_859] : memref<1000000xf32, #tpu.memory_space<hbm>> -> memref<1000000xf32, #tpu.memory_space<hbm>>
    tpu.wait_indirect_dma semaphore(%arg16 : memref<!tpu.dma_semaphore, #tpu.memory_space<semaphore_mem>>) src(%dma_wait3A_860 : memref<1000000xf32, #tpu.memory_space<hbm>>) dst(%dma_wait3A_855 : memref<128xf32, #tpu.memory_space<vmem>>)
    %dma_wait3A_861 = arith.constant 3 : i32
    %dma_wait3A_862 = arith.constant 384 : i32
    %dma_wait3A_863 = arith.constant 0 : i32
    %dma_wait3A_864 = tpu.memref_slice %arg11[%dma_wait3A_862, %dma_wait3A_863] : memref<512x64xf32, #tpu.memory_space<vmem>> -> memref<128x64xf32, #tpu.memory_space<vmem>>
    %dma_wait3A_865 = arith.constant 0 : i32
    %dma_wait3A_866 = tpu.memref_slice %arg9[%dma_wait3A_861, %dma_wait3A_865] : memref<4x128xi32, #tpu.memory_space<vmem>> -> memref<1x128xi32, #tpu.memory_space<vmem>>
    %dma_wait3A_867 = tpu.memref_squeeze %dma_wait3A_866 : memref<1x128xi32, #tpu.memory_space<vmem>> -> memref<128xi32, #tpu.memory_space<vmem>>
    %dma_wait3A_868 = arith.constant 0 : i32
    %dma_wait3A_869 = arith.constant 0 : i32
    %dma_wait3A_870 = tpu.memref_slice %arg3[%dma_wait3A_868, %dma_wait3A_869] : memref<1000000x64xf32, #tpu.memory_space<hbm>> -> memref<1000000x64xf32, #tpu.memory_space<hbm>>
    tpu.wait_indirect_dma semaphore(%arg16 : memref<!tpu.dma_semaphore, #tpu.memory_space<semaphore_mem>>) src(%dma_wait3A_870 : memref<1000000x64xf32, #tpu.memory_space<hbm>>) dst(%dma_wait3A_864 : memref<128x64xf32, #tpu.memory_space<vmem>>)
    %dma_wait3A_871 = arith.constant 3 : i32
    %dma_wait3A_872 = arith.constant 384 : i32
    %dma_wait3A_873 = arith.constant 0 : i32
    %dma_wait3A_874 = tpu.memref_slice %arg12[%dma_wait3A_872, %dma_wait3A_873] : memref<512x64xf32, #tpu.memory_space<vmem>> -> memref<128x64xf32, #tpu.memory_space<vmem>>
    %dma_wait3A_875 = arith.constant 0 : i32
    %dma_wait3A_876 = tpu.memref_slice %arg10[%dma_wait3A_871, %dma_wait3A_875] : memref<4x128xi32, #tpu.memory_space<vmem>> -> memref<1x128xi32, #tpu.memory_space<vmem>>
    %dma_wait3A_877 = tpu.memref_squeeze %dma_wait3A_876 : memref<1x128xi32, #tpu.memory_space<vmem>> -> memref<128xi32, #tpu.memory_space<vmem>>
    %dma_wait3A_878 = arith.constant 0 : i32
    %dma_wait3A_879 = arith.constant 0 : i32
    %dma_wait3A_880 = tpu.memref_slice %arg5[%dma_wait3A_878, %dma_wait3A_879] : memref<1000000x64xf32, #tpu.memory_space<hbm>> -> memref<1000000x64xf32, #tpu.memory_space<hbm>>
    tpu.wait_indirect_dma semaphore(%arg16 : memref<!tpu.dma_semaphore, #tpu.memory_space<semaphore_mem>>) src(%dma_wait3A_880 : memref<1000000x64xf32, #tpu.memory_space<hbm>>) dst(%dma_wait3A_874 : memref<128x64xf32, #tpu.memory_space<vmem>>)
    %dma_wait3A_881 = arith.constant 3 : i32
    %dma_wait3A_882 = arith.constant 384 : i32
    %dma_wait3A_883 = tpu.memref_slice %arg13[%dma_wait3A_882] : memref<512xf32, #tpu.memory_space<vmem>> -> memref<128xf32, #tpu.memory_space<vmem>>
    %dma_wait3A_884 = arith.constant 0 : i32
    %dma_wait3A_885 = tpu.memref_slice %arg9[%dma_wait3A_881, %dma_wait3A_884] : memref<4x128xi32, #tpu.memory_space<vmem>> -> memref<1x128xi32, #tpu.memory_space<vmem>>
    %dma_wait3A_886 = tpu.memref_squeeze %dma_wait3A_885 : memref<1x128xi32, #tpu.memory_space<vmem>> -> memref<128xi32, #tpu.memory_space<vmem>>
    %dma_wait3A_887 = arith.constant 0 : i32
    %dma_wait3A_888 = tpu.memref_slice %arg4[%dma_wait3A_887] : memref<1000000xf32, #tpu.memory_space<hbm>> -> memref<1000000xf32, #tpu.memory_space<hbm>>
    tpu.wait_indirect_dma semaphore(%arg16 : memref<!tpu.dma_semaphore, #tpu.memory_space<semaphore_mem>>) src(%dma_wait3A_888 : memref<1000000xf32, #tpu.memory_space<hbm>>) dst(%dma_wait3A_883 : memref<128xf32, #tpu.memory_space<vmem>>)
    %dma_wait3A_889 = arith.constant 3 : i32
    %dma_wait3A_890 = arith.constant 384 : i32
    %dma_wait3A_891 = tpu.memref_slice %arg14[%dma_wait3A_890] : memref<512xf32, #tpu.memory_space<vmem>> -> memref<128xf32, #tpu.memory_space<vmem>>
    %dma_wait3A_892 = arith.constant 0 : i32
    %dma_wait3A_893 = tpu.memref_slice %arg10[%dma_wait3A_889, %dma_wait3A_892] : memref<4x128xi32, #tpu.memory_space<vmem>> -> memref<1x128xi32, #tpu.memory_space<vmem>>
    %dma_wait3A_894 = tpu.memref_squeeze %dma_wait3A_893 : memref<1x128xi32, #tpu.memory_space<vmem>> -> memref<128xi32, #tpu.memory_space<vmem>>
    %dma_wait3A_895 = arith.constant 0 : i32
    %dma_wait3A_896 = tpu.memref_slice %arg6[%dma_wait3A_895] : memref<1000000xf32, #tpu.memory_space<hbm>> -> memref<1000000xf32, #tpu.memory_space<hbm>>
    tpu.wait_indirect_dma semaphore(%arg16 : memref<!tpu.dma_semaphore, #tpu.memory_space<semaphore_mem>>) src(%dma_wait3A_896 : memref<1000000xf32, #tpu.memory_space<hbm>>) dst(%dma_wait3A_891 : memref<128xf32, #tpu.memory_space<vmem>>)
    %scan3A = arith.constant 0 : i32
    %scan3A_897 = arith.constant 0 : i32
    %scan3A_898 = arith.constant 32 : i32
    %scan3A_899 = arith.addi %scan3A_897, %scan3A_898 : i32
    %scan3A_900 = arith.constant 1 : i32
    scf.for %scan3A_902 = %scan3A_897 to %scan3A_899 step %scan3A_900  : i32 {
      %broadcast_in_dim3A = arith.constant 0.000000e+00 : f32
      %broadcast_in_dim3A_903 = vector.broadcast %broadcast_in_dim3A : f32 to vector<16xf32>
      %mul3A_904 = arith.constant 16 : i32
      %mul3A_905 = arith.muli %scan3A_902, %mul3A_904 : i32
      %add3A_906 = arith.constant 0 : i32
      %add3A_907 = arith.addi %mul3A_905, %add3A_906 : i32
      %get3A = arith.index_cast %add3A_907 : i32 to index
      %get3A_908 = arith.constant 0 : index
      %get3A_909 = tpu.vector_load %arg11[%get3A, %get3A_908] {strides = array<i32>} : memref<512x64xf32, #tpu.memory_space<vmem>>, vector<16xf32>,
      %get3A_910 = arith.index_cast %add3A_907 : i32 to index
      %get3A_911 = arith.constant 0 : index
      %get3A_912 = tpu.vector_load %arg12[%get3A_910, %get3A_911] {strides = array<i32>} : memref<512x64xf32, #tpu.memory_space<vmem>>, vector<16xf32>,
      %mul3A_913 = arith.mulf %get3A_909, %get3A_912 : vector<16xf32>
      %get3A_914 = arith.index_cast %add3A_907 : i32 to index
      %get3A_915 = arith.constant 16 : index
      %get3A_916 = tpu.vector_load %arg11[%get3A_914, %get3A_915] {strides = array<i32>} : memref<512x64xf32, #tpu.memory_space<vmem>>, vector<16xf32>,
      %get3A_917 = arith.index_cast %add3A_907 : i32 to index
      %get3A_918 = arith.constant 16 : index
      %get3A_919 = tpu.vector_load %arg12[%get3A_917, %get3A_918] {strides = array<i32>} : memref<512x64xf32, #tpu.memory_space<vmem>>, vector<16xf32>,
      %mul3A_920 = arith.mulf %get3A_916, %get3A_919 : vector<16xf32>
      %add3A_921 = arith.addf %mul3A_913, %mul3A_920 : vector<16xf32>
      %get3A_922 = arith.index_cast %add3A_907 : i32 to index
      %get3A_923 = arith.constant 32 : index
      %get3A_924 = tpu.vector_load %arg11[%get3A_922, %get3A_923] {strides = array<i32>} : memref<512x64xf32, #tpu.memory_space<vmem>>, vector<16xf32>,
      %get3A_925 = arith.index_cast %add3A_907 : i32 to index
      %get3A_926 = arith.constant 32 : index
      %get3A_927 = tpu.vector_load %arg12[%get3A_925, %get3A_926] {strides = array<i32>} : memref<512x64xf32, #tpu.memory_space<vmem>>, vector<16xf32>,
      %mul3A_928 = arith.mulf %get3A_924, %get3A_927 : vector<16xf32>
      %add3A_929 = arith.addf %add3A_921, %mul3A_928 : vector<16xf32>
      %get3A_930 = arith.index_cast %add3A_907 : i32 to index
      %get3A_931 = arith.constant 48 : index
      %get3A_932 = tpu.vector_load %arg11[%get3A_930, %get3A_931] {strides = array<i32>} : memref<512x64xf32, #tpu.memory_space<vmem>>, vector<16xf32>,
      %get3A_933 = arith.index_cast %add3A_907 : i32 to index
      %get3A_934 = arith.constant 48 : index
      %get3A_935 = tpu.vector_load %arg12[%get3A_933, %get3A_934] {strides = array<i32>} : memref<512x64xf32, #tpu.memory_space<vmem>>, vector<16xf32>,
      %mul3A_936 = arith.mulf %get3A_932, %get3A_935 : vector<16xf32>
      %add3A_937 = arith.addf %add3A_929, %mul3A_936 : vector<16xf32>
      %eq3A = arith.constant 0 : i32
      %eq3A_938 = vector.broadcast %eq3A : i32 to vector<16xi32>
      %eq3A_939 = arith.cmpi eq, %iota3A, %eq3A_938 : vector<16xi32>
      %reduce_sum3A = arith.constant true
      %reduce_sum3A_940 = vector.broadcast %reduce_sum3A : i1 to vector<16xi1>
      %reduce_sum3A_941 = tpu.scan <sum>, %add3A_937 masked %reduce_sum3A_940 : vector<16xf32>, vector<16xi1> -> vector<16xf32>
      %reduce_sum3A_942 = vector.extract %reduce_sum3A_941[15] : f32 from vector<16xf32>
      %broadcast_in_dim3A_943 = vector.broadcast %reduce_sum3A_942 : f32 to vector<16xf32>
      %select_n3A = arith.select %eq3A_939, %broadcast_in_dim3A_943, %broadcast_in_dim3A_903 : vector<16xi1>, vector<16xf32>
      %mul3A_944 = arith.constant 16 : i32
      %mul3A_945 = arith.muli %scan3A_902, %mul3A_944 : i32
      %add3A_946 = arith.constant 1 : i32
      %add3A_947 = arith.addi %mul3A_945, %add3A_946 : i32
      %get3A_948 = arith.index_cast %add3A_947 : i32 to index
      %get3A_949 = arith.constant 0 : index
      %get3A_950 = tpu.vector_load %arg11[%get3A_948, %get3A_949] {strides = array<i32>} : memref<512x64xf32, #tpu.memory_space<vmem>>, vector<16xf32>,
      %get3A_951 = arith.index_cast %add3A_947 : i32 to index
      %get3A_952 = arith.constant 0 : index
      %get3A_953 = tpu.vector_load %arg12[%get3A_951, %get3A_952] {strides = array<i32>} : memref<512x64xf32, #tpu.memory_space<vmem>>, vector<16xf32>,
      %mul3A_954 = arith.mulf %get3A_950, %get3A_953 : vector<16xf32>
      %get3A_955 = arith.index_cast %add3A_947 : i32 to index
      %get3A_956 = arith.constant 16 : index
      %get3A_957 = tpu.vector_load %arg11[%get3A_955, %get3A_956] {strides = array<i32>} : memref<512x64xf32, #tpu.memory_space<vmem>>, vector<16xf32>,
      %get3A_958 = arith.index_cast %add3A_947 : i32 to index
      %get3A_959 = arith.constant 16 : index
      %get3A_960 = tpu.vector_load %arg12[%get3A_958, %get3A_959] {strides = array<i32>} : memref<512x64xf32, #tpu.memory_space<vmem>>, vector<16xf32>,
      %mul3A_961 = arith.mulf %get3A_957, %get3A_960 : vector<16xf32>
      %add3A_962 = arith.addf %mul3A_954, %mul3A_961 : vector<16xf32>
      %get3A_963 = arith.index_cast %add3A_947 : i32 to index
      %get3A_964 = arith.constant 32 : index
      %get3A_965 = tpu.vector_load %arg11[%get3A_963, %get3A_964] {strides = array<i32>} : memref<512x64xf32, #tpu.memory_space<vmem>>, vector<16xf32>,
      %get3A_966 = arith.index_cast %add3A_947 : i32 to index
      %get3A_967 = arith.constant 32 : index
      %get3A_968 = tpu.vector_load %arg12[%get3A_966, %get3A_967] {strides = array<i32>} : memref<512x64xf32, #tpu.memory_space<vmem>>, vector<16xf32>,
      %mul3A_969 = arith.mulf %get3A_965, %get3A_968 : vector<16xf32>
      %add3A_970 = arith.addf %add3A_962, %mul3A_969 : vector<16xf32>
      %get3A_971 = arith.index_cast %add3A_947 : i32 to index
      %get3A_972 = arith.constant 48 : index
      %get3A_973 = tpu.vector_load %arg11[%get3A_971, %get3A_972] {strides = array<i32>} : memref<512x64xf32, #tpu.memory_space<vmem>>, vector<16xf32>,
      %get3A_974 = arith.index_cast %add3A_947 : i32 to index
      %get3A_975 = arith.constant 48 : index
      %get3A_976 = tpu.vector_load %arg12[%get3A_974, %get3A_975] {strides = array<i32>} : memref<512x64xf32, #tpu.memory_space<vmem>>, vector<16xf32>,
      %mul3A_977 = arith.mulf %get3A_973, %get3A_976 : vector<16xf32>
      %add3A_978 = arith.addf %add3A_970, %mul3A_977 : vector<16xf32>
      %eq3A_979 = arith.constant 1 : i32
      %eq3A_980 = vector.broadcast %eq3A_979 : i32 to vector<16xi32>
      %eq3A_981 = arith.cmpi eq, %iota3A, %eq3A_980 : vector<16xi32>
      %reduce_sum3A_982 = arith.constant true
      %reduce_sum3A_983 = vector.broadcast %reduce_sum3A_982 : i1 to vector<16xi1>
      %reduce_sum3A_984 = tpu.scan <sum>, %add3A_978 masked %reduce_sum3A_983 : vector<16xf32>, vector<16xi1> -> vector<16xf32>
      %reduce_sum3A_985 = vector.extract %reduce_sum3A_984[15] : f32 from vector<16xf32>
      %broadcast_in_dim3A_986 = vector.broadcast %reduce_sum3A_985 : f32 to vector<16xf32>
      %select_n3A_987 = arith.select %eq3A_981, %broadcast_in_dim3A_986, %select_n3A : vector<16xi1>, vector<16xf32>
      %mul3A_988 = arith.constant 16 : i32
      %mul3A_989 = arith.muli %scan3A_902, %mul3A_988 : i32
      %add3A_990 = arith.constant 2 : i32
      %add3A_991 = arith.addi %mul3A_989, %add3A_990 : i32
      %get3A_992 = arith.index_cast %add3A_991 : i32 to index
      %get3A_993 = arith.constant 0 : index
      %get3A_994 = tpu.vector_load %arg11[%get3A_992, %get3A_993] {strides = array<i32>} : memref<512x64xf32, #tpu.memory_space<vmem>>, vector<16xf32>,
      %get3A_995 = arith.index_cast %add3A_991 : i32 to index
      %get3A_996 = arith.constant 0 : index
      %get3A_997 = tpu.vector_load %arg12[%get3A_995, %get3A_996] {strides = array<i32>} : memref<512x64xf32, #tpu.memory_space<vmem>>, vector<16xf32>,
      %mul3A_998 = arith.mulf %get3A_994, %get3A_997 : vector<16xf32>
      %get3A_999 = arith.index_cast %add3A_991 : i32 to index
      %get3A_1000 = arith.constant 16 : index
      %get3A_1001 = tpu.vector_load %arg11[%get3A_999, %get3A_1000] {strides = array<i32>} : memref<512x64xf32, #tpu.memory_space<vmem>>, vector<16xf32>,
      %get3A_1002 = arith.index_cast %add3A_991 : i32 to index
      %get3A_1003 = arith.constant 16 : index
      %get3A_1004 = tpu.vector_load %arg12[%get3A_1002, %get3A_1003] {strides = array<i32>} : memref<512x64xf32, #tpu.memory_space<vmem>>, vector<16xf32>,
      %mul3A_1005 = arith.mulf %get3A_1001, %get3A_1004 : vector<16xf32>
      %add3A_1006 = arith.addf %mul3A_998, %mul3A_1005 : vector<16xf32>
      %get3A_1007 = arith.index_cast %add3A_991 : i32 to index
      %get3A_1008 = arith.constant 32 : index
      %get3A_1009 = tpu.vector_load %arg11[%get3A_1007, %get3A_1008] {strides = array<i32>} : memref<512x64xf32, #tpu.memory_space<vmem>>, vector<16xf32>,
      %get3A_1010 = arith.index_cast %add3A_991 : i32 to index
      %get3A_1011 = arith.constant 32 : index
      %get3A_1012 = tpu.vector_load %arg12[%get3A_1010, %get3A_1011] {strides = array<i32>} : memref<512x64xf32, #tpu.memory_space<vmem>>, vector<16xf32>,
      %mul3A_1013 = arith.mulf %get3A_1009, %get3A_1012 : vector<16xf32>
      %add3A_1014 = arith.addf %add3A_1006, %mul3A_1013 : vector<16xf32>
      %get3A_1015 = arith.index_cast %add3A_991 : i32 to index
      %get3A_1016 = arith.constant 48 : index
      %get3A_1017 = tpu.vector_load %arg11[%get3A_1015, %get3A_1016] {strides = array<i32>} : memref<512x64xf32, #tpu.memory_space<vmem>>, vector<16xf32>,
      %get3A_1018 = arith.index_cast %add3A_991 : i32 to index
      %get3A_1019 = arith.constant 48 : index
      %get3A_1020 = tpu.vector_load %arg12[%get3A_1018, %get3A_1019] {strides = array<i32>} : memref<512x64xf32, #tpu.memory_space<vmem>>, vector<16xf32>,
      %mul3A_1021 = arith.mulf %get3A_1017, %get3A_1020 : vector<16xf32>
      %add3A_1022 = arith.addf %add3A_1014, %mul3A_1021 : vector<16xf32>
      %eq3A_1023 = arith.constant 2 : i32
      %eq3A_1024 = vector.broadcast %eq3A_1023 : i32 to vector<16xi32>
      %eq3A_1025 = arith.cmpi eq, %iota3A, %eq3A_1024 : vector<16xi32>
      %reduce_sum3A_1026 = arith.constant true
      %reduce_sum3A_1027 = vector.broadcast %reduce_sum3A_1026 : i1 to vector<16xi1>
      %reduce_sum3A_1028 = tpu.scan <sum>, %add3A_1022 masked %reduce_sum3A_1027 : vector<16xf32>, vector<16xi1> -> vector<16xf32>
      %reduce_sum3A_1029 = vector.extract %reduce_sum3A_1028[15] : f32 from vector<16xf32>
      %broadcast_in_dim3A_1030 = vector.broadcast %reduce_sum3A_1029 : f32 to vector<16xf32>
      %select_n3A_1031 = arith.select %eq3A_1025, %broadcast_in_dim3A_1030, %select_n3A_987 : vector<16xi1>, vector<16xf32>
      %mul3A_1032 = arith.constant 16 : i32
      %mul3A_1033 = arith.muli %scan3A_902, %mul3A_1032 : i32
      %add3A_1034 = arith.constant 3 : i32
      %add3A_1035 = arith.addi %mul3A_1033, %add3A_1034 : i32
      %get3A_1036 = arith.index_cast %add3A_1035 : i32 to index
      %get3A_1037 = arith.constant 0 : index
      %get3A_1038 = tpu.vector_load %arg11[%get3A_1036, %get3A_1037] {strides = array<i32>} : memref<512x64xf32, #tpu.memory_space<vmem>>, vector<16xf32>,
      %get3A_1039 = arith.index_cast %add3A_1035 : i32 to index
      %get3A_1040 = arith.constant 0 : index
      %get3A_1041 = tpu.vector_load %arg12[%get3A_1039, %get3A_1040] {strides = array<i32>} : memref<512x64xf32, #tpu.memory_space<vmem>>, vector<16xf32>,
      %mul3A_1042 = arith.mulf %get3A_1038, %get3A_1041 : vector<16xf32>
      %get3A_1043 = arith.index_cast %add3A_1035 : i32 to index
      %get3A_1044 = arith.constant 16 : index
      %get3A_1045 = tpu.vector_load %arg11[%get3A_1043, %get3A_1044] {strides = array<i32>} : memref<512x64xf32, #tpu.memory_space<vmem>>, vector<16xf32>,
      %get3A_1046 = arith.index_cast %add3A_1035 : i32 to index
      %get3A_1047 = arith.constant 16 : index
      %get3A_1048 = tpu.vector_load %arg12[%get3A_1046, %get3A_1047] {strides = array<i32>} : memref<512x64xf32, #tpu.memory_space<vmem>>, vector<16xf32>,
      %mul3A_1049 = arith.mulf %get3A_1045, %get3A_1048 : vector<16xf32>
      %add3A_1050 = arith.addf %mul3A_1042, %mul3A_1049 : vector<16xf32>
      %get3A_1051 = arith.index_cast %add3A_1035 : i32 to index
      %get3A_1052 = arith.constant 32 : index
      %get3A_1053 = tpu.vector_load %arg11[%get3A_1051, %get3A_1052] {strides = array<i32>} : memref<512x64xf32, #tpu.memory_space<vmem>>, vector<16xf32>,
      %get3A_1054 = arith.index_cast %add3A_1035 : i32 to index
      %get3A_1055 = arith.constant 32 : index
      %get3A_1056 = tpu.vector_load %arg12[%get3A_1054, %get3A_1055] {strides = array<i32>} : memref<512x64xf32, #tpu.memory_space<vmem>>, vector<16xf32>,
      %mul3A_1057 = arith.mulf %get3A_1053, %get3A_1056 : vector<16xf32>
      %add3A_1058 = arith.addf %add3A_1050, %mul3A_1057 : vector<16xf32>
      %get3A_1059 = arith.index_cast %add3A_1035 : i32 to index
      %get3A_1060 = arith.constant 48 : index
      %get3A_1061 = tpu.vector_load %arg11[%get3A_1059, %get3A_1060] {strides = array<i32>} : memref<512x64xf32, #tpu.memory_space<vmem>>, vector<16xf32>,
      %get3A_1062 = arith.index_cast %add3A_1035 : i32 to index
      %get3A_1063 = arith.constant 48 : index
      %get3A_1064 = tpu.vector_load %arg12[%get3A_1062, %get3A_1063] {strides = array<i32>} : memref<512x64xf32, #tpu.memory_space<vmem>>, vector<16xf32>,
      %mul3A_1065 = arith.mulf %get3A_1061, %get3A_1064 : vector<16xf32>
      %add3A_1066 = arith.addf %add3A_1058, %mul3A_1065 : vector<16xf32>
      %eq3A_1067 = arith.constant 3 : i32
      %eq3A_1068 = vector.broadcast %eq3A_1067 : i32 to vector<16xi32>
      %eq3A_1069 = arith.cmpi eq, %iota3A, %eq3A_1068 : vector<16xi32>
      %reduce_sum3A_1070 = arith.constant true
      %reduce_sum3A_1071 = vector.broadcast %reduce_sum3A_1070 : i1 to vector<16xi1>
      %reduce_sum3A_1072 = tpu.scan <sum>, %add3A_1066 masked %reduce_sum3A_1071 : vector<16xf32>, vector<16xi1> -> vector<16xf32>
      %reduce_sum3A_1073 = vector.extract %reduce_sum3A_1072[15] : f32 from vector<16xf32>
      %broadcast_in_dim3A_1074 = vector.broadcast %reduce_sum3A_1073 : f32 to vector<16xf32>
      %select_n3A_1075 = arith.select %eq3A_1069, %broadcast_in_dim3A_1074, %select_n3A_1031 : vector<16xi1>, vector<16xf32>
      %mul3A_1076 = arith.constant 16 : i32
      %mul3A_1077 = arith.muli %scan3A_902, %mul3A_1076 : i32
      %add3A_1078 = arith.constant 4 : i32
      %add3A_1079 = arith.addi %mul3A_1077, %add3A_1078 : i32
      %get3A_1080 = arith.index_cast %add3A_1079 : i32 to index
      %get3A_1081 = arith.constant 0 : index
      %get3A_1082 = tpu.vector_load %arg11[%get3A_1080, %get3A_1081] {strides = array<i32>} : memref<512x64xf32, #tpu.memory_space<vmem>>, vector<16xf32>,
      %get3A_1083 = arith.index_cast %add3A_1079 : i32 to index
      %get3A_1084 = arith.constant 0 : index
      %get3A_1085 = tpu.vector_load %arg12[%get3A_1083, %get3A_1084] {strides = array<i32>} : memref<512x64xf32, #tpu.memory_space<vmem>>, vector<16xf32>,
      %mul3A_1086 = arith.mulf %get3A_1082, %get3A_1085 : vector<16xf32>
      %get3A_1087 = arith.index_cast %add3A_1079 : i32 to index
      %get3A_1088 = arith.constant 16 : index
      %get3A_1089 = tpu.vector_load %arg11[%get3A_1087, %get3A_1088] {strides = array<i32>} : memref<512x64xf32, #tpu.memory_space<vmem>>, vector<16xf32>,
      %get3A_1090 = arith.index_cast %add3A_1079 : i32 to index
      %get3A_1091 = arith.constant 16 : index
      %get3A_1092 = tpu.vector_load %arg12[%get3A_1090, %get3A_1091] {strides = array<i32>} : memref<512x64xf32, #tpu.memory_space<vmem>>, vector<16xf32>,
      %mul3A_1093 = arith.mulf %get3A_1089, %get3A_1092 : vector<16xf32>
      %add3A_1094 = arith.addf %mul3A_1086, %mul3A_1093 : vector<16xf32>
      %get3A_1095 = arith.index_cast %add3A_1079 : i32 to index
      %get3A_1096 = arith.constant 32 : index
      %get3A_1097 = tpu.vector_load %arg11[%get3A_1095, %get3A_1096] {strides = array<i32>} : memref<512x64xf32, #tpu.memory_space<vmem>>, vector<16xf32>,
      %get3A_1098 = arith.index_cast %add3A_1079 : i32 to index
      %get3A_1099 = arith.constant 32 : index
      %get3A_1100 = tpu.vector_load %arg12[%get3A_1098, %get3A_1099] {strides = array<i32>} : memref<512x64xf32, #tpu.memory_space<vmem>>, vector<16xf32>,
      %mul3A_1101 = arith.mulf %get3A_1097, %get3A_1100 : vector<16xf32>
      %add3A_1102 = arith.addf %add3A_1094, %mul3A_1101 : vector<16xf32>
      %get3A_1103 = arith.index_cast %add3A_1079 : i32 to index
      %get3A_1104 = arith.constant 48 : index
      %get3A_1105 = tpu.vector_load %arg11[%get3A_1103, %get3A_1104] {strides = array<i32>} : memref<512x64xf32, #tpu.memory_space<vmem>>, vector<16xf32>,
      %get3A_1106 = arith.index_cast %add3A_1079 : i32 to index
      %get3A_1107 = arith.constant 48 : index
      %get3A_1108 = tpu.vector_load %arg12[%get3A_1106, %get3A_1107] {strides = array<i32>} : memref<512x64xf32, #tpu.memory_space<vmem>>, vector<16xf32>,
      %mul3A_1109 = arith.mulf %get3A_1105, %get3A_1108 : vector<16xf32>
      %add3A_1110 = arith.addf %add3A_1102, %mul3A_1109 : vector<16xf32>
      %eq3A_1111 = arith.constant 4 : i32
      %eq3A_1112 = vector.broadcast %eq3A_1111 : i32 to vector<16xi32>
      %eq3A_1113 = arith.cmpi eq, %iota3A, %eq3A_1112 : vector<16xi32>
      %reduce_sum3A_1114 = arith.constant true
      %reduce_sum3A_1115 = vector.broadcast %reduce_sum3A_1114 : i1 to vector<16xi1>
      %reduce_sum3A_1116 = tpu.scan <sum>, %add3A_1110 masked %reduce_sum3A_1115 : vector<16xf32>, vector<16xi1> -> vector<16xf32>
      %reduce_sum3A_1117 = vector.extract %reduce_sum3A_1116[15] : f32 from vector<16xf32>
      %broadcast_in_dim3A_1118 = vector.broadcast %reduce_sum3A_1117 : f32 to vector<16xf32>
      %select_n3A_1119 = arith.select %eq3A_1113, %broadcast_in_dim3A_1118, %select_n3A_1075 : vector<16xi1>, vector<16xf32>
      %mul3A_1120 = arith.constant 16 : i32
      %mul3A_1121 = arith.muli %scan3A_902, %mul3A_1120 : i32
      %add3A_1122 = arith.constant 5 : i32
      %add3A_1123 = arith.addi %mul3A_1121, %add3A_1122 : i32
      %get3A_1124 = arith.index_cast %add3A_1123 : i32 to index
      %get3A_1125 = arith.constant 0 : index
      %get3A_1126 = tpu.vector_load %arg11[%get3A_1124, %get3A_1125] {strides = array<i32>} : memref<512x64xf32, #tpu.memory_space<vmem>>, vector<16xf32>,
      %get3A_1127 = arith.index_cast %add3A_1123 : i32 to index
      %get3A_1128 = arith.constant 0 : index
      %get3A_1129 = tpu.vector_load %arg12[%get3A_1127, %get3A_1128] {strides = array<i32>} : memref<512x64xf32, #tpu.memory_space<vmem>>, vector<16xf32>,
      %mul3A_1130 = arith.mulf %get3A_1126, %get3A_1129 : vector<16xf32>
      %get3A_1131 = arith.index_cast %add3A_1123 : i32 to index
      %get3A_1132 = arith.constant 16 : index
      %get3A_1133 = tpu.vector_load %arg11[%get3A_1131, %get3A_1132] {strides = array<i32>} : memref<512x64xf32, #tpu.memory_space<vmem>>, vector<16xf32>,
      %get3A_1134 = arith.index_cast %add3A_1123 : i32 to index
      %get3A_1135 = arith.constant 16 : index
      %get3A_1136 = tpu.vector_load %arg12[%get3A_1134, %get3A_1135] {strides = array<i32>} : memref<512x64xf32, #tpu.memory_space<vmem>>, vector<16xf32>,
      %mul3A_1137 = arith.mulf %get3A_1133, %get3A_1136 : vector<16xf32>
      %add3A_1138 = arith.addf %mul3A_1130, %mul3A_1137 : vector<16xf32>
      %get3A_1139 = arith.index_cast %add3A_1123 : i32 to index
      %get3A_1140 = arith.constant 32 : index
      %get3A_1141 = tpu.vector_load %arg11[%get3A_1139, %get3A_1140] {strides = array<i32>} : memref<512x64xf32, #tpu.memory_space<vmem>>, vector<16xf32>,
      %get3A_1142 = arith.index_cast %add3A_1123 : i32 to index
      %get3A_1143 = arith.constant 32 : index
      %get3A_1144 = tpu.vector_load %arg12[%get3A_1142, %get3A_1143] {strides = array<i32>} : memref<512x64xf32, #tpu.memory_space<vmem>>, vector<16xf32>,
      %mul3A_1145 = arith.mulf %get3A_1141, %get3A_1144 : vector<16xf32>
      %add3A_1146 = arith.addf %add3A_1138, %mul3A_1145 : vector<16xf32>
      %get3A_1147 = arith.index_cast %add3A_1123 : i32 to index
      %get3A_1148 = arith.constant 48 : index
      %get3A_1149 = tpu.vector_load %arg11[%get3A_1147, %get3A_1148] {strides = array<i32>} : memref<512x64xf32, #tpu.memory_space<vmem>>, vector<16xf32>,
      %get3A_1150 = arith.index_cast %add3A_1123 : i32 to index
      %get3A_1151 = arith.constant 48 : index
      %get3A_1152 = tpu.vector_load %arg12[%get3A_1150, %get3A_1151] {strides = array<i32>} : memref<512x64xf32, #tpu.memory_space<vmem>>, vector<16xf32>,
      %mul3A_1153 = arith.mulf %get3A_1149, %get3A_1152 : vector<16xf32>
      %add3A_1154 = arith.addf %add3A_1146, %mul3A_1153 : vector<16xf32>
      %eq3A_1155 = arith.constant 5 : i32
      %eq3A_1156 = vector.broadcast %eq3A_1155 : i32 to vector<16xi32>
      %eq3A_1157 = arith.cmpi eq, %iota3A, %eq3A_1156 : vector<16xi32>
      %reduce_sum3A_1158 = arith.constant true
      %reduce_sum3A_1159 = vector.broadcast %reduce_sum3A_1158 : i1 to vector<16xi1>
      %reduce_sum3A_1160 = tpu.scan <sum>, %add3A_1154 masked %reduce_sum3A_1159 : vector<16xf32>, vector<16xi1> -> vector<16xf32>
      %reduce_sum3A_1161 = vector.extract %reduce_sum3A_1160[15] : f32 from vector<16xf32>
      %broadcast_in_dim3A_1162 = vector.broadcast %reduce_sum3A_1161 : f32 to vector<16xf32>
      %select_n3A_1163 = arith.select %eq3A_1157, %broadcast_in_dim3A_1162, %select_n3A_1119 : vector<16xi1>, vector<16xf32>
      %mul3A_1164 = arith.constant 16 : i32
      %mul3A_1165 = arith.muli %scan3A_902, %mul3A_1164 : i32
      %add3A_1166 = arith.constant 6 : i32
      %add3A_1167 = arith.addi %mul3A_1165, %add3A_1166 : i32
      %get3A_1168 = arith.index_cast %add3A_1167 : i32 to index
      %get3A_1169 = arith.constant 0 : index
      %get3A_1170 = tpu.vector_load %arg11[%get3A_1168, %get3A_1169] {strides = array<i32>} : memref<512x64xf32, #tpu.memory_space<vmem>>, vector<16xf32>,
      %get3A_1171 = arith.index_cast %add3A_1167 : i32 to index
      %get3A_1172 = arith.constant 0 : index
      %get3A_1173 = tpu.vector_load %arg12[%get3A_1171, %get3A_1172] {strides = array<i32>} : memref<512x64xf32, #tpu.memory_space<vmem>>, vector<16xf32>,
      %mul3A_1174 = arith.mulf %get3A_1170, %get3A_1173 : vector<16xf32>
      %get3A_1175 = arith.index_cast %add3A_1167 : i32 to index
      %get3A_1176 = arith.constant 16 : index
      %get3A_1177 = tpu.vector_load %arg11[%get3A_1175, %get3A_1176] {strides = array<i32>} : memref<512x64xf32, #tpu.memory_space<vmem>>, vector<16xf32>,
      %get3A_1178 = arith.index_cast %add3A_1167 : i32 to index
      %get3A_1179 = arith.constant 16 : index
      %get3A_1180 = tpu.vector_load %arg12[%get3A_1178, %get3A_1179] {strides = array<i32>} : memref<512x64xf32, #tpu.memory_space<vmem>>, vector<16xf32>,
      %mul3A_1181 = arith.mulf %get3A_1177, %get3A_1180 : vector<16xf32>
      %add3A_1182 = arith.addf %mul3A_1174, %mul3A_1181 : vector<16xf32>
      %get3A_1183 = arith.index_cast %add3A_1167 : i32 to index
      %get3A_1184 = arith.constant 32 : index
      %get3A_1185 = tpu.vector_load %arg11[%get3A_1183, %get3A_1184] {strides = array<i32>} : memref<512x64xf32, #tpu.memory_space<vmem>>, vector<16xf32>,
      %get3A_1186 = arith.index_cast %add3A_1167 : i32 to index
      %get3A_1187 = arith.constant 32 : index
      %get3A_1188 = tpu.vector_load %arg12[%get3A_1186, %get3A_1187] {strides = array<i32>} : memref<512x64xf32, #tpu.memory_space<vmem>>, vector<16xf32>,
      %mul3A_1189 = arith.mulf %get3A_1185, %get3A_1188 : vector<16xf32>
      %add3A_1190 = arith.addf %add3A_1182, %mul3A_1189 : vector<16xf32>
      %get3A_1191 = arith.index_cast %add3A_1167 : i32 to index
      %get3A_1192 = arith.constant 48 : index
      %get3A_1193 = tpu.vector_load %arg11[%get3A_1191, %get3A_1192] {strides = array<i32>} : memref<512x64xf32, #tpu.memory_space<vmem>>, vector<16xf32>,
      %get3A_1194 = arith.index_cast %add3A_1167 : i32 to index
      %get3A_1195 = arith.constant 48 : index
      %get3A_1196 = tpu.vector_load %arg12[%get3A_1194, %get3A_1195] {strides = array<i32>} : memref<512x64xf32, #tpu.memory_space<vmem>>, vector<16xf32>,
      %mul3A_1197 = arith.mulf %get3A_1193, %get3A_1196 : vector<16xf32>
      %add3A_1198 = arith.addf %add3A_1190, %mul3A_1197 : vector<16xf32>
      %eq3A_1199 = arith.constant 6 : i32
      %eq3A_1200 = vector.broadcast %eq3A_1199 : i32 to vector<16xi32>
      %eq3A_1201 = arith.cmpi eq, %iota3A, %eq3A_1200 : vector<16xi32>
      %reduce_sum3A_1202 = arith.constant true
      %reduce_sum3A_1203 = vector.broadcast %reduce_sum3A_1202 : i1 to vector<16xi1>
      %reduce_sum3A_1204 = tpu.scan <sum>, %add3A_1198 masked %reduce_sum3A_1203 : vector<16xf32>, vector<16xi1> -> vector<16xf32>
      %reduce_sum3A_1205 = vector.extract %reduce_sum3A_1204[15] : f32 from vector<16xf32>
      %broadcast_in_dim3A_1206 = vector.broadcast %reduce_sum3A_1205 : f32 to vector<16xf32>
      %select_n3A_1207 = arith.select %eq3A_1201, %broadcast_in_dim3A_1206, %select_n3A_1163 : vector<16xi1>, vector<16xf32>
      %mul3A_1208 = arith.constant 16 : i32
      %mul3A_1209 = arith.muli %scan3A_902, %mul3A_1208 : i32
      %add3A_1210 = arith.constant 7 : i32
      %add3A_1211 = arith.addi %mul3A_1209, %add3A_1210 : i32
      %get3A_1212 = arith.index_cast %add3A_1211 : i32 to index
      %get3A_1213 = arith.constant 0 : index
      %get3A_1214 = tpu.vector_load %arg11[%get3A_1212, %get3A_1213] {strides = array<i32>} : memref<512x64xf32, #tpu.memory_space<vmem>>, vector<16xf32>,
      %get3A_1215 = arith.index_cast %add3A_1211 : i32 to index
      %get3A_1216 = arith.constant 0 : index
      %get3A_1217 = tpu.vector_load %arg12[%get3A_1215, %get3A_1216] {strides = array<i32>} : memref<512x64xf32, #tpu.memory_space<vmem>>, vector<16xf32>,
      %mul3A_1218 = arith.mulf %get3A_1214, %get3A_1217 : vector<16xf32>
      %get3A_1219 = arith.index_cast %add3A_1211 : i32 to index
      %get3A_1220 = arith.constant 16 : index
      %get3A_1221 = tpu.vector_load %arg11[%get3A_1219, %get3A_1220] {strides = array<i32>} : memref<512x64xf32, #tpu.memory_space<vmem>>, vector<16xf32>,
      %get3A_1222 = arith.index_cast %add3A_1211 : i32 to index
      %get3A_1223 = arith.constant 16 : index
      %get3A_1224 = tpu.vector_load %arg12[%get3A_1222, %get3A_1223] {strides = array<i32>} : memref<512x64xf32, #tpu.memory_space<vmem>>, vector<16xf32>,
      %mul3A_1225 = arith.mulf %get3A_1221, %get3A_1224 : vector<16xf32>
      %add3A_1226 = arith.addf %mul3A_1218, %mul3A_1225 : vector<16xf32>
      %get3A_1227 = arith.index_cast %add3A_1211 : i32 to index
      %get3A_1228 = arith.constant 32 : index
      %get3A_1229 = tpu.vector_load %arg11[%get3A_1227, %get3A_1228] {strides = array<i32>} : memref<512x64xf32, #tpu.memory_space<vmem>>, vector<16xf32>,
      %get3A_1230 = arith.index_cast %add3A_1211 : i32 to index
      %get3A_1231 = arith.constant 32 : index
      %get3A_1232 = tpu.vector_load %arg12[%get3A_1230, %get3A_1231] {strides = array<i32>} : memref<512x64xf32, #tpu.memory_space<vmem>>, vector<16xf32>,
      %mul3A_1233 = arith.mulf %get3A_1229, %get3A_1232 : vector<16xf32>
      %add3A_1234 = arith.addf %add3A_1226, %mul3A_1233 : vector<16xf32>
      %get3A_1235 = arith.index_cast %add3A_1211 : i32 to index
      %get3A_1236 = arith.constant 48 : index
      %get3A_1237 = tpu.vector_load %arg11[%get3A_1235, %get3A_1236] {strides = array<i32>} : memref<512x64xf32, #tpu.memory_space<vmem>>, vector<16xf32>,
      %get3A_1238 = arith.index_cast %add3A_1211 : i32 to index
      %get3A_1239 = arith.constant 48 : index
      %get3A_1240 = tpu.vector_load %arg12[%get3A_1238, %get3A_1239] {strides = array<i32>} : memref<512x64xf32, #tpu.memory_space<vmem>>, vector<16xf32>,
      %mul3A_1241 = arith.mulf %get3A_1237, %get3A_1240 : vector<16xf32>
      %add3A_1242 = arith.addf %add3A_1234, %mul3A_1241 : vector<16xf32>
      %eq3A_1243 = arith.constant 7 : i32
      %eq3A_1244 = vector.broadcast %eq3A_1243 : i32 to vector<16xi32>
      %eq3A_1245 = arith.cmpi eq, %iota3A, %eq3A_1244 : vector<16xi32>
      %reduce_sum3A_1246 = arith.constant true
      %reduce_sum3A_1247 = vector.broadcast %reduce_sum3A_1246 : i1 to vector<16xi1>
      %reduce_sum3A_1248 = tpu.scan <sum>, %add3A_1242 masked %reduce_sum3A_1247 : vector<16xf32>, vector<16xi1> -> vector<16xf32>
      %reduce_sum3A_1249 = vector.extract %reduce_sum3A_1248[15] : f32 from vector<16xf32>
      %broadcast_in_dim3A_1250 = vector.broadcast %reduce_sum3A_1249 : f32 to vector<16xf32>
      %select_n3A_1251 = arith.select %eq3A_1245, %broadcast_in_dim3A_1250, %select_n3A_1207 : vector<16xi1>, vector<16xf32>
      %mul3A_1252 = arith.constant 16 : i32
      %mul3A_1253 = arith.muli %scan3A_902, %mul3A_1252 : i32
      %add3A_1254 = arith.constant 8 : i32
      %add3A_1255 = arith.addi %mul3A_1253, %add3A_1254 : i32
      %get3A_1256 = arith.index_cast %add3A_1255 : i32 to index
      %get3A_1257 = arith.constant 0 : index
      %get3A_1258 = tpu.vector_load %arg11[%get3A_1256, %get3A_1257] {strides = array<i32>} : memref<512x64xf32, #tpu.memory_space<vmem>>, vector<16xf32>,
      %get3A_1259 = arith.index_cast %add3A_1255 : i32 to index
      %get3A_1260 = arith.constant 0 : index
      %get3A_1261 = tpu.vector_load %arg12[%get3A_1259, %get3A_1260] {strides = array<i32>} : memref<512x64xf32, #tpu.memory_space<vmem>>, vector<16xf32>,
      %mul3A_1262 = arith.mulf %get3A_1258, %get3A_1261 : vector<16xf32>
      %get3A_1263 = arith.index_cast %add3A_1255 : i32 to index
      %get3A_1264 = arith.constant 16 : index
      %get3A_1265 = tpu.vector_load %arg11[%get3A_1263, %get3A_1264] {strides = array<i32>} : memref<512x64xf32, #tpu.memory_space<vmem>>, vector<16xf32>,
      %get3A_1266 = arith.index_cast %add3A_1255 : i32 to index
      %get3A_1267 = arith.constant 16 : index
      %get3A_1268 = tpu.vector_load %arg12[%get3A_1266, %get3A_1267] {strides = array<i32>} : memref<512x64xf32, #tpu.memory_space<vmem>>, vector<16xf32>,
      %mul3A_1269 = arith.mulf %get3A_1265, %get3A_1268 : vector<16xf32>
      %add3A_1270 = arith.addf %mul3A_1262, %mul3A_1269 : vector<16xf32>
      %get3A_1271 = arith.index_cast %add3A_1255 : i32 to index
      %get3A_1272 = arith.constant 32 : index
      %get3A_1273 = tpu.vector_load %arg11[%get3A_1271, %get3A_1272] {strides = array<i32>} : memref<512x64xf32, #tpu.memory_space<vmem>>, vector<16xf32>,
      %get3A_1274 = arith.index_cast %add3A_1255 : i32 to index
      %get3A_1275 = arith.constant 32 : index
      %get3A_1276 = tpu.vector_load %arg12[%get3A_1274, %get3A_1275] {strides = array<i32>} : memref<512x64xf32, #tpu.memory_space<vmem>>, vector<16xf32>,
      %mul3A_1277 = arith.mulf %get3A_1273, %get3A_1276 : vector<16xf32>
      %add3A_1278 = arith.addf %add3A_1270, %mul3A_1277 : vector<16xf32>
      %get3A_1279 = arith.index_cast %add3A_1255 : i32 to index
      %get3A_1280 = arith.constant 48 : index
      %get3A_1281 = tpu.vector_load %arg11[%get3A_1279, %get3A_1280] {strides = array<i32>} : memref<512x64xf32, #tpu.memory_space<vmem>>, vector<16xf32>,
      %get3A_1282 = arith.index_cast %add3A_1255 : i32 to index
      %get3A_1283 = arith.constant 48 : index
      %get3A_1284 = tpu.vector_load %arg12[%get3A_1282, %get3A_1283] {strides = array<i32>} : memref<512x64xf32, #tpu.memory_space<vmem>>, vector<16xf32>,
      %mul3A_1285 = arith.mulf %get3A_1281, %get3A_1284 : vector<16xf32>
      %add3A_1286 = arith.addf %add3A_1278, %mul3A_1285 : vector<16xf32>
      %eq3A_1287 = arith.constant 8 : i32
      %eq3A_1288 = vector.broadcast %eq3A_1287 : i32 to vector<16xi32>
      %eq3A_1289 = arith.cmpi eq, %iota3A, %eq3A_1288 : vector<16xi32>
      %reduce_sum3A_1290 = arith.constant true
      %reduce_sum3A_1291 = vector.broadcast %reduce_sum3A_1290 : i1 to vector<16xi1>
      %reduce_sum3A_1292 = tpu.scan <sum>, %add3A_1286 masked %reduce_sum3A_1291 : vector<16xf32>, vector<16xi1> -> vector<16xf32>
      %reduce_sum3A_1293 = vector.extract %reduce_sum3A_1292[15] : f32 from vector<16xf32>
      %broadcast_in_dim3A_1294 = vector.broadcast %reduce_sum3A_1293 : f32 to vector<16xf32>
      %select_n3A_1295 = arith.select %eq3A_1289, %broadcast_in_dim3A_1294, %select_n3A_1251 : vector<16xi1>, vector<16xf32>
      %mul3A_1296 = arith.constant 16 : i32
      %mul3A_1297 = arith.muli %scan3A_902, %mul3A_1296 : i32
      %add3A_1298 = arith.constant 9 : i32
      %add3A_1299 = arith.addi %mul3A_1297, %add3A_1298 : i32
      %get3A_1300 = arith.index_cast %add3A_1299 : i32 to index
      %get3A_1301 = arith.constant 0 : index
      %get3A_1302 = tpu.vector_load %arg11[%get3A_1300, %get3A_1301] {strides = array<i32>} : memref<512x64xf32, #tpu.memory_space<vmem>>, vector<16xf32>,
      %get3A_1303 = arith.index_cast %add3A_1299 : i32 to index
      %get3A_1304 = arith.constant 0 : index
      %get3A_1305 = tpu.vector_load %arg12[%get3A_1303, %get3A_1304] {strides = array<i32>} : memref<512x64xf32, #tpu.memory_space<vmem>>, vector<16xf32>,
      %mul3A_1306 = arith.mulf %get3A_1302, %get3A_1305 : vector<16xf32>
      %get3A_1307 = arith.index_cast %add3A_1299 : i32 to index
      %get3A_1308 = arith.constant 16 : index
      %get3A_1309 = tpu.vector_load %arg11[%get3A_1307, %get3A_1308] {strides = array<i32>} : memref<512x64xf32, #tpu.memory_space<vmem>>, vector<16xf32>,
      %get3A_1310 = arith.index_cast %add3A_1299 : i32 to index
      %get3A_1311 = arith.constant 16 : index
      %get3A_1312 = tpu.vector_load %arg12[%get3A_1310, %get3A_1311] {strides = array<i32>} : memref<512x64xf32, #tpu.memory_space<vmem>>, vector<16xf32>,
      %mul3A_1313 = arith.mulf %get3A_1309, %get3A_1312 : vector<16xf32>
      %add3A_1314 = arith.addf %mul3A_1306, %mul3A_1313 : vector<16xf32>
      %get3A_1315 = arith.index_cast %add3A_1299 : i32 to index
      %get3A_1316 = arith.constant 32 : index
      %get3A_1317 = tpu.vector_load %arg11[%get3A_1315, %get3A_1316] {strides = array<i32>} : memref<512x64xf32, #tpu.memory_space<vmem>>, vector<16xf32>,
      %get3A_1318 = arith.index_cast %add3A_1299 : i32 to index
      %get3A_1319 = arith.constant 32 : index
      %get3A_1320 = tpu.vector_load %arg12[%get3A_1318, %get3A_1319] {strides = array<i32>} : memref<512x64xf32, #tpu.memory_space<vmem>>, vector<16xf32>,
      %mul3A_1321 = arith.mulf %get3A_1317, %get3A_1320 : vector<16xf32>
      %add3A_1322 = arith.addf %add3A_1314, %mul3A_1321 : vector<16xf32>
      %get3A_1323 = arith.index_cast %add3A_1299 : i32 to index
      %get3A_1324 = arith.constant 48 : index
      %get3A_1325 = tpu.vector_load %arg11[%get3A_1323, %get3A_1324] {strides = array<i32>} : memref<512x64xf32, #tpu.memory_space<vmem>>, vector<16xf32>,
      %get3A_1326 = arith.index_cast %add3A_1299 : i32 to index
      %get3A_1327 = arith.constant 48 : index
      %get3A_1328 = tpu.vector_load %arg12[%get3A_1326, %get3A_1327] {strides = array<i32>} : memref<512x64xf32, #tpu.memory_space<vmem>>, vector<16xf32>,
      %mul3A_1329 = arith.mulf %get3A_1325, %get3A_1328 : vector<16xf32>
      %add3A_1330 = arith.addf %add3A_1322, %mul3A_1329 : vector<16xf32>
      %eq3A_1331 = arith.constant 9 : i32
      %eq3A_1332 = vector.broadcast %eq3A_1331 : i32 to vector<16xi32>
      %eq3A_1333 = arith.cmpi eq, %iota3A, %eq3A_1332 : vector<16xi32>
      %reduce_sum3A_1334 = arith.constant true
      %reduce_sum3A_1335 = vector.broadcast %reduce_sum3A_1334 : i1 to vector<16xi1>
      %reduce_sum3A_1336 = tpu.scan <sum>, %add3A_1330 masked %reduce_sum3A_1335 : vector<16xf32>, vector<16xi1> -> vector<16xf32>
      %reduce_sum3A_1337 = vector.extract %reduce_sum3A_1336[15] : f32 from vector<16xf32>
      %broadcast_in_dim3A_1338 = vector.broadcast %reduce_sum3A_1337 : f32 to vector<16xf32>
      %select_n3A_1339 = arith.select %eq3A_1333, %broadcast_in_dim3A_1338, %select_n3A_1295 : vector<16xi1>, vector<16xf32>
      %mul3A_1340 = arith.constant 16 : i32
      %mul3A_1341 = arith.muli %scan3A_902, %mul3A_1340 : i32
      %add3A_1342 = arith.constant 10 : i32
      %add3A_1343 = arith.addi %mul3A_1341, %add3A_1342 : i32
      %get3A_1344 = arith.index_cast %add3A_1343 : i32 to index
      %get3A_1345 = arith.constant 0 : index
      %get3A_1346 = tpu.vector_load %arg11[%get3A_1344, %get3A_1345] {strides = array<i32>} : memref<512x64xf32, #tpu.memory_space<vmem>>, vector<16xf32>,
      %get3A_1347 = arith.index_cast %add3A_1343 : i32 to index
      %get3A_1348 = arith.constant 0 : index
      %get3A_1349 = tpu.vector_load %arg12[%get3A_1347, %get3A_1348] {strides = array<i32>} : memref<512x64xf32, #tpu.memory_space<vmem>>, vector<16xf32>,
      %mul3A_1350 = arith.mulf %get3A_1346, %get3A_1349 : vector<16xf32>
      %get3A_1351 = arith.index_cast %add3A_1343 : i32 to index
      %get3A_1352 = arith.constant 16 : index
      %get3A_1353 = tpu.vector_load %arg11[%get3A_1351, %get3A_1352] {strides = array<i32>} : memref<512x64xf32, #tpu.memory_space<vmem>>, vector<16xf32>,
      %get3A_1354 = arith.index_cast %add3A_1343 : i32 to index
      %get3A_1355 = arith.constant 16 : index
      %get3A_1356 = tpu.vector_load %arg12[%get3A_1354, %get3A_1355] {strides = array<i32>} : memref<512x64xf32, #tpu.memory_space<vmem>>, vector<16xf32>,
      %mul3A_1357 = arith.mulf %get3A_1353, %get3A_1356 : vector<16xf32>
      %add3A_1358 = arith.addf %mul3A_1350, %mul3A_1357 : vector<16xf32>
      %get3A_1359 = arith.index_cast %add3A_1343 : i32 to index
      %get3A_1360 = arith.constant 32 : index
      %get3A_1361 = tpu.vector_load %arg11[%get3A_1359, %get3A_1360] {strides = array<i32>} : memref<512x64xf32, #tpu.memory_space<vmem>>, vector<16xf32>,
      %get3A_1362 = arith.index_cast %add3A_1343 : i32 to index
      %get3A_1363 = arith.constant 32 : index
      %get3A_1364 = tpu.vector_load %arg12[%get3A_1362, %get3A_1363] {strides = array<i32>} : memref<512x64xf32, #tpu.memory_space<vmem>>, vector<16xf32>,
      %mul3A_1365 = arith.mulf %get3A_1361, %get3A_1364 : vector<16xf32>
      %add3A_1366 = arith.addf %add3A_1358, %mul3A_1365 : vector<16xf32>
      %get3A_1367 = arith.index_cast %add3A_1343 : i32 to index
      %get3A_1368 = arith.constant 48 : index
      %get3A_1369 = tpu.vector_load %arg11[%get3A_1367, %get3A_1368] {strides = array<i32>} : memref<512x64xf32, #tpu.memory_space<vmem>>, vector<16xf32>,
      %get3A_1370 = arith.index_cast %add3A_1343 : i32 to index
      %get3A_1371 = arith.constant 48 : index
      %get3A_1372 = tpu.vector_load %arg12[%get3A_1370, %get3A_1371] {strides = array<i32>} : memref<512x64xf32, #tpu.memory_space<vmem>>, vector<16xf32>,
      %mul3A_1373 = arith.mulf %get3A_1369, %get3A_1372 : vector<16xf32>
      %add3A_1374 = arith.addf %add3A_1366, %mul3A_1373 : vector<16xf32>
      %eq3A_1375 = arith.constant 10 : i32
      %eq3A_1376 = vector.broadcast %eq3A_1375 : i32 to vector<16xi32>
      %eq3A_1377 = arith.cmpi eq, %iota3A, %eq3A_1376 : vector<16xi32>
      %reduce_sum3A_1378 = arith.constant true
      %reduce_sum3A_1379 = vector.broadcast %reduce_sum3A_1378 : i1 to vector<16xi1>
      %reduce_sum3A_1380 = tpu.scan <sum>, %add3A_1374 masked %reduce_sum3A_1379 : vector<16xf32>, vector<16xi1> -> vector<16xf32>
      %reduce_sum3A_1381 = vector.extract %reduce_sum3A_1380[15] : f32 from vector<16xf32>
      %broadcast_in_dim3A_1382 = vector.broadcast %reduce_sum3A_1381 : f32 to vector<16xf32>
      %select_n3A_1383 = arith.select %eq3A_1377, %broadcast_in_dim3A_1382, %select_n3A_1339 : vector<16xi1>, vector<16xf32>
      %mul3A_1384 = arith.constant 16 : i32
      %mul3A_1385 = arith.muli %scan3A_902, %mul3A_1384 : i32
      %add3A_1386 = arith.constant 11 : i32
      %add3A_1387 = arith.addi %mul3A_1385, %add3A_1386 : i32
      %get3A_1388 = arith.index_cast %add3A_1387 : i32 to index
      %get3A_1389 = arith.constant 0 : index
      %get3A_1390 = tpu.vector_load %arg11[%get3A_1388, %get3A_1389] {strides = array<i32>} : memref<512x64xf32, #tpu.memory_space<vmem>>, vector<16xf32>,
      %get3A_1391 = arith.index_cast %add3A_1387 : i32 to index
      %get3A_1392 = arith.constant 0 : index
      %get3A_1393 = tpu.vector_load %arg12[%get3A_1391, %get3A_1392] {strides = array<i32>} : memref<512x64xf32, #tpu.memory_space<vmem>>, vector<16xf32>,
      %mul3A_1394 = arith.mulf %get3A_1390, %get3A_1393 : vector<16xf32>
      %get3A_1395 = arith.index_cast %add3A_1387 : i32 to index
      %get3A_1396 = arith.constant 16 : index
      %get3A_1397 = tpu.vector_load %arg11[%get3A_1395, %get3A_1396] {strides = array<i32>} : memref<512x64xf32, #tpu.memory_space<vmem>>, vector<16xf32>,
      %get3A_1398 = arith.index_cast %add3A_1387 : i32 to index
      %get3A_1399 = arith.constant 16 : index
      %get3A_1400 = tpu.vector_load %arg12[%get3A_1398, %get3A_1399] {strides = array<i32>} : memref<512x64xf32, #tpu.memory_space<vmem>>, vector<16xf32>,
      %mul3A_1401 = arith.mulf %get3A_1397, %get3A_1400 : vector<16xf32>
      %add3A_1402 = arith.addf %mul3A_1394, %mul3A_1401 : vector<16xf32>
      %get3A_1403 = arith.index_cast %add3A_1387 : i32 to index
      %get3A_1404 = arith.constant 32 : index
      %get3A_1405 = tpu.vector_load %arg11[%get3A_1403, %get3A_1404] {strides = array<i32>} : memref<512x64xf32, #tpu.memory_space<vmem>>, vector<16xf32>,
      %get3A_1406 = arith.index_cast %add3A_1387 : i32 to index
      %get3A_1407 = arith.constant 32 : index
      %get3A_1408 = tpu.vector_load %arg12[%get3A_1406, %get3A_1407] {strides = array<i32>} : memref<512x64xf32, #tpu.memory_space<vmem>>, vector<16xf32>,
      %mul3A_1409 = arith.mulf %get3A_1405, %get3A_1408 : vector<16xf32>
      %add3A_1410 = arith.addf %add3A_1402, %mul3A_1409 : vector<16xf32>
      %get3A_1411 = arith.index_cast %add3A_1387 : i32 to index
      %get3A_1412 = arith.constant 48 : index
      %get3A_1413 = tpu.vector_load %arg11[%get3A_1411, %get3A_1412] {strides = array<i32>} : memref<512x64xf32, #tpu.memory_space<vmem>>, vector<16xf32>,
      %get3A_1414 = arith.index_cast %add3A_1387 : i32 to index
      %get3A_1415 = arith.constant 48 : index
      %get3A_1416 = tpu.vector_load %arg12[%get3A_1414, %get3A_1415] {strides = array<i32>} : memref<512x64xf32, #tpu.memory_space<vmem>>, vector<16xf32>,
      %mul3A_1417 = arith.mulf %get3A_1413, %get3A_1416 : vector<16xf32>
      %add3A_1418 = arith.addf %add3A_1410, %mul3A_1417 : vector<16xf32>
      %eq3A_1419 = arith.constant 11 : i32
      %eq3A_1420 = vector.broadcast %eq3A_1419 : i32 to vector<16xi32>
      %eq3A_1421 = arith.cmpi eq, %iota3A, %eq3A_1420 : vector<16xi32>
      %reduce_sum3A_1422 = arith.constant true
      %reduce_sum3A_1423 = vector.broadcast %reduce_sum3A_1422 : i1 to vector<16xi1>
      %reduce_sum3A_1424 = tpu.scan <sum>, %add3A_1418 masked %reduce_sum3A_1423 : vector<16xf32>, vector<16xi1> -> vector<16xf32>
      %reduce_sum3A_1425 = vector.extract %reduce_sum3A_1424[15] : f32 from vector<16xf32>
      %broadcast_in_dim3A_1426 = vector.broadcast %reduce_sum3A_1425 : f32 to vector<16xf32>
      %select_n3A_1427 = arith.select %eq3A_1421, %broadcast_in_dim3A_1426, %select_n3A_1383 : vector<16xi1>, vector<16xf32>
      %mul3A_1428 = arith.constant 16 : i32
      %mul3A_1429 = arith.muli %scan3A_902, %mul3A_1428 : i32
      %add3A_1430 = arith.constant 12 : i32
      %add3A_1431 = arith.addi %mul3A_1429, %add3A_1430 : i32
      %get3A_1432 = arith.index_cast %add3A_1431 : i32 to index
      %get3A_1433 = arith.constant 0 : index
      %get3A_1434 = tpu.vector_load %arg11[%get3A_1432, %get3A_1433] {strides = array<i32>} : memref<512x64xf32, #tpu.memory_space<vmem>>, vector<16xf32>,
      %get3A_1435 = arith.index_cast %add3A_1431 : i32 to index
      %get3A_1436 = arith.constant 0 : index
      %get3A_1437 = tpu.vector_load %arg12[%get3A_1435, %get3A_1436] {strides = array<i32>} : memref<512x64xf32, #tpu.memory_space<vmem>>, vector<16xf32>,
      %mul3A_1438 = arith.mulf %get3A_1434, %get3A_1437 : vector<16xf32>
      %get3A_1439 = arith.index_cast %add3A_1431 : i32 to index
      %get3A_1440 = arith.constant 16 : index
      %get3A_1441 = tpu.vector_load %arg11[%get3A_1439, %get3A_1440] {strides = array<i32>} : memref<512x64xf32, #tpu.memory_space<vmem>>, vector<16xf32>,
      %get3A_1442 = arith.index_cast %add3A_1431 : i32 to index
      %get3A_1443 = arith.constant 16 : index
      %get3A_1444 = tpu.vector_load %arg12[%get3A_1442, %get3A_1443] {strides = array<i32>} : memref<512x64xf32, #tpu.memory_space<vmem>>, vector<16xf32>,
      %mul3A_1445 = arith.mulf %get3A_1441, %get3A_1444 : vector<16xf32>
      %add3A_1446 = arith.addf %mul3A_1438, %mul3A_1445 : vector<16xf32>
      %get3A_1447 = arith.index_cast %add3A_1431 : i32 to index
      %get3A_1448 = arith.constant 32 : index
      %get3A_1449 = tpu.vector_load %arg11[%get3A_1447, %get3A_1448] {strides = array<i32>} : memref<512x64xf32, #tpu.memory_space<vmem>>, vector<16xf32>,
      %get3A_1450 = arith.index_cast %add3A_1431 : i32 to index
      %get3A_1451 = arith.constant 32 : index
      %get3A_1452 = tpu.vector_load %arg12[%get3A_1450, %get3A_1451] {strides = array<i32>} : memref<512x64xf32, #tpu.memory_space<vmem>>, vector<16xf32>,
      %mul3A_1453 = arith.mulf %get3A_1449, %get3A_1452 : vector<16xf32>
      %add3A_1454 = arith.addf %add3A_1446, %mul3A_1453 : vector<16xf32>
      %get3A_1455 = arith.index_cast %add3A_1431 : i32 to index
      %get3A_1456 = arith.constant 48 : index
      %get3A_1457 = tpu.vector_load %arg11[%get3A_1455, %get3A_1456] {strides = array<i32>} : memref<512x64xf32, #tpu.memory_space<vmem>>, vector<16xf32>,
      %get3A_1458 = arith.index_cast %add3A_1431 : i32 to index
      %get3A_1459 = arith.constant 48 : index
      %get3A_1460 = tpu.vector_load %arg12[%get3A_1458, %get3A_1459] {strides = array<i32>} : memref<512x64xf32, #tpu.memory_space<vmem>>, vector<16xf32>,
      %mul3A_1461 = arith.mulf %get3A_1457, %get3A_1460 : vector<16xf32>
      %add3A_1462 = arith.addf %add3A_1454, %mul3A_1461 : vector<16xf32>
      %eq3A_1463 = arith.constant 12 : i32
      %eq3A_1464 = vector.broadcast %eq3A_1463 : i32 to vector<16xi32>
      %eq3A_1465 = arith.cmpi eq, %iota3A, %eq3A_1464 : vector<16xi32>
      %reduce_sum3A_1466 = arith.constant true
      %reduce_sum3A_1467 = vector.broadcast %reduce_sum3A_1466 : i1 to vector<16xi1>
      %reduce_sum3A_1468 = tpu.scan <sum>, %add3A_1462 masked %reduce_sum3A_1467 : vector<16xf32>, vector<16xi1> -> vector<16xf32>
      %reduce_sum3A_1469 = vector.extract %reduce_sum3A_1468[15] : f32 from vector<16xf32>
      %broadcast_in_dim3A_1470 = vector.broadcast %reduce_sum3A_1469 : f32 to vector<16xf32>
      %select_n3A_1471 = arith.select %eq3A_1465, %broadcast_in_dim3A_1470, %select_n3A_1427 : vector<16xi1>, vector<16xf32>
      %mul3A_1472 = arith.constant 16 : i32
      %mul3A_1473 = arith.muli %scan3A_902, %mul3A_1472 : i32
      %add3A_1474 = arith.constant 13 : i32
      %add3A_1475 = arith.addi %mul3A_1473, %add3A_1474 : i32
      %get3A_1476 = arith.index_cast %add3A_1475 : i32 to index
      %get3A_1477 = arith.constant 0 : index
      %get3A_1478 = tpu.vector_load %arg11[%get3A_1476, %get3A_1477] {strides = array<i32>} : memref<512x64xf32, #tpu.memory_space<vmem>>, vector<16xf32>,
      %get3A_1479 = arith.index_cast %add3A_1475 : i32 to index
      %get3A_1480 = arith.constant 0 : index
      %get3A_1481 = tpu.vector_load %arg12[%get3A_1479, %get3A_1480] {strides = array<i32>} : memref<512x64xf32, #tpu.memory_space<vmem>>, vector<16xf32>,
      %mul3A_1482 = arith.mulf %get3A_1478, %get3A_1481 : vector<16xf32>
      %get3A_1483 = arith.index_cast %add3A_1475 : i32 to index
      %get3A_1484 = arith.constant 16 : index
      %get3A_1485 = tpu.vector_load %arg11[%get3A_1483, %get3A_1484] {strides = array<i32>} : memref<512x64xf32, #tpu.memory_space<vmem>>, vector<16xf32>,
      %get3A_1486 = arith.index_cast %add3A_1475 : i32 to index
      %get3A_1487 = arith.constant 16 : index
      %get3A_1488 = tpu.vector_load %arg12[%get3A_1486, %get3A_1487] {strides = array<i32>} : memref<512x64xf32, #tpu.memory_space<vmem>>, vector<16xf32>,
      %mul3A_1489 = arith.mulf %get3A_1485, %get3A_1488 : vector<16xf32>
      %add3A_1490 = arith.addf %mul3A_1482, %mul3A_1489 : vector<16xf32>
      %get3A_1491 = arith.index_cast %add3A_1475 : i32 to index
      %get3A_1492 = arith.constant 32 : index
      %get3A_1493 = tpu.vector_load %arg11[%get3A_1491, %get3A_1492] {strides = array<i32>} : memref<512x64xf32, #tpu.memory_space<vmem>>, vector<16xf32>,
      %get3A_1494 = arith.index_cast %add3A_1475 : i32 to index
      %get3A_1495 = arith.constant 32 : index
      %get3A_1496 = tpu.vector_load %arg12[%get3A_1494, %get3A_1495] {strides = array<i32>} : memref<512x64xf32, #tpu.memory_space<vmem>>, vector<16xf32>,
      %mul3A_1497 = arith.mulf %get3A_1493, %get3A_1496 : vector<16xf32>
      %add3A_1498 = arith.addf %add3A_1490, %mul3A_1497 : vector<16xf32>
      %get3A_1499 = arith.index_cast %add3A_1475 : i32 to index
      %get3A_1500 = arith.constant 48 : index
      %get3A_1501 = tpu.vector_load %arg11[%get3A_1499, %get3A_1500] {strides = array<i32>} : memref<512x64xf32, #tpu.memory_space<vmem>>, vector<16xf32>,
      %get3A_1502 = arith.index_cast %add3A_1475 : i32 to index
      %get3A_1503 = arith.constant 48 : index
      %get3A_1504 = tpu.vector_load %arg12[%get3A_1502, %get3A_1503] {strides = array<i32>} : memref<512x64xf32, #tpu.memory_space<vmem>>, vector<16xf32>,
      %mul3A_1505 = arith.mulf %get3A_1501, %get3A_1504 : vector<16xf32>
      %add3A_1506 = arith.addf %add3A_1498, %mul3A_1505 : vector<16xf32>
      %eq3A_1507 = arith.constant 13 : i32
      %eq3A_1508 = vector.broadcast %eq3A_1507 : i32 to vector<16xi32>
      %eq3A_1509 = arith.cmpi eq, %iota3A, %eq3A_1508 : vector<16xi32>
      %reduce_sum3A_1510 = arith.constant true
      %reduce_sum3A_1511 = vector.broadcast %reduce_sum3A_1510 : i1 to vector<16xi1>
      %reduce_sum3A_1512 = tpu.scan <sum>, %add3A_1506 masked %reduce_sum3A_1511 : vector<16xf32>, vector<16xi1> -> vector<16xf32>
      %reduce_sum3A_1513 = vector.extract %reduce_sum3A_1512[15] : f32 from vector<16xf32>
      %broadcast_in_dim3A_1514 = vector.broadcast %reduce_sum3A_1513 : f32 to vector<16xf32>
      %select_n3A_1515 = arith.select %eq3A_1509, %broadcast_in_dim3A_1514, %select_n3A_1471 : vector<16xi1>, vector<16xf32>
      %mul3A_1516 = arith.constant 16 : i32
      %mul3A_1517 = arith.muli %scan3A_902, %mul3A_1516 : i32
      %add3A_1518 = arith.constant 14 : i32
      %add3A_1519 = arith.addi %mul3A_1517, %add3A_1518 : i32
      %get3A_1520 = arith.index_cast %add3A_1519 : i32 to index
      %get3A_1521 = arith.constant 0 : index
      %get3A_1522 = tpu.vector_load %arg11[%get3A_1520, %get3A_1521] {strides = array<i32>} : memref<512x64xf32, #tpu.memory_space<vmem>>, vector<16xf32>,
      %get3A_1523 = arith.index_cast %add3A_1519 : i32 to index
      %get3A_1524 = arith.constant 0 : index
      %get3A_1525 = tpu.vector_load %arg12[%get3A_1523, %get3A_1524] {strides = array<i32>} : memref<512x64xf32, #tpu.memory_space<vmem>>, vector<16xf32>,
      %mul3A_1526 = arith.mulf %get3A_1522, %get3A_1525 : vector<16xf32>
      %get3A_1527 = arith.index_cast %add3A_1519 : i32 to index
      %get3A_1528 = arith.constant 16 : index
      %get3A_1529 = tpu.vector_load %arg11[%get3A_1527, %get3A_1528] {strides = array<i32>} : memref<512x64xf32, #tpu.memory_space<vmem>>, vector<16xf32>,
      %get3A_1530 = arith.index_cast %add3A_1519 : i32 to index
      %get3A_1531 = arith.constant 16 : index
      %get3A_1532 = tpu.vector_load %arg12[%get3A_1530, %get3A_1531] {strides = array<i32>} : memref<512x64xf32, #tpu.memory_space<vmem>>, vector<16xf32>,
      %mul3A_1533 = arith.mulf %get3A_1529, %get3A_1532 : vector<16xf32>
      %add3A_1534 = arith.addf %mul3A_1526, %mul3A_1533 : vector<16xf32>
      %get3A_1535 = arith.index_cast %add3A_1519 : i32 to index
      %get3A_1536 = arith.constant 32 : index
      %get3A_1537 = tpu.vector_load %arg11[%get3A_1535, %get3A_1536] {strides = array<i32>} : memref<512x64xf32, #tpu.memory_space<vmem>>, vector<16xf32>,
      %get3A_1538 = arith.index_cast %add3A_1519 : i32 to index
      %get3A_1539 = arith.constant 32 : index
      %get3A_1540 = tpu.vector_load %arg12[%get3A_1538, %get3A_1539] {strides = array<i32>} : memref<512x64xf32, #tpu.memory_space<vmem>>, vector<16xf32>,
      %mul3A_1541 = arith.mulf %get3A_1537, %get3A_1540 : vector<16xf32>
      %add3A_1542 = arith.addf %add3A_1534, %mul3A_1541 : vector<16xf32>
      %get3A_1543 = arith.index_cast %add3A_1519 : i32 to index
      %get3A_1544 = arith.constant 48 : index
      %get3A_1545 = tpu.vector_load %arg11[%get3A_1543, %get3A_1544] {strides = array<i32>} : memref<512x64xf32, #tpu.memory_space<vmem>>, vector<16xf32>,
      %get3A_1546 = arith.index_cast %add3A_1519 : i32 to index
      %get3A_1547 = arith.constant 48 : index
      %get3A_1548 = tpu.vector_load %arg12[%get3A_1546, %get3A_1547] {strides = array<i32>} : memref<512x64xf32, #tpu.memory_space<vmem>>, vector<16xf32>,
      %mul3A_1549 = arith.mulf %get3A_1545, %get3A_1548 : vector<16xf32>
      %add3A_1550 = arith.addf %add3A_1542, %mul3A_1549 : vector<16xf32>
      %eq3A_1551 = arith.constant 14 : i32
      %eq3A_1552 = vector.broadcast %eq3A_1551 : i32 to vector<16xi32>
      %eq3A_1553 = arith.cmpi eq, %iota3A, %eq3A_1552 : vector<16xi32>
      %reduce_sum3A_1554 = arith.constant true
      %reduce_sum3A_1555 = vector.broadcast %reduce_sum3A_1554 : i1 to vector<16xi1>
      %reduce_sum3A_1556 = tpu.scan <sum>, %add3A_1550 masked %reduce_sum3A_1555 : vector<16xf32>, vector<16xi1> -> vector<16xf32>
      %reduce_sum3A_1557 = vector.extract %reduce_sum3A_1556[15] : f32 from vector<16xf32>
      %broadcast_in_dim3A_1558 = vector.broadcast %reduce_sum3A_1557 : f32 to vector<16xf32>
      %select_n3A_1559 = arith.select %eq3A_1553, %broadcast_in_dim3A_1558, %select_n3A_1515 : vector<16xi1>, vector<16xf32>
      %mul3A_1560 = arith.constant 16 : i32
      %mul3A_1561 = arith.muli %scan3A_902, %mul3A_1560 : i32
      %add3A_1562 = arith.constant 15 : i32
      %add3A_1563 = arith.addi %mul3A_1561, %add3A_1562 : i32
      %get3A_1564 = arith.index_cast %add3A_1563 : i32 to index
      %get3A_1565 = arith.constant 0 : index
      %get3A_1566 = tpu.vector_load %arg11[%get3A_1564, %get3A_1565] {strides = array<i32>} : memref<512x64xf32, #tpu.memory_space<vmem>>, vector<16xf32>,
      %get3A_1567 = arith.index_cast %add3A_1563 : i32 to index
      %get3A_1568 = arith.constant 0 : index
      %get3A_1569 = tpu.vector_load %arg12[%get3A_1567, %get3A_1568] {strides = array<i32>} : memref<512x64xf32, #tpu.memory_space<vmem>>, vector<16xf32>,
      %mul3A_1570 = arith.mulf %get3A_1566, %get3A_1569 : vector<16xf32>
      %get3A_1571 = arith.index_cast %add3A_1563 : i32 to index
      %get3A_1572 = arith.constant 16 : index
      %get3A_1573 = tpu.vector_load %arg11[%get3A_1571, %get3A_1572] {strides = array<i32>} : memref<512x64xf32, #tpu.memory_space<vmem>>, vector<16xf32>,
      %get3A_1574 = arith.index_cast %add3A_1563 : i32 to index
      %get3A_1575 = arith.constant 16 : index
      %get3A_1576 = tpu.vector_load %arg12[%get3A_1574, %get3A_1575] {strides = array<i32>} : memref<512x64xf32, #tpu.memory_space<vmem>>, vector<16xf32>,
      %mul3A_1577 = arith.mulf %get3A_1573, %get3A_1576 : vector<16xf32>
      %add3A_1578 = arith.addf %mul3A_1570, %mul3A_1577 : vector<16xf32>
      %get3A_1579 = arith.index_cast %add3A_1563 : i32 to index
      %get3A_1580 = arith.constant 32 : index
      %get3A_1581 = tpu.vector_load %arg11[%get3A_1579, %get3A_1580] {strides = array<i32>} : memref<512x64xf32, #tpu.memory_space<vmem>>, vector<16xf32>,
      %get3A_1582 = arith.index_cast %add3A_1563 : i32 to index
      %get3A_1583 = arith.constant 32 : index
      %get3A_1584 = tpu.vector_load %arg12[%get3A_1582, %get3A_1583] {strides = array<i32>} : memref<512x64xf32, #tpu.memory_space<vmem>>, vector<16xf32>,
      %mul3A_1585 = arith.mulf %get3A_1581, %get3A_1584 : vector<16xf32>
      %add3A_1586 = arith.addf %add3A_1578, %mul3A_1585 : vector<16xf32>
      %get3A_1587 = arith.index_cast %add3A_1563 : i32 to index
      %get3A_1588 = arith.constant 48 : index
      %get3A_1589 = tpu.vector_load %arg11[%get3A_1587, %get3A_1588] {strides = array<i32>} : memref<512x64xf32, #tpu.memory_space<vmem>>, vector<16xf32>,
      %get3A_1590 = arith.index_cast %add3A_1563 : i32 to index
      %get3A_1591 = arith.constant 48 : index
      %get3A_1592 = tpu.vector_load %arg12[%get3A_1590, %get3A_1591] {strides = array<i32>} : memref<512x64xf32, #tpu.memory_space<vmem>>, vector<16xf32>,
      %mul3A_1593 = arith.mulf %get3A_1589, %get3A_1592 : vector<16xf32>
      %add3A_1594 = arith.addf %add3A_1586, %mul3A_1593 : vector<16xf32>
      %eq3A_1595 = arith.constant 15 : i32
      %eq3A_1596 = vector.broadcast %eq3A_1595 : i32 to vector<16xi32>
      %eq3A_1597 = arith.cmpi eq, %iota3A, %eq3A_1596 : vector<16xi32>
      %reduce_sum3A_1598 = arith.constant true
      %reduce_sum3A_1599 = vector.broadcast %reduce_sum3A_1598 : i1 to vector<16xi1>
      %reduce_sum3A_1600 = tpu.scan <sum>, %add3A_1594 masked %reduce_sum3A_1599 : vector<16xf32>, vector<16xi1> -> vector<16xf32>
      %reduce_sum3A_1601 = vector.extract %reduce_sum3A_1600[15] : f32 from vector<16xf32>
      %broadcast_in_dim3A_1602 = vector.broadcast %reduce_sum3A_1601 : f32 to vector<16xf32>
      %select_n3A_1603 = arith.select %eq3A_1597, %broadcast_in_dim3A_1602, %select_n3A_1559 : vector<16xi1>, vector<16xf32>
      %mul3A_1604 = arith.constant 16 : i32
      %mul3A_1605 = arith.muli %scan3A_902, %mul3A_1604 : i32
      %get3A_1606 = arith.index_cast %mul3A_1605 : i32 to index
      %get3A_1607 = tpu.vector_load %arg13[%get3A_1606] {strides = array<i32>} : memref<512xf32, #tpu.memory_space<vmem>>, vector<16xf32>,
      %add3A_1608 = arith.addf %select_n3A_1603, %get3A_1607 : vector<16xf32>
      %get3A_1609 = arith.index_cast %mul3A_1605 : i32 to index
      %get3A_1610 = tpu.vector_load %arg14[%get3A_1609] {strides = array<i32>} : memref<512xf32, #tpu.memory_space<vmem>>, vector<16xf32>,
      %add3A_1611 = arith.addf %add3A_1608, %get3A_1610 : vector<16xf32>
      %neg3A = arith.constant 0.000000e+00 : f32
      %neg3A_1612 = vector.broadcast %neg3A : f32 to vector<16xf32>
      %neg3A_1613 = arith.subf %neg3A_1612, %add3A_1611 : vector<16xf32>
      %exp3A = math.exp %neg3A_1613 : vector<16xf32>
      %add3A_1614 = arith.constant 1.000000e+00 : f32
      %add3A_1615 = vector.broadcast %add3A_1614 : f32 to vector<16xf32>
      %add3A_1616 = arith.addf %add3A_1615, %exp3A : vector<16xf32>
      %div3A = arith.constant 5.500000e+00 : f32
      %div3A_1617 = vector.broadcast %div3A : f32 to vector<16xf32>
      %div3A_1618 = arith.divf %div3A_1617, %add3A_1616 : vector<16xf32>
      %swap3A_1619 = arith.index_cast %mul3A_1605 : i32 to index
      %swap3A_1620 = tpu.vector_load %arg15[%swap3A_1619] {strides = array<i32>} : memref<512xf32, #tpu.memory_space<vmem>>, vector<16xf32>,
      tpu.vector_store %arg15[%swap3A_1619], %div3A_1618 {strides = array<i32>} : memref<512xf32, #tpu.memory_space<vmem>>, vector<16xf32>,
    }
    %scan3A_901 = arith.constant 32 : i32
    "tpu.region"() ({
      %run_scoped3A = tpu.sem_alloc : memref<!tpu.dma_semaphore, #tpu.memory_space<semaphore_mem>>
      %dma_start3A_902 = tpu.memref_slice %arg7[%mul3A_2] : memref<16384xf32, #tpu.memory_space<hbm>> -> memref<512xf32, #tpu.memory_space<hbm>>
      %dma_start3A_903 = tpu.memref_slice %arg7[%mul3A_2] : memref<16384xf32, #tpu.memory_space<hbm>> -> memref<512xf32, #tpu.memory_space<hbm>>
      tpu.enqueue_dma source(%arg15 : memref<512xf32, #tpu.memory_space<vmem>>) target(%dma_start3A_903 : memref<512xf32, #tpu.memory_space<hbm>>) target_semaphore(%run_scoped3A : memref<!tpu.dma_semaphore, #tpu.memory_space<semaphore_mem>>)
      %dma_wait3A_904 = tpu.memref_slice %arg7[%mul3A_2] : memref<16384xf32, #tpu.memory_space<hbm>> -> memref<512xf32, #tpu.memory_space<hbm>>
      %dma_wait3A_905 = tpu.memref_slice %arg7[%mul3A_2] : memref<16384xf32, #tpu.memory_space<hbm>> -> memref<512xf32, #tpu.memory_space<hbm>>
      tpu.wait_dma2 semaphore(%run_scoped3A : memref<!tpu.dma_semaphore, #tpu.memory_space<semaphore_mem>>) src(%arg15 : memref<512xf32, #tpu.memory_space<vmem>>) dst(%dma_wait3A_905 : memref<512xf32, #tpu.memory_space<hbm>>)
      tpu.yield
    }) : () -> ()
    return
  }
}

</mosaic_0001>

<sc_bundles>
// kernel: kernel.3.cloned.1.call-start
scs
__scs_entry_jumppad:
0x0: {  	(pc) =	sbr.rel $0x88, $3  }
0x1: {  	(tag) =	ssettag $0x0;
	lr =	simm.s32 $0x1  }
0x2: {  	[smem:$0x3F9C] =	sst lr;
	_ =	strace $0xD0000000  }
0x3: {  	_ = 	snop  }
0x4: {  	_ = 	snop  }
0x5: {  	_ = 	snop  }
0x6: {  	_ = 	snop  }
0x7: {  	_ = 	snop  }
__scs_overlays_trampoline_lowered:
0x8: {  	[smem:$0x3FAB] =	sst s0  }
0x9: {  	[smem:$0x3FAC] =	sst s1  }
0xa: {  	[smem:$0x3FAD] =	sst s2  }
0xb: {  	[smem:$0x3FAE] =	sst s3  }
0xc: {  	[smem:$0x3FAF] =	sst s4  }
0xd: {  	[smem:$0x3FB0] =	sst s5  }
0xe: {  	[smem:$0x3FB1] =	sst s6  }
0xf: {  	[smem:$0x3FB2] =	sst s7  }
0x10: {  	[smem:$0x3FB3] =	sst s8  }
0x11: {  	[smem:$0x3FB4] =	sst s9;
	s0 =	simm.s32 @!p0 $0x0  }
0x12: {  	s1 =	sld [smem:$0x3F9A];
	s0 =	simm.s32 @p0 $0x1  }
0x13: {  	[smem:$0x3FB5] =	sst s0;
	s0 =	simm.s32 @!p1 $0x0  }
0x14: {  	s2 =	sld [smem:$0x3F99];
	s0 =	simm.s32 @p1 $0x1  }
0x15: {  	[smem:$0x3FB6] =	sst s0;
	s0 =	simm.s32 @!p2 $0x0  }
0x16: {  	s3 =	sld [smem:$0x3FDB];
	s0 =	simm.s32 @p2 $0x1  }
0x17: {  	s4 =	simm.s32 $0x1BF5;
	[smem:$0x3FB8] =	sst s0  }
0x18: {  	s0 =	sld [smem:$0x3F9B];
	_ =	swait.ge [sflag:s4], $0x0  }
0x19: {  	s7 =	sld [smem:$0x3F9C]  }
0x1a: {  	s8 =	sadd.s32 $0xFFFFE003, lr  }
0x1b: {  	s9 =	sadd.s32 $0xFFFFFEF7, lr;
	s5 =	simm.s32 $0xFFFFFFFF;
	p2 =	slt.u32 s8, $0xFFFFF086  }
0x1c: {  	p1 =	slt.u32 s9, $0xF7A;
	s5 =	simm.s32 @!p2 $0x0  }
0x1d: {  	s5 =	simm.s32 @p1 $0x1;
	p0 =	seq.s32 s7, s2  }
0x1e: {  	s7 =	smul.u32 @!p0 $0xF7A, s2;
	p2 =	seq.s32 @!p0 s5, $0x0  }
0x1f: {  	s9 =	smul.u32 $0xF7A, s1;
	s8 =	simm.s32 @!p0 $0x1BF5;
	p2 =	por !p2, p0  }
0x20: {  	[sflag:s8] =	ssyncset.s32 @!p0 $0xFFFFF086;
	s6 =	sadd.s32 @!p0 s3, s7;
	s7 =	simm.s32 @!p0 $0x108  }
0x21: {  	s3 =	sadd.s32 s3, s9;
	s6 =	sadd.s32 @!p0 $0x88, s6;
	s7 =	simm.s32 @p2 $0x1082  }
0x22: {  	[simem:s7], [sflag:s8] =	dma.local @!p0 [hbm:s6], $0xF7A  }
0x23: {  	s9 =	sor.u32 $0xD0000000, s2;
	s6 =	simm.s32 $0x108;
	_ =	swait.ge @!p0 [sflag:s8], $0x0  }
0x24: {  	s3 =	sadd.s32 $0x88, s3;
	s6 =	simm.s32 @!p1 $0x1082;
	[sflag:s4] =	ssyncset.s32 $0xFFFFF086  }
0x25: {  	[simem:s6], [sflag:s4] =	dma.local [hbm:s3], $0xF7A  }
0x26: {  	[smem:$0x3F9C] =	sst s1;
	(tag) =	ssettag s2;
	_ =	strace s9  }
0x27: {  	s1 =	sld [smem:$0x3FAC]  }
0x28: {  	s2 =	sld [smem:$0x3FAD]  }
0x29: {  	s4 =	sld [smem:$0x3FAF]  }
0x2a: {  	p0 =	seq.s32 s5, $0x0;
	s5 =	sld [smem:$0x3FB0]  }
0x2b: {  	s6 =	sld [smem:$0x3FB1]  }
0x2c: {  	s7 =	sld [smem:$0x3FB2]  }
0x2d: {  	s3 =	simm.s32 $0x108;
	s8 =	sld [smem:$0x3FB3]  }
0x2e: {  	s3 =	simm.s32 @!p0 $0x1082;
	s9 =	sld [smem:$0x3FB4]  }
0x2f: {  	lr =	sadd.s32 s0, s3;
	s0 =	sld [smem:$0x3FAB]  }
0x30: {  	s3 =	sld [smem:$0x3FAE]  }
0x31: {  	[smem:$0x3FB7] =	sst s10  }
0x32: {  	s10 =	sld [smem:$0x3FB5];
	_ =	sdelay $0x3  }
0x33: {  	p0 =	seq.s32 s10, $0x1;
	s10 =	sld [smem:$0x3FB7];
	_ =	sdelay $0x3  }
0x34: {  	[smem:$0x3FB7] =	sst s10  }
0x35: {  	s10 =	sld [smem:$0x3FB6];
	_ =	sdelay $0x3  }
0x36: {  	p1 =	seq.s32 s10, $0x1;
	s10 =	sld [smem:$0x3FB7];
	_ =	sdelay $0x3  }
0x37: {  	[smem:$0x3FB7] =	sst s10  }
0x38: {  	s10 =	sld [smem:$0x3FB8]  }
0x39: {  	_ = 	snop;
	(pc) =	sbr.ind lr, $3  }
0x3a: {  	_ = 	snop  }
0x3b: {  	_ = 	snop  }
0x3c: {  	p2 =	seq.s32 s10, $0x1;
	s10 =	sld [smem:$0x3FB7]  }
0x3d: {  	_ =	shalt  }
0x3e: {  	_ =	shalt  }
0x3f: {  	_ =	shalt  }
0x40: {  	_ =	shalt  }
0x41: {  	_ =	shalt  }
0x42: {  	_ =	shalt  }
0x43: {  	_ =	shalt  }
0x44: {  	_ =	shalt  }
0x45: {  	_ =	shalt  }
0x46: {  	_ =	shalt  }
0x47: {  	_ =	shalt  }
0x48: {  	_ =	shalt  }
0x49: {  	_ =	shalt  }
0x4a: {  	_ =	shalt  }
0x4b: {  	_ =	shalt  }
0x4c: {  	_ =	shalt  }
0x4d: {  	_ =	shalt  }
0x4e: {  	_ =	shalt  }
0x4f: {  	_ =	shalt  }
0x50: {  	_ =	shalt  }
0x51: {  	_ =	shalt  }
0x52: {  	_ =	shalt  }
0x53: {  	_ =	shalt  }
0x54: {  	_ =	shalt  }
0x55: {  	_ =	shalt  }
0x56: {  	_ =	shalt  }
0x57: {  	_ =	shalt  }
0x58: {  	_ =	shalt  }
0x59: {  	_ =	shalt  }
0x5a: {  	_ =	shalt  }
0x5b: {  	_ =	shalt  }
0x5c: {  	_ =	shalt  }
0x5d: {  	_ =	shalt  }
0x5e: {  	_ =	shalt  }
0x5f: {  	_ =	shalt  }
0x60: {  	_ =	shalt  }
0x61: {  	_ =	shalt  }
0x62: {  	_ =	shalt  }
0x63: {  	_ =	shalt  }
0x64: {  	_ =	shalt  }
0x65: {  	_ =	shalt  }
0x66: {  	_ =	shalt  }
0x67: {  	_ =	shalt  }
0x68: {  	_ =	shalt  }
0x69: {  	_ =	shalt  }
0x6a: {  	_ =	shalt  }
0x6b: {  	_ =	shalt  }
0x6c: {  	_ =	shalt  }
0x6d: {  	_ =	shalt  }
0x6e: {  	_ =	shalt  }
0x6f: {  	_ =	shalt  }
0x70: {  	_ =	shalt  }
0x71: {  	_ =	shalt  }
0x72: {  	_ =	shalt  }
0x73: {  	_ =	shalt  }
0x74: {  	_ =	shalt  }
0x75: {  	_ =	shalt  }
0x76: {  	_ =	shalt  }
0x77: {  	_ =	shalt  }
0x78: {  	_ =	shalt  }
0x79: {  	_ =	shalt  }
0x7a: {  	_ =	shalt  }
0x7b: {  	_ =	shalt  }
0x7c: {  	_ =	shalt  }
0x7d: {  	_ =	shalt  }
0x7e: {  	_ =	shalt  }
0x7f: {  	_ =	shalt  }
0x80: {  	_ =	shalt  }
0x81: {  	_ =	shalt  }
0x82: {  	_ =	shalt  }
0x83: {  	_ =	shalt  }
0x84: {  	_ =	shalt  }
0x85: {  	_ =	shalt  }
0x86: {  	_ =	shalt  }
0x87: {  	_ =	shalt  }
.Lfunc_end0:
.L_simem_size_0:
called_computation_lowered:
.L_overlay_start_0:
0x88: {  	s2 =	sld [smem:$0x3FD9]  }
0x89: {  	s3 =	sld [smem:$0x3FFE];
	_ =	sdelay $0x1  }
0x8a: {  	s1 =	srdreg.scid  }
0x8b: {  	s0 =	sand.u32 $0x1, s1  }
0x8c: {  	s17 =	sshll.u32 s0, $0xA;
	s2 =	sadd.s32 s3, s2  }
0x8d: {  	s2 =	sadd.s32 s2, s17  }
0x8e: {  	[smem:$0x3FC3] =	sst s2  }
0x8f: {  	_ = 	snop  }
0x90: {  	s2 =	sld [smem:$0x3FD0];
	(tm) =	ssettm $0x1  }
0x91: {  	s18 =	sld [smem:$0x3FFB];
	_ =	sdelay $0x3  }
0x92: {  	_ =	strace s18  }
0x93: {  	s3 =	sld [smem:$0x3FFC];
	_ =	sdelay $0x3  }
0x94: {  	_ =	strace s3  }
0x95: {  	s3 =	sld [smem:$0x3FFD];
	_ =	sdelay $0x3  }
0x96: {  	_ =	strace s3  }
0x97: {  	_ =	strace $0x8FFFFFFF  }
0x98: {  	s19 =	sld [smem:$0x3FDB];
	_ =	sdelay $0x1  }
0x99: {  	s4 =	simm.s32 $_scs_section_size  }
0x9a: {  	s5 =	simm.s32 $_size__tile_overlayer_lowered;
	s6 =	simm.s32 $_tile_overlayer_lowered  }
0x9b: {  	s22 =	simm.s32 $0x1BFF;
	s21 =	sshll.u32 s6, $0x1;
	s3 =	sadd.s32 s4, s19  }
0x9c: {  	s7 =	simm.s32 $0x0;
	s20 =	sshll.u32 s5, $0x1;
	s5 =	sadd.s32 s21, s3  }
0x9d: {  	[timem:s7], [sflag:s22] =	dma.local [hbm:s5], s20  }
0x9e: {  	_ =	swait.ge [sflag:s22], s20  }
0x9f: {  	s4 =	ssub.s32 $0x0, s20;
	[sflag:s22] =	ssyncset.done $0x0  }
0xa0: {  	[sflag:s22] =	ssyncadd.s32 s4;
	_ =	sdelay $0x1  }
0xa1: {  	s23 =	simm.s32 $0x1B8B  }
0xa2: {  	_ =	swait.ge [sflag:s23], $0x1  }
0xa3: {  	[sflag:s23] =	ssyncset.done $0x0  }
0xa4: {  	s25 =	simm.s32 $0x1B8E;
	s24 =	sld [smem:$0x3FFE];
	[sflag:s23] =	ssyncadd.s32 $0xFFFFFFFF  }
0xa5: {  	s26 =	simm.s32 $execute0_lowered;
	[smem:$0x3FD2] =	sst s25  }
0xa6: {  	s5 =	sshll.u32 s26, $0x1;
	_ =	strace $0x80000046;
	[dreg:$0x1] =	wrdreg $0xFFFFFFFF  }
0xa7: {  	s28 =	simm.s32 $_size_execute0_lowered;
	s3 =	sadd.s32 s3, s5;
	[dreg:$0x0] =	wrdreg $0x0  }
0xa8: {  	s5 =	sshll.u32 s28, $0x1;
	[dreg:$0x2] =	wrdreg s3  }
0xa9: {  	[dreg:$0x3] =	wrdreg s5  }
0xaa: {  	[dreg:$0x4] =	wrdreg $0xC0  }
0xab: {  	_ =	task [dreg:s7], $0x5FFFF  }
0xac: {  	[dreg:$0x1] =	wrdreg $0xFFFFFFFF  }
0xad: {  	[dreg:$0x0] =	wrdreg $0x60  }
0xae: {  	[dreg:$0x2] =	wrdreg s24  }
0xaf: {  	[dreg:$0x3] =	wrdreg s2  }
0xb0: {  	[dreg:$0x4] =	wrdreg $0x9  }
0xb1: {  	_ =	task.clear_ibuf [dreg:s7], $0x5FFFF;
	_ =	strace $0x90000046  }
0xb2: {  	s29 =	simm.s32 $0x9;
	_ =	strace $0x80000048  }
0xb3: {  	_ =	swait.ge [sflag:s29], $0x1  }
0xb4: {  	[sflag:s29] =	ssyncadd.s32 $0xFFFFFFFF  }
0xb5: {  	_ =	strace $0x90000048  }
0xb6: {  	_ =	sfence  }
0xb7: {  	s30 =	sld [smem:$0x0];
	_ =	sdelay $0x2  }
0xb8: {  	s31 =	sshll.u32 s1, $0xD;
	s1 =	sshrl.u32 s1, $0x2  }
0xb9: {  	s3 =	sand.u32 $0x4000, s31;
	s1 =	sadd.s32 s1, s30  }
0xba: {  	s0 =	sor.u32 s3, s0;
	s1 =	sshll.u32 s1, $0x11  }
0xbb: {  	s0 =	sor.u32 s1, s0  }
0xbc: {  	s0 =	sadd.s32 $0x8F2B, s0  }
0xbd: {  	[sflag:s0] =	ssyncadd.remote.s32 $0x1  }
0xbe: {  	_ =	sfence.sel $0xFFFF  }
0xbf: {  	[dreg:$0x0] =	wrdreg $0xFFFFFFFF;
	(pc) =	sbr.abs _section_cstart, $3  }
0xc0: {  	[dreg:$0x1] =	wrdreg $0xFFFFFFFF  }
0xc1: {  	_ =	task.clear_ibuf [dreg:s7], $0x2FFFF;
	_ =	strace $0x9FFFFFFF  }
0xc2: {  	(tm) =	ssettm $0x7FFFFFFF  }
0xc3: {  	_ =	shalt  }
tec
execute0_lowered:
.L_overlay_start_1:
0x0: {  	(tag) =	ssettag $0x1  }
0x1: {  	v0 =	vlaneseq.u32  }
0x2: {  	v0 =	vmul.u32 $0x2, v0;
	_ =	sdelay $0x1  }
0x3: {  	v1 =	vor.u32 $0x1, v0  }
0x4: {  	v63 =	vor.u32 $0x20, v0;
	[tilespmem:$0x1FC00] =	vst v1  }
0x5: {  	v4 =	vor.u32 $0x21, v0;
	[tilespmem:$0x1FC10] =	vst v63  }
0x6: {  	v5 =	vor.u32 $0x40, v0;
	[tilespmem:$0x1FC20] =	vst v4  }
0x7: {  	v6 =	vor.u32 $0x41, v0;
	[tilespmem:$0x1FC30] =	vst v5  }
0x8: {  	v7 =	vor.u32 $0x60, v0;
	[tilespmem:$0x1FC40] =	vst v6  }
0x9: {  	v8 =	vor.u32 $0x61, v0;
	[tilespmem:$0x1FC50] =	vst v7  }
0xa: {  	v9 =	vor.u32 $0x80, v0;
	[tilespmem:$0x1FC60] =	vst v8  }
0xb: {  	v10 =	vor.u32 $0x81, v0;
	[tilespmem:$0x1FC70] =	vst v9  }
0xc: {  	v11 =	vor.u32 $0xA0, v0;
	[tilespmem:$0x1FC80] =	vst v10  }
0xd: {  	v12 =	vor.u32 $0xA1, v0;
	[tilespmem:$0x1FC90] =	vst v11  }
0xe: {  	v13 =	vor.u32 $0xC0, v0;
	[tilespmem:$0x1FCA0] =	vst v12  }
0xf: {  	v14 =	vor.u32 $0xC1, v0;
	[tilespmem:$0x1FCB0] =	vst v13  }
0x10: {  	v15 =	vor.u32 $0xE0, v0;
	[tilespmem:$0x1FCC0] =	vst v14  }
0x11: {  	v16 =	vor.u32 $0xE1, v0;
	[tilespmem:$0x1FCD0] =	vst v15  }
0x12: {  	v17 =	vor.u32 $0x100, v0;
	[tilespmem:$0x1FCE0] =	vst v16  }
0x13: {  	v18 =	vor.u32 $0x101, v0;
	[tilespmem:$0x1FCF0] =	vst v17  }
0x14: {  	v19 =	vor.u32 $0x120, v0;
	[tilespmem:$0x1FD00] =	vst v18  }
0x15: {  	v20 =	vor.u32 $0x121, v0;
	[tilespmem:$0x1FD10] =	vst v19  }
0x16: {  	v21 =	vor.u32 $0x140, v0;
	[tilespmem:$0x1FD20] =	vst v20  }
0x17: {  	v22 =	vor.u32 $0x141, v0;
	[tilespmem:$0x1FD30] =	vst v21  }
0x18: {  	v23 =	vor.u32 $0x160, v0;
	[tilespmem:$0x1FD40] =	vst v22  }
0x19: {  	v24 =	vor.u32 $0x161, v0;
	[tilespmem:$0x1FD50] =	vst v23  }
0x1a: {  	v25 =	vor.u32 $0x180, v0;
	[tilespmem:$0x1FD60] =	vst v24  }
0x1b: {  	v26 =	vor.u32 $0x181, v0;
	[tilespmem:$0x1FD70] =	vst v25  }
0x1c: {  	v27 =	vor.u32 $0x1A0, v0;
	[tilespmem:$0x1FD80] =	vst v26  }
0x1d: {  	s0 =	rddreg [dreg:$0x0];
	s1 =	simm.s32 $0x0;
	v28 =	vor.u32 $0x1A1, v0;
	[tilespmem:$0x1FD90] =	vst v27  }
0x1e: {  	[smem:$0x7FF] =	sst s1;
	v29 =	vor.u32 $0x1C0, v0;
	[tilespmem:$0x1FDA0] =	vst v28  }
0x1f: {  	s3 =	rddreg [dreg:$0x1];
	v30 =	vor.u32 $0x1C1, v0;
	_ =	strace $0x80000047;
	[tilespmem:$0x1FDB0] =	vst v29  }
0x20: {  	v31 =	vor.u32 $0x1E0, v0;
	[tilespmem:$0x1FDC0] =	vst v30  }
0x21: {  	v32 =	vor.u32 $0x1E1, v0;
	[tilespmem:$0x1FDD0] =	vst v31  }
0x22: {  	v33 =	vor.u32 $0x200, v0;
	[tilespmem:$0x1FDE0] =	vst v32  }
0x23: {  	v34 =	vor.u32 $0x201, v0;
	[tilespmem:$0x1FDF0] =	vst v33  }
0x24: {  	v35 =	vor.u32 $0x220, v0;
	[tilespmem:$0x1FE00] =	vst v34  }
0x25: {  	v36 =	vor.u32 $0x221, v0;
	[tilespmem:$0x1FE10] =	vst v35  }
0x26: {  	v37 =	vor.u32 $0x240, v0;
	[tilespmem:$0x1FE20] =	vst v36  }
0x27: {  	v38 =	vor.u32 $0x241, v0;
	[tilespmem:$0x1FE30] =	vst v37  }
0x28: {  	v39 =	vor.u32 $0x260, v0;
	[tilespmem:$0x1FE40] =	vst v38  }
0x29: {  	v40 =	vor.u32 $0x261, v0;
	[tilespmem:$0x1FE50] =	vst v39  }
0x2a: {  	v41 =	vor.u32 $0x280, v0;
	[tilespmem:$0x1FE60] =	vst v40  }
0x2b: {  	v42 =	vor.u32 $0x281, v0;
	[tilespmem:$0x1FE70] =	vst v41  }
0x2c: {  	v43 =	vor.u32 $0x2A0, v0;
	[tilespmem:$0x1FE80] =	vst v42  }
0x2d: {  	v44 =	vor.u32 $0x2A1, v0;
	[tilespmem:$0x1FE90] =	vst v43  }
0x2e: {  	v45 =	vor.u32 $0x2C0, v0;
	[tilespmem:$0x1FEA0] =	vst v44  }
0x2f: {  	v46 =	vor.u32 $0x2C1, v0;
	[tilespmem:$0x1FEB0] =	vst v45  }
0x30: {  	v47 =	vor.u32 $0x2E0, v0;
	[tilespmem:$0x1FEC0] =	vst v46  }
0x31: {  	v48 =	vor.u32 $0x2E1, v0;
	[tilespmem:$0x1FED0] =	vst v47  }
0x32: {  	v49 =	vor.u32 $0x300, v0;
	[tilespmem:$0x1FEE0] =	vst v48  }
0x33: {  	v50 =	vor.u32 $0x301, v0;
	[tilespmem:$0x1FEF0] =	vst v49  }
0x34: {  	v51 =	vor.u32 $0x320, v0;
	[tilespmem:$0x1FF00] =	vst v50  }
0x35: {  	v52 =	vor.u32 $0x321, v0;
	[tilespmem:$0x1FF10] =	vst v51  }
0x36: {  	v53 =	vor.u32 $0x340, v0;
	[tilespmem:$0x1FF20] =	vst v52  }
0x37: {  	v54 =	vor.u32 $0x341, v0;
	[tilespmem:$0x1FF30] =	vst v53  }
0x38: {  	s6 =	srdreg.scid;
	s8 =	stileid.u32;
	v55 =	vor.u32 $0x360, v0;
	[tilespmem:$0x1FF40] =	vst v54  }
0x39: {  	s12 =	simm.s32 $0x400;
	s14 =	simm.s32 $0x600;
	s18 =	simm.s32 $0x480;
	v56 =	vor.u32 $0x361, v0;
	[tilespmem:$0x1FF50] =	vst v55  }
0x3a: {  	s20 =	simm.s32 $0x680;
	s24 =	simm.s32 $0x500;
	s26 =	simm.s32 $0x700;
	v57 =	vor.u32 $0x380, v0;
	[tilespmem:$0x1FF60] =	vst v56  }
0x3b: {  	s30 =	simm.s32 $0x10B00;
	s31 =	simm.s32 $0x580;
	s13 =	simm.s32 $0xE800;
	v58 =	vor.u32 $0x381, v0;
	[tilespmem:$0x1FF70] =	vst v57  }
0x3c: {  	s15 =	simm.s32 $0x10980;
	s16 =	simm.s32 $0x10B80;
	s17 =	simm.s32 $0x1;
	v59 =	vor.u32 $0x3A0, v0;
	[tilespmem:$0x1FF80] =	vst v58  }
0x3d: {  	vm0 =	vmmov $0x1;
	s19 =	simm.s32 $0x10C00;
	s21 =	simm.s32 $0x0;
	s2 =	sadd.s32 $0x16E3600, s0;
	v60 =	vor.u32 $0x3A1, v0;
	[tilespmem:$0x1FF90] =	vst v59  }
0x3e: {  	vm1 =	vmmov $0x3;
	vm2 =	vmmov $0x7;
	s4 =	sadd.s32 $0x1FA00, s0;
	s7 =	sand.u32 $0x1, s6;
	s8 =	sshll.u32 s8, $0x1;
	v61 =	vor.u32 $0x3C0, v0;
	[tilespmem:$0x1FFA0] =	vst v60  }
0x3f: {  	vm3 =	vmmov $0xf;
	vm4 =	vmmov $0x1f;
	s5 =	sadd.s32 $0xF42400, s0;
	s9 =	ssub.s32 $0x2, s7;
	s7 =	sor.u32 s7, s8;
	v62 =	vor.u32 $0x3C1, v0;
	[tilespmem:$0x1FFB0] =	vst v61  }
0x40: {  	vm5 =	vmmov $0x3f;
	vm6 =	vmmov $0x7f;
	s6 =	sadd.s32 $0x1000, s0;
	s29 =	sshrl.u32 s9, $0x1;
	s10 =	sshll.u32 s7, $0x7;
	v63 =	vor.u32 $0x3E0, v0;
	[tilespmem:$0x1FFC0] =	vst v62  }
0x41: {  	vm7 =	vmmov $0xff;
	vm8 =	vmmov $0x1ff;
	vm9 =	vmmov $0x3ff;
	s11 =	sshll.u32 s7, $0x6;
	s9 =	ssub.s32 s9, s29;
	s7 =	sadd.s32 s0, s10;
	[tilespmem:$0x1FFD0] =	vst v63  }
0x42: {  	vm10 =	vmmov $0x7ff;
	vm11 =	vmmov $0xfff;
	s8 =	sadd.s32 s3, s11;
	s10 =	simm.s32 $0x2;
	s11 =	simm.s32 $0x80;
	[tilespmem:$0x1FFE0] =	vst v0;
	v0 =	vor.u32 $0x3E1, v0  }
0x43: {  	vm12 =	vmmov $0x1fff;
	vm13 =	vmmov $0x3fff;
	vm14 =	vmmov $0x7fff;
	s0 =	simm.s32 $0x6800;
	s3 =	simm.s32 $0x780;
	s9 =	smax.u32 s9, $0x1;
	[tilespmem:$0x1FFF0] =	vst v0  }
.LBB2_1:
0x44: {  	[tilespmem:s1], [sflag:$0x2] =	stream.linear.gather [hbm4b:s7+s1], $0x400, $0x38;
	[tilespmem:$0x10E00] =	vst v63  }
0x45: {  	_ =	swait.ge [sflag:s10], $0x400  }
0x46: {  	v0 =	vld [tilespmem:$0x1FFE0];
	_ =	sdelay $0x5  }
0x47: {  	[sflag:s10] =	ssyncset.done $0x0;
	v5 =	vld [tilespmem:$0x1FC00]  }
0x48: {  	[sflag:s10] =	ssyncadd.s32 $0xFFFFFC00  }
0x49: {  	v1 =	vld.idx.msk [tilespmem:v0+s1+$0x0], $0xffff;
	_ =	sdelay $0x3  }
0x4a: {  	v6 =	vld [tilespmem:$0x1FC10]  }
0x4b: {  	[tilespmem:$0x400] =	vst v1  }
0x4c: {  	v1 =	vld.idx.msk [tilespmem:v5+s1+$0x0], $0xffff;
	_ =	sdelay $0x3  }
0x4d: {  	v7 =	vld [tilespmem:$0x1FC20]  }
0x4e: {  	[tilespmem:$0x600] =	vst v1  }
0x4f: {  	v1 =	vld.idx.msk [tilespmem:v6+s1+$0x0], $0xffff;
	_ =	sdelay $0x3  }
0x50: {  	v8 =	vld [tilespmem:$0x1FC30]  }
0x51: {  	[tilespmem:$0x410] =	vst v1  }
0x52: {  	v1 =	vld.idx.msk [tilespmem:v7+s1+$0x0], $0xffff;
	_ =	sdelay $0x3  }
0x53: {  	v9 =	vld [tilespmem:$0x1FC40]  }
0x54: {  	[tilespmem:$0x610] =	vst v1  }
0x55: {  	v1 =	vld.idx.msk [tilespmem:v8+s1+$0x0], $0xffff;
	_ =	sdelay $0x3  }
0x56: {  	v10 =	vld [tilespmem:$0x1FC50]  }
0x57: {  	[tilespmem:$0x420] =	vst v1  }
0x58: {  	v1 =	vld.idx.msk [tilespmem:v9+s1+$0x0], $0xffff;
	_ =	sdelay $0x3  }
0x59: {  	v11 =	vld [tilespmem:$0x1FC60]  }
0x5a: {  	[tilespmem:$0x620] =	vst v1  }
0x5b: {  	v1 =	vld.idx.msk [tilespmem:v10+s1+$0x0], $0xffff;
	_ =	sdelay $0x3  }
0x5c: {  	v32 =	vld [tilespmem:$0x1FC70]  }
0x5d: {  	[tilespmem:$0x430] =	vst v1  }
0x5e: {  	v1 =	vld.idx.msk [tilespmem:v11+s1+$0x0], $0xffff;
	_ =	sdelay $0x3  }
0x5f: {  	v33 =	vld [tilespmem:$0x1FC80]  }
0x60: {  	[tilespmem:$0x630] =	vst v1  }
0x61: {  	v1 =	vld.idx.msk [tilespmem:v32+s1+$0x0], $0xffff;
	_ =	sdelay $0x3  }
0x62: {  	v34 =	vld [tilespmem:$0x1FC90]  }
0x63: {  	[tilespmem:$0x440] =	vst v1  }
0x64: {  	v1 =	vld.idx.msk [tilespmem:v33+s1+$0x0], $0xffff;
	_ =	sdelay $0x3  }
0x65: {  	v35 =	vld [tilespmem:$0x1FCA0]  }
0x66: {  	[tilespmem:$0x640] =	vst v1  }
0x67: {  	v1 =	vld.idx.msk [tilespmem:v34+s1+$0x0], $0xffff;
	_ =	sdelay $0x3  }
0x68: {  	v36 =	vld [tilespmem:$0x1FCB0]  }
0x69: {  	[tilespmem:$0x450] =	vst v1  }
0x6a: {  	v1 =	vld.idx.msk [tilespmem:v35+s1+$0x0], $0xffff;
	_ =	sdelay $0x3  }
0x6b: {  	v37 =	vld [tilespmem:$0x1FCC0]  }
0x6c: {  	[tilespmem:$0x650] =	vst v1  }
0x6d: {  	v1 =	vld.idx.msk [tilespmem:v36+s1+$0x0], $0xffff;
	_ =	sdelay $0x3  }
0x6e: {  	v38 =	vld [tilespmem:$0x1FCD0]  }
0x6f: {  	[tilespmem:$0x460] =	vst v1  }
0x70: {  	v1 =	vld.idx.msk [tilespmem:v37+s1+$0x0], $0xffff;
	_ =	sdelay $0x3  }
0x71: {  	v39 =	vld [tilespmem:$0x1FCE0]  }
0x72: {  	[tilespmem:$0x660] =	vst v1  }
0x73: {  	v1 =	vld.idx.msk [tilespmem:v38+s1+$0x0], $0xffff;
	_ =	sdelay $0x3  }
0x74: {  	v40 =	vld [tilespmem:$0x1FCF0]  }
0x75: {  	[tilespmem:$0x470] =	vst v1  }
0x76: {  	v1 =	vld.idx.msk [tilespmem:v39+s1+$0x0], $0xffff;
	_ =	sdelay $0x3  }
0x77: {  	v41 =	vld [tilespmem:$0x1FD00]  }
0x78: {  	[tilespmem:$0x670] =	vst v1  }
0x79: {  	v1 =	vld.idx.msk [tilespmem:v40+s1+$0x0], $0xffff;
	_ =	sdelay $0x3  }
0x7a: {  	v42 =	vld [tilespmem:$0x1FD10]  }
0x7b: {  	[tilespmem:$0x480] =	vst v1  }
0x7c: {  	v1 =	vld.idx.msk [tilespmem:v41+s1+$0x0], $0xffff;
	_ =	sdelay $0x3  }
0x7d: {  	v43 =	vld [tilespmem:$0x1FD20]  }
0x7e: {  	[tilespmem:$0x680] =	vst v1  }
0x7f: {  	v1 =	vld.idx.msk [tilespmem:v42+s1+$0x0], $0xffff;
	_ =	sdelay $0x3  }
0x80: {  	v44 =	vld [tilespmem:$0x1FD30]  }
0x81: {  	[tilespmem:$0x490] =	vst v1  }
0x82: {  	v1 =	vld.idx.msk [tilespmem:v43+s1+$0x0], $0xffff;
	_ =	sdelay $0x3  }
0x83: {  	v45 =	vld [tilespmem:$0x1FD40]  }
0x84: {  	[tilespmem:$0x690] =	vst v1  }
0x85: {  	v1 =	vld.idx.msk [tilespmem:v44+s1+$0x0], $0xffff;
	_ =	sdelay $0x3  }
0x86: {  	v46 =	vld [tilespmem:$0x1FD50]  }
0x87: {  	[tilespmem:$0x4A0] =	vst v1  }
0x88: {  	v1 =	vld.idx.msk [tilespmem:v45+s1+$0x0], $0xffff;
	_ =	sdelay $0x3  }
0x89: {  	v47 =	vld [tilespmem:$0x1FD60]  }
0x8a: {  	[tilespmem:$0x6A0] =	vst v1  }
0x8b: {  	v1 =	vld.idx.msk [tilespmem:v46+s1+$0x0], $0xffff;
	_ =	sdelay $0x3  }
0x8c: {  	v48 =	vld [tilespmem:$0x1FD70]  }
0x8d: {  	[tilespmem:$0x4B0] =	vst v1  }
0x8e: {  	v1 =	vld.idx.msk [tilespmem:v47+s1+$0x0], $0xffff;
	_ =	sdelay $0x3  }
0x8f: {  	v49 =	vld [tilespmem:$0x1FD80]  }
0x90: {  	[tilespmem:$0x6B0] =	vst v1  }
0x91: {  	v1 =	vld.idx.msk [tilespmem:v48+s1+$0x0], $0xffff;
	_ =	sdelay $0x3  }
0x92: {  	v50 =	vld [tilespmem:$0x1FD90]  }
0x93: {  	[tilespmem:$0x4C0] =	vst v1  }
0x94: {  	v1 =	vld.idx.msk [tilespmem:v49+s1+$0x0], $0xffff;
	_ =	sdelay $0x3  }
0x95: {  	v51 =	vld [tilespmem:$0x1FDA0]  }
0x96: {  	[tilespmem:$0x6C0] =	vst v1  }
0x97: {  	v1 =	vld.idx.msk [tilespmem:v50+s1+$0x0], $0xffff;
	_ =	sdelay $0x3  }
0x98: {  	v52 =	vld [tilespmem:$0x1FDB0]  }
0x99: {  	[tilespmem:$0x4D0] =	vst v1  }
0x9a: {  	v1 =	vld.idx.msk [tilespmem:v51+s1+$0x0], $0xffff;
	_ =	sdelay $0x3  }
0x9b: {  	v53 =	vld [tilespmem:$0x1FDC0]  }
0x9c: {  	[tilespmem:$0x6D0] =	vst v1  }
0x9d: {  	v1 =	vld.idx.msk [tilespmem:v52+s1+$0x0], $0xffff;
	_ =	sdelay $0x3  }
0x9e: {  	v54 =	vld [tilespmem:$0x1FDD0]  }
0x9f: {  	[tilespmem:$0x4E0] =	vst v1  }
0xa0: {  	v1 =	vld.idx.msk [tilespmem:v53+s1+$0x0], $0xffff;
	_ =	sdelay $0x3  }
0xa1: {  	v55 =	vld [tilespmem:$0x1FDE0]  }
0xa2: {  	[tilespmem:$0x6E0] =	vst v1  }
0xa3: {  	v1 =	vld.idx.msk [tilespmem:v54+s1+$0x0], $0xffff;
	_ =	sdelay $0x3  }
0xa4: {  	v56 =	vld [tilespmem:$0x1FDF0]  }
0xa5: {  	[tilespmem:$0x4F0] =	vst v1  }
0xa6: {  	v1 =	vld.idx.msk [tilespmem:v55+s1+$0x0], $0xffff;
	_ =	sdelay $0x3  }
0xa7: {  	v57 =	vld [tilespmem:$0x1FE00]  }
0xa8: {  	[tilespmem:$0x6F0] =	vst v1  }
0xa9: {  	v1 =	vld.idx.msk [tilespmem:v56+s1+$0x0], $0xffff;
	_ =	sdelay $0x3  }
0xaa: {  	v58 =	vld [tilespmem:$0x1FE10]  }
0xab: {  	[tilespmem:$0x500] =	vst v1  }
0xac: {  	v1 =	vld.idx.msk [tilespmem:v57+s1+$0x0], $0xffff;
	_ =	sdelay $0x3  }
0xad: {  	v59 =	vld [tilespmem:$0x1FE20]  }
0xae: {  	[tilespmem:$0x700] =	vst v1  }
0xaf: {  	v1 =	vld.idx.msk [tilespmem:v58+s1+$0x0], $0xffff;
	_ =	sdelay $0x3  }
0xb0: {  	v60 =	vld [tilespmem:$0x1FE30]  }
0xb1: {  	[tilespmem:$0x510] =	vst v1  }
0xb2: {  	v1 =	vld.idx.msk [tilespmem:v59+s1+$0x0], $0xffff;
	_ =	sdelay $0x3  }
0xb3: {  	v61 =	vld [tilespmem:$0x1FE40]  }
0xb4: {  	[tilespmem:$0x710] =	vst v1  }
0xb5: {  	v1 =	vld.idx.msk [tilespmem:v60+s1+$0x0], $0xffff;
	_ =	sdelay $0x3  }
0xb6: {  	v62 =	vld [tilespmem:$0x1FE50]  }
0xb7: {  	[tilespmem:$0x520] =	vst v1  }
0xb8: {  	v1 =	vld.idx.msk [tilespmem:v61+s1+$0x0], $0xffff;
	_ =	sdelay $0x3  }
0xb9: {  	v63 =	vld [tilespmem:$0x1FE60]  }
0xba: {  	[tilespmem:$0x720] =	vst v1  }
0xbb: {  	v1 =	vld.idx.msk [tilespmem:v62+s1+$0x0], $0xffff;
	_ =	sdelay $0x3  }
0xbc: {  	v4 =	vld [tilespmem:$0x1FE70]  }
0xbd: {  	[tilespmem:$0x530] =	vst v1  }
0xbe: {  	v1 =	vld.idx.msk [tilespmem:v63+s1+$0x0], $0xffff;
	_ =	sdelay $0x3  }
0xbf: {  	v5 =	vld [tilespmem:$0x1FE80]  }
0xc0: {  	[tilespmem:$0x730] =	vst v1  }
0xc1: {  	v1 =	vld.idx.msk [tilespmem:v4+s1+$0x0], $0xffff;
	_ =	sdelay $0x3  }
0xc2: {  	v6 =	vld [tilespmem:$0x1FE90]  }
0xc3: {  	[tilespmem:$0x540] =	vst v1  }
0xc4: {  	v1 =	vld.idx.msk [tilespmem:v5+s1+$0x0], $0xffff;
	_ =	sdelay $0x3  }
0xc5: {  	v7 =	vld [tilespmem:$0x1FEA0]  }
0xc6: {  	[tilespmem:$0x740] =	vst v1  }
0xc7: {  	v1 =	vld.idx.msk [tilespmem:v6+s1+$0x0], $0xffff;
	_ =	sdelay $0x3  }
0xc8: {  	v8 =	vld [tilespmem:$0x1FEB0]  }
0xc9: {  	[tilespmem:$0x550] =	vst v1  }
0xca: {  	v1 =	vld.idx.msk [tilespmem:v7+s1+$0x0], $0xffff;
	_ =	sdelay $0x3  }
0xcb: {  	v9 =	vld [tilespmem:$0x1FEC0]  }
0xcc: {  	[tilespmem:$0x750] =	vst v1  }
0xcd: {  	v1 =	vld.idx.msk [tilespmem:v8+s1+$0x0], $0xffff;
	_ =	sdelay $0x3  }
0xce: {  	v10 =	vld [tilespmem:$0x1FED0]  }
0xcf: {  	[tilespmem:$0x560] =	vst v1  }
0xd0: {  	v1 =	vld.idx.msk [tilespmem:v9+s1+$0x0], $0xffff;
	_ =	sdelay $0x3  }
0xd1: {  	v11 =	vld [tilespmem:$0x1FEE0]  }
0xd2: {  	[tilespmem:$0x760] =	vst v1  }
0xd3: {  	v1 =	vld.idx.msk [tilespmem:v10+s1+$0x0], $0xffff;
	_ =	sdelay $0x3  }
0xd4: {  	v32 =	vld [tilespmem:$0x1FEF0]  }
0xd5: {  	[tilespmem:$0x570] =	vst v1  }
0xd6: {  	v1 =	vld.idx.msk [tilespmem:v11+s1+$0x0], $0xffff;
	_ =	sdelay $0x3  }
0xd7: {  	v33 =	vld [tilespmem:$0x1FF00]  }
0xd8: {  	[tilespmem:$0x770] =	vst v1  }
0xd9: {  	v1 =	vld.idx.msk [tilespmem:v32+s1+$0x0], $0xffff;
	_ =	sdelay $0x3  }
0xda: {  	v34 =	vld [tilespmem:$0x1FF10]  }
0xdb: {  	[tilespmem:$0x580] =	vst v1  }
0xdc: {  	v1 =	vld.idx.msk [tilespmem:v33+s1+$0x0], $0xffff;
	_ =	sdelay $0x3  }
0xdd: {  	v35 =	vld [tilespmem:$0x1FF20]  }
0xde: {  	[tilespmem:$0x780] =	vst v1  }
0xdf: {  	v1 =	vld.idx.msk [tilespmem:v34+s1+$0x0], $0xffff;
	_ =	sdelay $0x3  }
0xe0: {  	v36 =	vld [tilespmem:$0x1FF30]  }
0xe1: {  	[tilespmem:$0x590] =	vst v1  }
0xe2: {  	v1 =	vld.idx.msk [tilespmem:v35+s1+$0x0], $0xffff;
	_ =	sdelay $0x3  }
0xe3: {  	v37 =	vld [tilespmem:$0x1FF40]  }
0xe4: {  	[tilespmem:$0x790] =	vst v1  }
0xe5: {  	v1 =	vld.idx.msk [tilespmem:v36+s1+$0x0], $0xffff;
	_ =	sdelay $0x3  }
0xe6: {  	v38 =	vld [tilespmem:$0x1FF50]  }
0xe7: {  	[tilespmem:$0x5A0] =	vst v1  }
0xe8: {  	v1 =	vld.idx.msk [tilespmem:v37+s1+$0x0], $0xffff;
	_ =	sdelay $0x3  }
0xe9: {  	v39 =	vld [tilespmem:$0x1FF60]  }
0xea: {  	[tilespmem:$0x7A0] =	vst v1  }
0xeb: {  	v1 =	vld.idx.msk [tilespmem:v38+s1+$0x0], $0xffff;
	_ =	sdelay $0x3  }
0xec: {  	v40 =	vld [tilespmem:$0x1FF70]  }
0xed: {  	[tilespmem:$0x5B0] =	vst v1  }
0xee: {  	v1 =	vld.idx.msk [tilespmem:v39+s1+$0x0], $0xffff;
	_ =	sdelay $0x3  }
0xef: {  	v41 =	vld [tilespmem:$0x1FF80]  }
0xf0: {  	[tilespmem:$0x7B0] =	vst v1  }
0xf1: {  	v1 =	vld.idx.msk [tilespmem:v40+s1+$0x0], $0xffff;
	_ =	sdelay $0x3  }
0xf2: {  	v42 =	vld [tilespmem:$0x1FF90]  }
0xf3: {  	[tilespmem:$0x5C0] =	vst v1  }
0xf4: {  	v1 =	vld.idx.msk [tilespmem:v41+s1+$0x0], $0xffff;
	_ =	sdelay $0x3  }
0xf5: {  	v43 =	vld [tilespmem:$0x1FFA0]  }
0xf6: {  	[tilespmem:$0x7C0] =	vst v1  }
0xf7: {  	v1 =	vld.idx.msk [tilespmem:v42+s1+$0x0], $0xffff;
	_ =	sdelay $0x3  }
0xf8: {  	v44 =	vld [tilespmem:$0x1FFB0]  }
0xf9: {  	[tilespmem:$0x5D0] =	vst v1  }
0xfa: {  	v1 =	vld.idx.msk [tilespmem:v43+s1+$0x0], $0xffff;
	_ =	sdelay $0x3  }
0xfb: {  	v45 =	vld [tilespmem:$0x1FFC0]  }
0xfc: {  	[tilespmem:$0x7D0] =	vst v1  }
0xfd: {  	v1 =	vld.idx.msk [tilespmem:v44+s1+$0x0], $0xffff;
	_ =	sdelay $0x3  }
0xfe: {  	v46 =	vld [tilespmem:$0x1FFD0]  }
0xff: {  	[tilespmem:$0x5E0] =	vst v1  }
0x100: {  	v1 =	vld.idx.msk [tilespmem:v45+s1+$0x0], $0xffff;
	_ =	sdelay $0x3  }
0x101: {  	v47 =	vld [tilespmem:$0x1FFF0]  }
0x102: {  	[tilespmem:$0x7E0] =	vst v1  }
0x103: {  	v1 =	vld.idx.msk [tilespmem:v46+s1+$0x0], $0xffff;
	_ =	sdelay $0x4  }
0x104: {  	[tilespmem:$0x5F0] =	vst v1  }
0x105: {  	v1 =	vld.idx.msk [tilespmem:v47+s1+$0x0], $0xffff;
	_ =	sdelay $0x4  }
0x106: {  	s22 =	simm.s32 $0x800;
	[tilespmem:$0x7F0] =	vst v1  }
0x107: {  	[tilespmem:s22], [sflag:$0x1] =	stream.indirect.gather [hbm4b:s2+s11], $0x40, s12, s11, $0xb8;
	[tilespmem:$0x10E00] =	vst v63  }
0x108: {  	s29 =	simm.s32 $0x8800  }
0x109: {  	[tilespmem:s29], [sflag:$0x1] =	stream.indirect.gather [hbm4b:s5+s11], $0x40, s14, s11, $0xb8;
	[tilespmem:$0x10E00] =	vst v63  }
0x10a: {  	s23 =	simm.s32 $0x10800  }
0x10b: {  	[tilespmem:s23], [sflag:$0x1] =	stream.indirect.gather [hbm4b:s4+s11], $0x1, s12, s11, $0xb8;
	[tilespmem:$0x10E00] =	vst v63  }
0x10c: {  	s25 =	simm.s32 $0x10A00  }
0x10d: {  	[tilespmem:s25], [sflag:$0x1] =	stream.indirect.gather [hbm4b:s6+s11], $0x1, s14, s11, $0xb8;
	[tilespmem:$0x10E00] =	vst v63  }
0x10e: {  	s29 =	simm.s32 $0x2800  }
0x10f: {  	[tilespmem:s29], [sflag:$0x1] =	stream.indirect.gather [hbm4b:s2+s11], $0x40, s18, s11, $0xb8;
	[tilespmem:$0x10E00] =	vst v63  }
0x110: {  	s23 =	simm.s32 $0xA800  }
0x111: {  	[tilespmem:s23], [sflag:$0x1] =	stream.indirect.gather [hbm4b:s5+s11], $0x40, s20, s11, $0xb8;
	[tilespmem:$0x10E00] =	vst v63  }
0x112: {  	s25 =	simm.s32 $0x10880  }
0x113: {  	[tilespmem:s25], [sflag:$0x1] =	stream.indirect.gather [hbm4b:s4+s11], $0x1, s18, s11, $0xb8;
	[tilespmem:$0x10E00] =	vst v63  }
0x114: {  	s29 =	simm.s32 $0x10A80  }
0x115: {  	[tilespmem:s29], [sflag:$0x1] =	stream.indirect.gather [hbm4b:s6+s11], $0x1, s20, s11, $0xb8;
	[tilespmem:$0x10E00] =	vst v63  }
0x116: {  	s23 =	simm.s32 $0x4800  }
0x117: {  	[tilespmem:s23], [sflag:$0x1] =	stream.indirect.gather [hbm4b:s2+s11], $0x40, s24, s11, $0xb8;
	[tilespmem:$0x10E00] =	vst v63  }
0x118: {  	s25 =	simm.s32 $0xC800  }
0x119: {  	[tilespmem:s25], [sflag:$0x1] =	stream.indirect.gather [hbm4b:s5+s11], $0x40, s26, s11, $0xb8;
	[tilespmem:$0x10E00] =	vst v63  }
0x11a: {  	s29 =	simm.s32 $0x10900  }
0x11b: {  	[tilespmem:s29], [sflag:$0x1] =	stream.indirect.gather [hbm4b:s4+s11], $0x1, s24, s11, $0xb8;
	[tilespmem:$0x10E00] =	vst v63  }
0x11c: {  	_ = 	snop  }
0x11d: {  	[tilespmem:s30], [sflag:$0x1] =	stream.indirect.gather [hbm4b:s6+s11], $0x1, s26, s11, $0xb8;
	[tilespmem:$0x10E00] =	vst v63  }
0x11e: {  	_ = 	snop  }
0x11f: {  	[tilespmem:s0], [sflag:$0x1] =	stream.indirect.gather [hbm4b:s2+s11], $0x40, s31, s11, $0xb8;
	[tilespmem:$0x10E00] =	vst v63  }
0x120: {  	_ = 	snop  }
0x121: {  	[tilespmem:s13], [sflag:$0x1] =	stream.indirect.gather [hbm4b:s5+s11], $0x40, s3, s11, $0xb8;
	[tilespmem:$0x10E00] =	vst v63  }
0x122: {  	_ = 	snop  }
0x123: {  	[tilespmem:s15], [sflag:$0x1] =	stream.indirect.gather [hbm4b:s4+s11], $0x1, s31, s11, $0xb8;
	[tilespmem:$0x10E00] =	vst v63  }
0x124: {  	_ = 	snop  }
0x125: {  	[tilespmem:s16], [sflag:$0x1] =	stream.indirect.gather [hbm4b:s6+s11], $0x1, s3, s11, $0xb8;
	[tilespmem:$0x10E00] =	vst v63  }
0x126: {  	_ =	swait.ge [sflag:s17], $0x2000  }
0x127: {  	[sflag:s17] =	ssyncset.done $0x0  }
0x128: {  	[sflag:s17] =	ssyncadd.s32 $0xFFFFE000  }
0x129: {  	_ =	swait.ge [sflag:s17], $0x2000  }
0x12a: {  	[sflag:s17] =	ssyncset.done $0x0  }
0x12b: {  	[sflag:s17] =	ssyncadd.s32 $0xFFFFE000  }
0x12c: {  	_ =	swait.ge [sflag:s17], $0x80  }
0x12d: {  	[sflag:s17] =	ssyncset.done $0x0  }
0x12e: {  	[sflag:s17] =	ssyncadd.s32 $0xFFFFFF80  }
0x12f: {  	_ =	swait.ge [sflag:s17], $0x80  }
0x130: {  	[sflag:s17] =	ssyncset.done $0x0  }
0x131: {  	[sflag:s17] =	ssyncadd.s32 $0xFFFFFF80  }
0x132: {  	_ =	swait.ge [sflag:s17], $0x2000  }
0x133: {  	[sflag:s17] =	ssyncset.done $0x0  }
0x134: {  	[sflag:s17] =	ssyncadd.s32 $0xFFFFE000  }
0x135: {  	_ =	swait.ge [sflag:s17], $0x2000  }
0x136: {  	[sflag:s17] =	ssyncset.done $0x0  }
0x137: {  	[sflag:s17] =	ssyncadd.s32 $0xFFFFE000  }
0x138: {  	_ =	swait.ge [sflag:s17], $0x80  }
0x139: {  	[sflag:s17] =	ssyncset.done $0x0  }
0x13a: {  	[sflag:s17] =	ssyncadd.s32 $0xFFFFFF80  }
0x13b: {  	_ =	swait.ge [sflag:s17], $0x80  }
0x13c: {  	[sflag:s17] =	ssyncset.done $0x0  }
0x13d: {  	[sflag:s17] =	ssyncadd.s32 $0xFFFFFF80  }
0x13e: {  	_ =	swait.ge [sflag:s17], $0x2000  }
0x13f: {  	[sflag:s17] =	ssyncset.done $0x0  }
0x140: {  	[sflag:s17] =	ssyncadd.s32 $0xFFFFE000  }
0x141: {  	_ =	swait.ge [sflag:s17], $0x2000  }
0x142: {  	[sflag:s17] =	ssyncset.done $0x0  }
0x143: {  	[sflag:s17] =	ssyncadd.s32 $0xFFFFE000  }
0x144: {  	_ =	swait.ge [sflag:s17], $0x80  }
0x145: {  	[sflag:s17] =	ssyncset.done $0x0  }
0x146: {  	[sflag:s17] =	ssyncadd.s32 $0xFFFFFF80  }
0x147: {  	_ =	swait.ge [sflag:s17], $0x80  }
0x148: {  	[sflag:s17] =	ssyncset.done $0x0  }
0x149: {  	[sflag:s17] =	ssyncadd.s32 $0xFFFFFF80  }
0x14a: {  	_ =	swait.ge [sflag:s17], $0x2000  }
0x14b: {  	[sflag:s17] =	ssyncset.done $0x0  }
0x14c: {  	[sflag:s17] =	ssyncadd.s32 $0xFFFFE000  }
0x14d: {  	_ =	swait.ge [sflag:s17], $0x2000  }
0x14e: {  	[sflag:s17] =	ssyncset.done $0x0  }
0x14f: {  	[sflag:s17] =	ssyncadd.s32 $0xFFFFE000  }
0x150: {  	_ =	swait.ge [sflag:s17], $0x80  }
0x151: {  	[sflag:s17] =	ssyncset.done $0x0  }
0x152: {  	[sflag:s17] =	ssyncadd.s32 $0xFFFFFF80  }
0x153: {  	_ =	swait.ge [sflag:s17], $0x80  }
0x154: {  	[sflag:s17] =	ssyncset.done $0x0  }
0x155: {  	s23 =	simm.s32 $0xA00;
	[sflag:s17] =	ssyncadd.s32 $0xFFFFFF80  }
0x156: {  	s22 =	simm.s32 $0x8A00;
	v6 =	vld [tilespmem:s23+$0x1B0]  }
0x157: {  	v8 =	vld [tilespmem:s22+$0x1B0]  }
0x158: {  	v48 =	vld [tilespmem:s23+$0x1C0]  }
0x159: {  	v49 =	vld [tilespmem:s22+$0x1C0]  }
0x15a: {  	v50 =	vld [tilespmem:s23+$0x1D0]  }
0x15b: {  	v51 =	vld [tilespmem:s22+$0x1D0]  }
0x15c: {  	v20 =	vld [tilespmem:s23+$0x1A0]  }
0x15d: {  	v52 =	vld [tilespmem:s22+$0x1A0]  }
0x15e: {  	v14 =	vld [tilespmem:s23+$0x130]  }
0x15f: {  	v24 =	vld [tilespmem:s22+$0x130]  }
0x160: {  	v53 =	vld [tilespmem:s23+$0x160]  }
0x161: {  	v31 =	vld [tilespmem:s23+$0x180]  }
0x162: {  	v32 =	vld [tilespmem:s22+$0x180]  }
0x163: {  	v33 =	vld [tilespmem:s23+$0x190]  }
0x164: {  	v30 =	vld [tilespmem:s22+$0x190]  }
0x165: {  	v54 =	vld [tilespmem:s22+$0xF0]  }
0x166: {  	v55 =	vld [tilespmem:s23+$0x120]  }
0x167: {  	v56 =	vld [tilespmem:s22+$0x120]  }
0x168: {  	v57 =	vld [tilespmem:s23+$0x140]  }
0x169: {  	v58 =	vld [tilespmem:s22+$0x140]  }
0x16a: {  	v59 =	vld [tilespmem:s23+$0x150]  }
0x16b: {  	v60 =	vld [tilespmem:s22+$0x150]  }
0x16c: {  	v63 =	vld [tilespmem:s23+$0xE0]  }
0x16d: {  	v34 =	vld [tilespmem:s22+$0xE0]  }
0x16e: {  	v43 =	vld [tilespmem:s23+$0x100]  }
0x16f: {  	v44 =	vld [tilespmem:s22+$0x100]  }
0x170: {  	v45 =	vld [tilespmem:s23+$0x110]  }
0x171: {  	v46 =	vld [tilespmem:s22+$0x110]  }
0x172: {  	v7 =	vld [tilespmem:s23+$0x70]  }
0x173: {  	v9 =	vld [tilespmem:s22+$0x70]  }
0x174: {  	v61 =	vld [tilespmem:s23+$0xA0]  }
0x175: {  	v1 =	vld [tilespmem:s23+$0xC0]  }
0x176: {  	v2 =	vld [tilespmem:s22+$0xC0]  }
0x177: {  	v3 =	vld [tilespmem:s23+$0xD0]  }
0x178: {  	v4 =	vld [tilespmem:s23+$0x30]  }
0x179: {  	v5 =	vld [tilespmem:s22+$0x30]  }
0x17a: {  	v35 =	vld [tilespmem:s23+$0x60]  }
0x17b: {  	v62 =	vld [tilespmem:s23+$0x80]  }
0x17c: {  	v10 =	vld [tilespmem:s22+$0x80]  }
0x17d: {  	v11 =	vld [tilespmem:s23+$0x90]  }
0x17e: {  	v36 =	vld [tilespmem:s22+$0x90]  }
0x17f: {  	v37 =	vld [tilespmem:s23+$0x20]  }
0x180: {  	v38 =	vld [tilespmem:s22+$0x20]  }
0x181: {  	v39 =	vld [tilespmem:s22+$0xFFFFFFB0]  }
0x182: {  	v15 =	vld [tilespmem:s23+$0xFFFFFFE0]  }
0x183: {  	v47 =	vld [tilespmem:s23+$0x10]  }
0x184: {  	v42 =	vld [tilespmem:s22+$0x10]  }
0x185: {  	v12 =	vld [tilespmem:s22+$0xFFFFFF70]  }
0x186: {  	v16 =	vld [tilespmem:s23+$0xFFFFFFC0]  }
0x187: {  	v17 =	vld [tilespmem:s22+$0xFFFFFFC0]  }
0x188: {  	v18 =	vld [tilespmem:s23+$0xFFFFFFD0]  }
0x189: {  	v19 =	vld [tilespmem:s22+$0xFFFFFFD0]  }
0x18a: {  	v40 =	vld [tilespmem:s23+$0xFFFFFF60]  }
0x18b: {  	v41 =	vld [tilespmem:s22+$0xFFFFFF60]  }
0x18c: {  	v23 =	vld [tilespmem:s23+$0xFFFFFF90]  }
0x18d: {  	v22 =	vld [tilespmem:s22+$0xFFFFFF90]  }
0x18e: {  	v13 =	vld [tilespmem:s22+$0xFFFFFEF0]  }
0x18f: {  	v21 =	vld [tilespmem:s23+$0xFFFFFF20]  }
0x190: {  	v28 =	vld [tilespmem:s23+$0xFFFFFEB0]  }
0x191: {  	v29 =	vld [tilespmem:s22+$0xFFFFFEB0]  }
0x192: {  	v25 =	vld [tilespmem:s22+$0xFFFFFF00]  }
0x193: {  	v26 =	vld [tilespmem:s23+$0xFFFFFF10]  }
0x194: {  	v27 =	vld [tilespmem:s22+$0xFFFFFF10]  }
0x195: {  	[tilespmem:$0x1FAA0] =	vst v49;
	v49 =	vld [tilespmem:s23+$0xF0]  }
0x196: {  	[tilespmem:$0x1FB70] =	vst v52;
	v52 =	vld [tilespmem:s22+$0xD0]  }
0x197: {  	[tilespmem:$0x1FB90] =	vst v56;
	v56 =	vld [tilespmem:s22+$0x60]  }
0x198: {  	[tilespmem:$0x1FB00] =	vst v59;
	v59 =	vld [tilespmem:s23+$0x40]  }
0x199: {  	[tilespmem:$0x1FB10] =	vst v60;
	v60 =	vld [tilespmem:s22+$0x40]  }
0x19a: {  	[tilespmem:$0x1FB20] =	vst v61;
	v61 =	vld [tilespmem:s23+$0x50]  }
0x19b: {  	[tilespmem:$0x1FB30] =	vst v62;
	v62 =	vld [tilespmem:s22+$0x50]  }
0x19c: {  	[tilespmem:$0x1FAB0] =	vst v50;
	v50 =	vld [tilespmem:s23+$0xFFFFFFB0]  }
0x19d: {  	[tilespmem:$0x1FAD0] =	vst v53;
	v53 =	vld [tilespmem:s23+$0x0]  }
0x19e: {  	[tilespmem:$0x1FA90] =	vst v48;
	v48 =	vld [tilespmem:s22+$0x0]  }
0x19f: {  	[tilespmem:$0x1FB40] =	vst v10;
	v10 =	vld [tilespmem:s23+$0xFFFFFF70]  }
0x1a0: {  	[tilespmem:$0x1FB80] =	vst v55;
	v55 =	vld [tilespmem:s23+$0xFFFFFFA0]  }
0x1a1: {  	[tilespmem:$0x1FBA0] =	vst v54;
	v54 =	vld [tilespmem:s22+$0xFFFFFFA0]  }
0x1a2: {  	[tilespmem:$0x1FBB0] =	vst v37;
	v37 =	vld [tilespmem:s23+$0xFFFFFF80]  }
0x1a3: {  	[tilespmem:$0x1FB60] =	vst v36;
	v36 =	vld [tilespmem:s22+$0xFFFFFF80]  }
0x1a4: {  	[tilespmem:$0x1FB50] =	vst v11;
	v11 =	vld [tilespmem:s23+$0xFFFFFEF0]  }
0x1a5: {  	[tilespmem:$0x1FBF0] =	vst v41;
	v41 =	vld [tilespmem:s23+$0xFFFFFF40]  }
0x1a6: {  	[tilespmem:$0x1FBE0] =	vst v40;
	v40 =	vld [tilespmem:s22+$0xFFFFFF40]  }
0x1a7: {  	[tilespmem:$0x1FBD0] =	vst v39;
	v39 =	vld [tilespmem:s23+$0xFFFFFF50]  }
0x1a8: {  	[tilespmem:$0x1FBC0] =	vst v38;
	v38 =	vld [tilespmem:s22+$0xFFFFFF50]  }
0x1a9: {  	[tilespmem:$0x1FAF0] =	vst v58;
	v58 =	vld [tilespmem:s23+$0xFFFFFEE0]  }
0x1aa: {  	[tilespmem:$0x1FAE0] =	vst v57;
	v57 =	vld [tilespmem:s22+$0xFFFFFEE0]  }
0x1ab: {  	v0 =	vld [tilespmem:$0x1FB70]  }
0x1ac: {  	[tilespmem:$0x1FAC0] =	vst v51;
	v51 =	vld [tilespmem:s23+$0xFFFFFF00]  }
0x1ad: {  	v33 =	vmul.f32 v30, v33;
	v30 =	vld [tilespmem:s23+$0xFFFFFE30]  }
0x1ae: {  	v32 =	vmul.f32 v32, v31;
	v31 =	vld [tilespmem:s22+$0xFFFFFE30];
	v43 =	vmul.f32 v44, v43  }
0x1af: {  	v44 =	vmul.f32 v46, v45;
	v45 =	vmul.f32 v2, v1;
	v2 =	vld [tilespmem:s23+$0xFFFFFED0]  }
0x1b0: {  	v42 =	vmul.f32 v42, v47;
	v47 =	vld [tilespmem:s23+$0xFFFFFE80];
	v20 =	vmul.f32 v0, v20;
	v0 =	vadd.f32 v33, v32  }
0x1b1: {  	v22 =	vmul.f32 v22, v23;
	v23 =	vld [tilespmem:s22+$0xFFFFFE80]  }
0x1b2: {  	v0 =	vadd.f32 v20, v0;
	v20 =	vadd.f32 v44, v43;
	v43 =	vld [tilespmem:$0x1FB80]  }
0x1b3: {  	v44 =	vld [tilespmem:$0x1FB90]  }
0x1b4: {  	v34 =	vmul.f32 v34, v63;
	v63 =	vld [tilespmem:$0x1FBA0]  }
0x1b5: {  	v46 =	vmul.f32 v52, v3;
	v3 =	vld [tilespmem:s22+$0xFFFFFED0]  }
0x1b6: {  	v52 =	vmul.f32 v8, v6;
	v8 =	vmul.f32 v62, v61;
	v62 =	vld [tilespmem:$0x1FBB0]  }
0x1b7: {  	v36 =	vmul.f32 v36, v37;
	v61 =	vmul.f32 v9, v7;
	v37 =	vld [tilespmem:s23+$0xFFFFFE00]  }
0x1b8: {  	v7 =	vmul.f32 v54, v55;
	v54 =	vld [tilespmem:$0x1FBE0];
	v43 =	vmul.f32 v44, v43  }
0x1b9: {  	v38 =	vmul.f32 v38, v39;
	v55 =	vld [tilespmem:$0x1FBF0]  }
0x1ba: {  	v39 =	vld [tilespmem:s23+$0xFFFFFE40];
	v45 =	vadd.f32 v46, v45;
	v20 =	vadd.f32 v43, v20;
	v43 =	vmul.f32 v24, v14  }
0x1bb: {  	v6 =	vmul.f32 v60, v59;
	v1 =	vmul.f32 v63, v49;
	v63 =	vld [tilespmem:$0x1FBC0];
	v0 =	vadd.f32 v52, v0  }
0x1bc: {  	v40 =	vmul.f32 v40, v41;
	v41 =	vld [tilespmem:s22+$0xFFFFFE40];
	v45 =	vadd.f32 v34, v45;
	v20 =	vadd.f32 v43, v20  }
0x1bd: {  	v32 =	vld [tilespmem:s23+$0xFFFFFEA0];
	v49 =	vmul.f32 v56, v35;
	(xrf2) =	vadd.scan.msk.f32 $0xffff, v0  }
0x1be: {  	v46 =	vld [tilespmem:s22+$0xFFFFFEC0];
	v60 =	vadd.f32 v8, v6;
	v56 =	vadd.f32 v1, v45;
	(xrf2) =	vadd.scan.msk.f32 $0xffff, v20;
	v20 =	vmul.f32 v48, v53  }
0x1bf: {  	v44 =	vld [tilespmem:s23+$0xFFFFFEC0]  }
0x1c0: {  	v6 =	vmul.f32 v63, v62;
	v0 =	vadd.f32 v49, v60;
	v49 =	vld [tilespmem:$0x1FBD0];
	(xrf2) =	vadd.scan.msk.f32 $0xffff, v56;
	v20 =	vadd.f32 v42, v20  }
0x1c1: {  	v33 =	vld [tilespmem:s22+$0xFFFFFEA0]  }
0x1c2: {  	v9 =	vmul.f32 v5, v4;
	v35 =	vld [tilespmem:s22+$0xFFFFFE20];
	v20 =	vadd.f32 v6, v20  }
0x1c3: {  	v22 =	vadd.f32 v22, v36;
	v8 =	vld [tilespmem:s22+$0xFFFFFE90]  }
0x1c4: {  	v42 =	vld [tilespmem:s23+$0xFFFFFE90];
	v59 =	vadd.f32 v9, v20;
	v20 =	vmul.f32 v46, v44  }
0x1c5: {  	v36 =	vld [tilespmem:s22+$0xFFFFFE00];
	v22 =	vadd.f32 v7, v22;
	v60 =	vmul.f32 v3, v2;
	v52 =	vmul.f32 v49, v50  }
0x1c6: {  	v34 =	vld [tilespmem:s23+$0xFFFFFE20];
	v0 =	vadd.f32 v61, v0;
	v53 =	vadd.f32 v38, v40;
	v56 =	vmul.f32 v55, v54  }
0x1c7: {  	v62 =	vmul.f32 v12, v10;
	v38 =	vld [tilespmem:s23+$0xFFFFFE10];
	v61 =	vadd.f32 v52, v22  }
0x1c8: {  	v63 =	vmul.f32 v57, v58;
	v40 =	vld [tilespmem:s22+$0xFFFFFE10];
	(xrf2) =	vadd.scan.msk.f32 $0xffff, v0;
	v43 =	vadd.f32 v56, v53;
	v44 =	vadd.f32 v60, v20;
	v20, _, _ =	vpop (xrf2)  }
0x1c9: {  	v45 =	vmul.f32 v23, v47;
	v48 =	vmul.f32 v8, v42;
	v42 =	vld [tilespmem:s23+$0xFFFFFE50];
	(xrf2) =	vadd.scan.msk.f32 $0xffff, v59;
	v22, _, _ =	vpop (xrf2)  }
0x1ca: {  	s28 =	simm.s32 $0x40;
	s25 =	simm.s32 $0x0;
	v47 =	vmul.f32 v13, v11;
	v43 =	vadd.f32 v62, v43;
	v46 =	vadd.f32 v63, v44;
	v44 =	vld [tilespmem:s22+$0xFFFFFE50];
	(xrf2) =	vadd.scan.msk.f32 $0xffff, v61;
	v23, _, _ =	vpop (xrf2)  }
.LBB2_2:
0x1cb: {  	v0 =	vld [tilespmem:s23+$0xFFFFFE60]  }
0x1cc: {  	v9 =	vld [tilespmem:s22+$0xFFFFFE60]  }
0x1cd: {  	v11 =	vld [tilespmem:s23+$0xFFFFFE70]  }
0x1ce: {  	v50 =	vld [tilespmem:s22+$0xFFFFFF30]  }
0x1cf: {  	v16 =	vmul.f32 v17, v16;
	v17 =	vmul.f32 v19, v18;
	v18 =	vld [tilespmem:s22+$0xA0]  }
0x1d0: {  	v1 =	vld [tilespmem:$0x1FB30]  }
0x1d1: {  	v2 =	vld [tilespmem:$0x1FB40]  }
0x1d2: {  	v52 =	vld [tilespmem:$0x1FB50]  }
0x1d3: {  	v53 =	vld [tilespmem:$0x1FB60]  }
0x1d4: {  	v13 =	vld [tilespmem:s22+$0x160]  }
0x1d5: {  	v54 =	vld [tilespmem:$0x1FB20]  }
0x1d6: {  	v56 =	vld [tilespmem:$0x1FAE0]  }
0x1d7: {  	v57 =	vld [tilespmem:$0x1FAF0]  }
0x1d8: {  	v58 =	vld [tilespmem:$0x1FB00]  }
0x1d9: {  	v59 =	vld [tilespmem:$0x1FB10];
	v45 =	vadd.f32 v48, v45  }
0x1da: {  	v61 =	vld [tilespmem:$0x1FAD0];
	v10 =	vadd.f32 v47, v46;
	v33 =	vmul.f32 v33, v32;
	v36 =	vmul.f32 v36, v37  }
0x1db: {  	(xrf2) =	vadd.scan.msk.f32 $0xffff, v43;
	v48 =	vld [tilespmem:s22+$0xFFFFFF20];
	v16 =	vadd.f32 v17, v16;
	v8 =	vmul.f32 v40, v38;
	v28 =	vmul.f32 v29, v28  }
0x1dc: {  	v46 =	vmul.f32 v41, v39;
	v47 =	vmul.f32 v44, v42;
	v33 =	vadd.f32 v33, v45;
	v45 =	vld [tilespmem:s22+$0xFFFFFE70]  }
0x1dd: {  	v17 =	vld [tilespmem:s22+$0xB0];
	v34 =	vmul.f32 v35, v34;
	v30 =	vmul.f32 v31, v30;
	v29 =	vadd.f32 v8, v36  }
0x1de: {  	v31 =	vld [tilespmem:s23+$0xFFFFFF30];
	v24 =	vmul.f32 v25, v51;
	v25 =	vmul.f32 v27, v26;
	v32, _, _ =	vpop (xrf2);
	(xrf2) =	vadd.scan.msk.f32 $0xffff, v10;
	v49 =	vadd.f32 v47, v46  }
0x1df: {  	v26 =	vld [tilespmem:s22+$0xFFFFFFE0];
	v0 =	vmul.f32 v9, v0;
	v28 =	vadd.f32 v28, v33;
	v29 =	vadd.f32 v34, v29  }
0x1e0: {  	v24 =	vadd.f32 v25, v24;
	v21 =	vmul.f32 v48, v21;
	v25 =	vld [tilespmem:s22+$0xFFFFFFF0]  }
0x1e1: {  	v39, _, _ =	vpop (xrf2);
	v0 =	vadd.f32 v0, v49;
	(xrf2) =	vadd.scan.msk.f32 $0xffff, v28;
	v28 =	vadd.f32 v30, v29;
	v30 =	vld [tilespmem:s23+$0xFFFFFFF0];
	v29 =	vmul.f32 v45, v11  }
0x1e2: {  	v37 =	vld [tilespmem:$0x1FAB0];
	v12 =	vmul.f32 v53, v52  }
0x1e3: {  	v38 =	vld [tilespmem:$0x1FAC0];
	v21 =	vadd.f32 v21, v24;
	v24 =	vmul.f32 v50, v31;
	v0 =	vadd.f32 v29, v0  }
0x1e4: {  	v33 =	vld [tilespmem:$0x1FAA0];
	v27, _, _ =	vpop (xrf2);
	v15 =	vmul.f32 v26, v15;
	v11 =	vmul.f32 v2, v1;
	(xrf2) =	vadd.scan.msk.f32 $0xffff, v28  }
0x1e5: {  	v10 =	vmul.f32 v18, v54;
	v19, _, _ =	vpop (xrf2);
	v51 =	vadd.f32 v24, v21;
	v28 =	vld [tilespmem:s23+$0xB0];
	(xrf2) =	vadd.scan.msk.f32 $0xffff, v0  }
0x1e6: {  	v15 =	vadd.f32 v15, v16;
	v21 =	vld [tilespmem:s23+$0x170];
	v11 =	vadd.f32 v12, v11;
	v16 =	vmul.f32 v25, v30  }
0x1e7: {  	v12 =	vld [tilespmem:s22+$0x170]  }
0x1e8: {  	v14, _, _ =	vpop (xrf2);
	(xrf2) =	vadd.scan.msk.f32 $0xffff, v51;
	v55 =	vadd.f32 v16, v15;
	v16 =	vadd.f32 v10, v11;
	v11 =	vld [tilespmem:$0x1FA90]  }
0x1e9: {  	v6 =	vmul.f32 v57, v56;
	v7 =	vmul.f32 v59, v58;
	v8 =	vld [tilespmem:s23+$0x1E0]  }
0x1ea: {  	v60 =	vmul.f32 v17, v28;
	v15 =	vld [tilespmem:s22+$0x1E0]  }
0x1eb: {  	v62 =	vld [tilespmem:s23+$0x1F0];
	v5 =	vmul.f32 v13, v61;
	v6 =	vadd.f32 v7, v6;
	v9, _, _ =	vpop (xrf2);
	(xrf2) =	vadd.scan.msk.f32 $0xffff, v55  }
0x1ec: {  	v4 =	vld [tilespmem:s22+$0x1F0];
	v1 =	vmul.f32 v38, v37;
	v63 =	vadd.f32 v60, v16  }
0x1ed: {  	v5 =	vadd.f32 v5, v6;
	v36 =	vmul.f32 v12, v21;
	v34 =	vmul.f32 v33, v11  }
0x1ee: {  	v35, _, _ =	vpop (xrf2);
	(xrf2) =	vadd.scan.msk.f32 $0xffff, v63  }
0x1ef: {  	v40 =	vadd.f32 v36, v5;
	v41 =	vmul.f32 v15, v8;
	v1 =	vadd.f32 v1, v34;
	v3, _, _ =	vpop (xrf2)  }
0x1f0: {  	v42 =	vbroadcast v35, $0xF;
	v3 =	vbroadcast v3, $0xF  }
0x1f1: {  	v44 =	vmul.f32 v4, v62;
	v43 =	vbroadcast v9, $0xF;
	(xrf2) =	vadd.scan.msk.f32 $0xffff, v40;
	v1 =	vadd.f32 v41, v1  }
0x1f2: {  	v46 =	vbroadcast v14, $0xF;
	v47, _, _ =	vpop (xrf2);
	v45 =	vsel vm0, v42, v3  }
0x1f3: {  	v48 =	vbroadcast v47, $0xF;
	v1 =	vadd.f32 v44, v1;
	v0 =	vsel vm1, v45, v43  }
0x1f4: {  	v49 =	vbroadcast v19, $0xF;
	v0 =	vsel vm2, v0, v46  }
0x1f5: {  	v50 =	vbroadcast v27, $0xF;
	v51, _, _ =	vpop (xrf2);
	(xrf2) =	vadd.scan.msk.f32 $0xffff, v1;
	v0 =	vsel vm3, v0, v48  }
0x1f6: {  	v52 =	vbroadcast v51, $0xF;
	v0 =	vsel vm4, v0, v49  }
0x1f7: {  	v53 =	vbroadcast v39, $0xF;
	v0 =	vsel vm5, v0, v50  }
0x1f8: {  	v54 =	vbroadcast v32, $0xF;
	v55, _, _ =	vpop (xrf2);
	v0 =	vsel vm6, v0, v52  }
0x1f9: {  	v56 =	vbroadcast v55, $0xF;
	v0 =	vsel vm7, v0, v53  }
0x1fa: {  	v57 =	vbroadcast v23, $0xF;
	v0 =	vsel vm8, v0, v54  }
0x1fb: {  	s29 =	sshra.s32 s25, $0x2;
	v58 =	vbroadcast v22, $0xF;
	v59, _, _ =	vpop (xrf2);
	v0 =	vsel vm9, v0, v56  }
0x1fc: {  	v61 =	vld [tilespmem:s29+$0x10800];
	v60 =	vbroadcast v59, $0xF;
	v0 =	vsel vm10, v0, v57  }
0x1fd: {  	v62 =	vbroadcast v20, $0xF;
	v0 =	vsel vm11, v0, v58  }
0x1fe: {  	v63 =	vld [tilespmem:s29+$0x10A00];
	v0 =	vsel vm12, v0, v60  }
0x1ff: {  	v5, _, _ =	vpop (xrf2);
	v0 =	vsel vm13, v0, v62  }
0x200: {  	v0 =	vsel vm14, v0, v5  }
0x201: {  	v0 =	vadd.f32 v0, v61;
	_ =	sdelay $0x1  }
0x202: {  	v0 =	vadd.f32 v0, v63;
	_ =	sdelay $0x1  }
0x203: {  	v0 =	vsub.f32 $0.0e+00, v0;
	_ =	sdelay $0x1  }
0x204: {  	v0 =	vmul.f32 $1.442695020e+00, v0;
	_ =	sdelay $0x1  }
0x205: {  	(erf) = vpow2.f32 v0;
	_ =	sdelay $0x8  }
0x206: {  	v0 =	vpop (erf)  }
0x207: {  	v0 =	vadd.f32 $1.000000000e+00, v0;
	_ =	sdelay $0x1  }
0x208: {  	(erf) = vrcp.f32 v0;
	_ =	sdelay $0x8  }
0x209: {  	v0 =	vpop (erf)  }
0x20a: {  	v0 =	vmul.f32 $5.500000000e+00, v0;
	_ =	sdelay $0x1  }
0x20b: {  	s23 =	sadd.s32 $0x400, s23;
	[tilespmem:s29+$0x10C00] =	vst v0  }
0x20c: {  	s22 =	sadd.s32 $0x400, s22;
	v20 =	vld [tilespmem:s23+$0x1B0]  }
0x20d: {  	v22 =	vld [tilespmem:s22+$0x1B0]  }
0x20e: {  	v0 =	vld [tilespmem:s23+$0x1C0]  }
0x20f: {  	v6 =	vld [tilespmem:s22+$0x1C0]  }
0x210: {  	v7 =	vld [tilespmem:s23+$0x1D0]  }
0x211: {  	v8 =	vld [tilespmem:s22+$0x1D0]  }
0x212: {  	v27 =	vld [tilespmem:s23+$0x1A0]  }
0x213: {  	v30 =	vld [tilespmem:s22+$0x1A0]  }
0x214: {  	v34 =	vld [tilespmem:s23+$0x130]  }
0x215: {  	v36 =	vld [tilespmem:s22+$0x130]  }
0x216: {  	v9 =	vld [tilespmem:s23+$0x160]  }
0x217: {  	v25 =	vld [tilespmem:s23+$0x180]  }
0x218: {  	v26 =	vld [tilespmem:s22+$0x180]  }
0x219: {  	v31 =	vld [tilespmem:s23+$0x190]  }
0x21a: {  	v48 =	vld [tilespmem:s22+$0x190]  }
0x21b: {  	v23 =	vld [tilespmem:s23+$0xF0]  }
0x21c: {  	v35 =	vld [tilespmem:s22+$0xF0]  }
0x21d: {  	v32 =	vld [tilespmem:s23+$0x120]  }
0x21e: {  	v33 =	vld [tilespmem:s22+$0x120]  }
0x21f: {  	v10 =	vld [tilespmem:s23+$0x140]  }
0x220: {  	v11 =	vld [tilespmem:s22+$0x140]  }
0x221: {  	v37 =	vld [tilespmem:s23+$0x150]  }
0x222: {  	v38 =	vld [tilespmem:s22+$0x150]  }
0x223: {  	v42 =	vld [tilespmem:s23+$0xE0]  }
0x224: {  	v45 =	vld [tilespmem:s22+$0xE0]  }
0x225: {  	v54 =	vld [tilespmem:s22+$0x100]  }
0x226: {  	v55 =	vld [tilespmem:s23+$0x110]  }
0x227: {  	v56 =	vld [tilespmem:s22+$0x110]  }
0x228: {  	v39 =	vld [tilespmem:s23+$0x70]  }
0x229: {  	v40 =	vld [tilespmem:s22+$0x70]  }
0x22a: {  	v41 =	vld [tilespmem:s23+$0xA0]  }
0x22b: {  	v57 =	vld [tilespmem:s23+$0xC0]  }
0x22c: {  	v58 =	vld [tilespmem:s22+$0xC0]  }
0x22d: {  	v59 =	vld [tilespmem:s23+$0xD0]  }
0x22e: {  	v60 =	vld [tilespmem:s22+$0xD0]  }
0x22f: {  	v43 =	vld [tilespmem:s23+$0x30]  }
0x230: {  	v44 =	vld [tilespmem:s22+$0x30]  }
0x231: {  	v52 =	vld [tilespmem:s23+$0x60]  }
0x232: {  	v53 =	vld [tilespmem:s22+$0x60]  }
0x233: {  	v46 =	vld [tilespmem:s23+$0x80]  }
0x234: {  	v47 =	vld [tilespmem:s22+$0x80]  }
0x235: {  	v49 =	vld [tilespmem:s23+$0x90]  }
0x236: {  	v50 =	vld [tilespmem:s22+$0x90]  }
0x237: {  	v61 =	vld [tilespmem:s23+$0x40]  }
0x238: {  	v62 =	vld [tilespmem:s22+$0x40]  }
0x239: {  	v63 =	vld [tilespmem:s23+$0x50]  }
0x23a: {  	v1 =	vld [tilespmem:s22+$0x50]  }
0x23b: {  	v2 =	vld [tilespmem:s23+$0x0]  }
0x23c: {  	v3 =	vld [tilespmem:s22+$0x0]  }
0x23d: {  	v4 =	vld [tilespmem:s23+$0x10]  }
0x23e: {  	v5 =	vld [tilespmem:s22+$0x10]  }
0x23f: {  	v51 =	vld [tilespmem:s23+$0xFFFFFF70]  }
0x240: {  	v24 =	vld [tilespmem:s23+$0xFFFFFFC0]  }
0x241: {  	v12 =	vld [tilespmem:s23+$0xFFFFFF90]  }
0x242: {  	v13 =	vld [tilespmem:s22+$0xFFFFFF90]  }
0x243: {  	v14 =	vld [tilespmem:s23+$0xFFFFFEF0]  }
0x244: {  	v15 =	vld [tilespmem:s22+$0xFFFFFF40]  }
0x245: {  	v16 =	vld [tilespmem:s23+$0xFFFFFF50]  }
0x246: {  	v17 =	vld [tilespmem:s22+$0xFFFFFF50]  }
0x247: {  	v28 =	vld [tilespmem:s23+$0xFFFFFEB0]  }
0x248: {  	v29 =	vld [tilespmem:s22+$0xFFFFFEB0]  }
0x249: {  	v18 =	vld [tilespmem:s23+$0xFFFFFEE0]  }
0x24a: {  	v19 =	vld [tilespmem:s22+$0xFFFFFEE0]  }
0x24b: {  	[tilespmem:$0x1FA90] =	vst v0;
	v0 =	vld [tilespmem:s23+$0x100]  }
0x24c: {  	[tilespmem:$0x1FB10] =	vst v38;
	v38 =	vld [tilespmem:s23+$0x20]  }
0x24d: {  	[tilespmem:$0x1FB00] =	vst v37;
	v37 =	vld [tilespmem:s22+$0x20]  }
0x24e: {  	[tilespmem:$0x1FA40] =	vst v40;
	v40 =	vld [tilespmem:s23+$0xFFFFFFB0]  }
0x24f: {  	[tilespmem:$0x1FB30] =	vst v46;
	v46 =	vld [tilespmem:s22+$0xFFFFFFB0]  }
0x250: {  	[tilespmem:$0x1FA30] =	vst v39;
	v39 =	vld [tilespmem:s23+$0xFFFFFFE0]  }
0x251: {  	[tilespmem:$0x1FB20] =	vst v41;
	v41 =	vld [tilespmem:s22+$0xFFFFFF70]  }
0x252: {  	[tilespmem:$0x1FAA0] =	vst v6;
	v6 =	vld [tilespmem:s23+$0xFFFFFFA0]  }
0x253: {  	[tilespmem:$0x1FAB0] =	vst v7;
	v7 =	vld [tilespmem:s22+$0xFFFFFFA0]  }
0x254: {  	[tilespmem:$0x1FB50] =	vst v49;
	v49 =	vld [tilespmem:s22+$0xFFFFFFC0]  }
0x255: {  	[tilespmem:$0x1FA60] =	vst v44;
	v44 =	vld [tilespmem:s23+$0xFFFFFFD0]  }
0x256: {  	[tilespmem:$0x1FA50] =	vst v43;
	v43 =	vld [tilespmem:s22+$0xFFFFFFD0]  }
0x257: {  	[tilespmem:$0x1FAC0] =	vst v8;
	v8 =	vld [tilespmem:s23+$0xFFFFFF60]  }
0x258: {  	[tilespmem:$0x1FAD0] =	vst v9;
	v9 =	vld [tilespmem:s22+$0xFFFFFF60]  }
0x259: {  	[tilespmem:$0x1FAE0] =	vst v10;
	v10 =	vld [tilespmem:s23+$0xFFFFFF80]  }
0x25a: {  	[tilespmem:$0x1FAF0] =	vst v11;
	v11 =	vld [tilespmem:s22+$0xFFFFFF80]  }
0x25b: {  	[tilespmem:$0x1FB40] =	vst v47;
	v47 =	vld [tilespmem:s22+$0xFFFFFEF0]  }
0x25c: {  	[tilespmem:$0x1FB60] =	vst v50;
	v50 =	vld [tilespmem:s23+$0xFFFFFF20]  }
0x25d: {  	[tilespmem:$0x1FA80] =	vst v14;
	v14 =	vld [tilespmem:s23+$0xFFFFFF40]  }
0x25e: {  	[tilespmem:$0x1FA70] =	vst v51;
	v51 =	vld [tilespmem:s23+$0xFFFFFF00]  }
0x25f: {  	v21 =	vmul.f32 v26, v25;
	v25 =	vld [tilespmem:s22+$0xFFFFFF00]  }
0x260: {  	v26 =	vld [tilespmem:s23+$0xFFFFFF10]  }
0x261: {  	v20 =	vmul.f32 v22, v20;
	v22 =	vmul.f32 v33, v32;
	v32 =	vld [tilespmem:s23+$0xFFFFFEA0]  }
0x262: {  	v33 =	vld [tilespmem:s22+$0xFFFFFEA0]  }
0x263: {  	v23 =	vmul.f32 v35, v23;
	v35 =	vld [tilespmem:s22+$0xFFFFFE20]  }
0x264: {  	v31 =	vmul.f32 v48, v31;
	v1 =	vmul.f32 v1, v63;
	v63 =	vld [tilespmem:s22+$0xFFFFFE80]  }
0x265: {  	v58 =	vmul.f32 v58, v57;
	v48 =	vmul.f32 v13, v12;
	v12 =	vld [tilespmem:$0x1FA60]  }
0x266: {  	v60 =	vmul.f32 v60, v59;
	v21 =	vadd.f32 v31, v21;
	v31 =	vmul.f32 v30, v27;
	v27 =	vld [tilespmem:s22+$0xFFFFFF10]  }
0x267: {  	v30 =	vld [tilespmem:s23+$0xFFFFFE30]  }
0x268: {  	v56 =	vmul.f32 v56, v55;
	v55 =	vadd.f32 v60, v58;
	v60 =	vld [tilespmem:$0x1FA30]  }
0x269: {  	v58 =	vmul.f32 v5, v4;
	v5 =	vld [tilespmem:s23+$0xFFFFFE80]  }
0x26a: {  	v21 =	vadd.f32 v31, v21;
	v31 =	vld [tilespmem:s22+$0xFFFFFE30];
	v0 =	vmul.f32 v54, v0  }
0x26b: {  	v54 =	vmul.f32 v15, v14;
	v15 =	vmov v39;
	v39 =	vld [tilespmem:s23+$0xFFFFFE40]  }
0x26c: {  	v20 =	vadd.f32 v20, v21;
	v21 =	vmul.f32 v36, v34;
	v34 =	vld [tilespmem:s23+$0xFFFFFE20];
	v0 =	vadd.f32 v56, v0  }
0x26d: {  	v56 =	vmul.f32 v45, v42;
	v42 =	vld [tilespmem:s22+$0xFFFFFEC0]  }
0x26e: {  	v45 =	vld [tilespmem:s22+$0xFFFFFED0];
	v0 =	vadd.f32 v22, v0  }
0x26f: {  	(xrf2) =	vadd.scan.msk.f32 $0xffff, v20;
	v20 =	vmul.f32 v62, v61;
	v61 =	vld [tilespmem:$0x1FA40];
	v36 =	vadd.f32 v56, v55  }
0x270: {  	v62 =	vmul.f32 v37, v38;
	v37 =	vld [tilespmem:s23+$0xFFFFFE00];
	v0 =	vadd.f32 v21, v0  }
0x271: {  	v38 =	vld [tilespmem:s23+$0xFFFFFE10];
	v59 =	vadd.f32 v23, v36  }
0x272: {  	v1 =	vadd.f32 v1, v20;
	v20 =	vmul.f32 v53, v52;
	v53 =	vld [tilespmem:$0x1FA50];
	(xrf2) =	vadd.scan.msk.f32 $0xffff, v0  }
0x273: {  	v57 =	vmul.f32 v3, v2;
	v10 =	vmul.f32 v11, v10;
	v21 =	vld [tilespmem:s23+$0xFFFFFED0];
	(xrf2) =	vadd.scan.msk.f32 $0xffff, v59  }
0x274: {  	v6 =	vmul.f32 v7, v6;
	v22 =	vld [tilespmem:s23+$0xFFFFFEC0];
	v55 =	vmul.f32 v17, v16  }
0x275: {  	v52 =	vld [tilespmem:s23+$0xFFFFFE90];
	v1 =	vadd.f32 v20, v1;
	v4 =	vmul.f32 v61, v60;
	v0 =	vadd.f32 v58, v57  }
0x276: {  	v10 =	vadd.f32 v48, v10;
	v57 =	vmul.f32 v46, v40;
	v58 =	vmul.f32 v9, v8;
	v61 =	vld [tilespmem:$0x1FA70]  }
0x277: {  	v1 =	vadd.f32 v4, v1;
	v0 =	vadd.f32 v62, v0;
	v2 =	vmul.f32 v12, v53;
	v12 =	vld [tilespmem:s22+$0xFFFFFE90]  }
0x278: {  	p0 =	sne.s32 s28, $0x7C0;
	v56 =	vadd.f32 v6, v10;
	v60 =	vmul.f32 v45, v21;
	v45 =	vmul.f32 v63, v5;
	v63 =	vld [tilespmem:$0x1FA80]  }
.Ltmp0:
0x279: {  	v36 =	vld [tilespmem:s22+$0xFFFFFE00];
	v59 =	vmul.f32 v42, v22;
	(xrf2) =	vadd.scan.msk.f32 $0xffff, v1;
	v0 =	vadd.f32 v2, v0;
	v1 =	vadd.f32 v55, v54;
	(pc) =	sbr.rel @p0 .LBB2_2-.Ltmp0, $4  }
0x27a: {  	v17 =	vmovc v49;
	v16 =	vmovc v24;
	v40 =	vld [tilespmem:s22+$0xFFFFFE10];
	v62 =	vmul.f32 v19, v18;
	v19 =	vmov v43;
	v2 =	vadd.f32 v57, v56  }
0x27b: {  	v42 =	vld [tilespmem:s23+$0xFFFFFE50];
	v20, _, _ =	vpop (xrf2);
	v6 =	vmul.f32 v41, v61;
	(xrf2) =	vadd.scan.msk.f32 $0xffff, v0;
	v1 =	vadd.f32 v58, v1;
	v0 =	vadd.f32 v60, v59  }
0x27c: {  	v18 =	vmov v44;
	v44 =	vld [tilespmem:s22+$0xFFFFFE50];
	v21 =	vmov v50;
	v48 =	vmul.f32 v12, v52;
	v22, _, _ =	vpop (xrf2)  }
0x27d: {  	s25 =	smov.u32 s28;
	s28 =	sadd.s32 $0x40, s28;
	v41 =	vld [tilespmem:s22+$0xFFFFFE40];
	v43 =	vadd.f32 v6, v1;
	v46 =	vadd.f32 v62, v0;
	v47 =	vmul.f32 v47, v63;
	(xrf2) =	vadd.scan.msk.f32 $0xffff, v2;
	v23, _, _ =	vpop (xrf2)  }
0x27e: {  	v0 =	vld [tilespmem:s23+$0xFFFFFE60]  }
0x27f: {  	v1 =	vld [tilespmem:s22+$0xFFFFFE60]  }
0x280: {  	v4 =	vld [tilespmem:s23+$0xFFFFFE70]  }
0x281: {  	v8 =	vld [tilespmem:s22+$0xFFFFFE70]  }
0x282: {  	v10 =	vld [tilespmem:s22+$0xFFFFFF20]  }
0x283: {  	v12 =	vld [tilespmem:s23+$0xFFFFFF30]  }
0x284: {  	v14 =	vld [tilespmem:s22+$0xFFFFFFE0]  }
0x285: {  	v49 =	vld [tilespmem:s23+$0xB0]  }
0x286: {  	v53 =	vld [tilespmem:$0x1FB30]  }
0x287: {  	v54 =	vld [tilespmem:$0x1FB40]  }
0x288: {  	v55 =	vld [tilespmem:$0x1FB50]  }
0x289: {  	v56 =	vld [tilespmem:$0x1FB60]  }
0x28a: {  	v57 =	vld [tilespmem:s22+$0x160]  }
0x28b: {  	v59 =	vld [tilespmem:s23+$0x170]  }
0x28c: {  	v61 =	vld [tilespmem:$0x1FB20]  }
0x28d: {  	v3 =	vmul.f32 v33, v32;
	v5 =	vmul.f32 v36, v37;
	v62 =	vld [tilespmem:s22+$0x170]  }
0x28e: {  	v11 =	vmul.f32 v29, v28;
	v37 =	vmul.f32 v35, v34;
	v24 =	vld [tilespmem:$0x1FB10]  }
0x28f: {  	v13 =	vmul.f32 v31, v30;
	v30 =	vld [tilespmem:$0x1FAD0];
	v6 =	vmul.f32 v40, v38  }
0x290: {  	v2 =	vadd.f32 v48, v45;
	v33 =	vld [tilespmem:$0x1FA90];
	v9 =	vmul.f32 v44, v42;
	v36 =	vmul.f32 v41, v39  }
0x291: {  	v7 =	vadd.f32 v47, v46;
	v38 =	vld [tilespmem:s22+$0xFFFFFF30];
	v40 =	vmul.f32 v27, v26;
	v5 =	vadd.f32 v6, v5  }
0x292: {  	v47 =	vld [tilespmem:s22+$0xA0];
	v2 =	vadd.f32 v3, v2;
	v0 =	vmul.f32 v1, v0;
	v3 =	vadd.f32 v9, v36  }
0x293: {  	v46 =	vmul.f32 v19, v18;
	v18 =	vld [tilespmem:$0x1FAE0];
	v39 =	vmul.f32 v25, v51;
	v5 =	vadd.f32 v37, v5  }
0x294: {  	(xrf2) =	vadd.scan.msk.f32 $0xffff, v43;
	v42 =	vld [tilespmem:s23+$0xFFFFFFF0];
	v2 =	vadd.f32 v11, v2;
	v41 =	vmul.f32 v8, v4;
	v0 =	vadd.f32 v0, v3  }
0x295: {  	(xrf2) =	vadd.scan.msk.f32 $0xffff, v7;
	v44 =	vld [tilespmem:s22+$0xFFFFFFF0];
	v43 =	vmul.f32 v10, v21;
	v6 =	vadd.f32 v40, v39;
	v5 =	vadd.f32 v13, v5  }
0x296: {  	v45 =	vmul.f32 v17, v16;
	v19 =	vld [tilespmem:$0x1FAF0];
	(xrf2) =	vadd.scan.msk.f32 $0xffff, v2;
	v0 =	vadd.f32 v41, v0  }
0x297: {  	v21 =	vld [tilespmem:$0x1FB00];
	v1 =	vmul.f32 v38, v12;
	v48 =	vadd.f32 v43, v6;
	(xrf2) =	vadd.scan.msk.f32 $0xffff, v5  }
0x298: {  	v51 =	vld [tilespmem:s22+$0xB0];
	v50 =	vmul.f32 v14, v15;
	v2 =	vadd.f32 v46, v45;
	(xrf2) =	vadd.scan.msk.f32 $0xffff, v0  }
0x299: {  	v34 =	vld [tilespmem:$0x1FAA0];
	v5 =	vmul.f32 v56, v55;
	v52 =	vadd.f32 v1, v48;
	v1 =	vmul.f32 v54, v53  }
0x29a: {  	v37 =	vld [tilespmem:$0x1FAB0];
	v2 =	vadd.f32 v50, v2;
	v58 =	vmul.f32 v44, v42  }
0x29b: {  	v60, _, _ =	vpop (xrf2);
	v38 =	vld [tilespmem:$0x1FAC0];
	v1 =	vadd.f32 v5, v1;
	v5 =	vmul.f32 v47, v61;
	(xrf2) =	vadd.scan.msk.f32 $0xffff, v52  }
0x29c: {  	v28 =	vld [tilespmem:s22+$0x1E0];
	v63, _, _ =	vpop (xrf2);
	v3 =	vmul.f32 v19, v18;
	v2 =	vadd.f32 v58, v2;
	v11 =	vmul.f32 v24, v21  }
0x29d: {  	v25 =	vld [tilespmem:s23+$0x1E0];
	v26, _, _ =	vpop (xrf2);
	v27 =	vmul.f32 v51, v49;
	v1 =	vadd.f32 v5, v1  }
0x29e: {  	v31 =	vld [tilespmem:s23+$0x1F0];
	v10 =	vmul.f32 v57, v30;
	v29, _, _ =	vpop (xrf2);
	v3 =	vadd.f32 v11, v3;
	(xrf2) =	vadd.scan.msk.f32 $0xffff, v2  }
0x29f: {  	v35 =	vld [tilespmem:s22+$0x1F0];
	v4 =	vmul.f32 v62, v59;
	v32, _, _ =	vpop (xrf2);
	v1 =	vadd.f32 v27, v1  }
0x2a0: {  	v9 =	vmul.f32 v38, v37;
	v5 =	vmul.f32 v34, v33;
	v3 =	vadd.f32 v10, v3;
	v36, _, _ =	vpop (xrf2)  }
0x2a1: {  	(xrf2) =	vadd.scan.msk.f32 $0xffff, v1;
	v39, _, _ =	vpop (xrf2)  }
0x2a2: {  	v42 =	vmul.f32 v28, v25;
	v40 =	vadd.f32 v4, v3;
	v41 =	vadd.f32 v9, v5;
	v43, _, _ =	vpop (xrf2)  }
0x2a3: {  	v44 =	vbroadcast v39, $0xF;
	v5 =	vbroadcast v43, $0xF  }
0x2a4: {  	v46 =	vmul.f32 v35, v31;
	v45 =	vbroadcast v36, $0xF;
	v3 =	vadd.f32 v42, v41;
	(xrf2) =	vadd.scan.msk.f32 $0xffff, v40  }
0x2a5: {  	v2 =	vbroadcast v32, $0xF;
	v48, _, _ =	vpop (xrf2);
	v47 =	vsel vm0, v44, v5  }
0x2a6: {  	v3 =	vadd.f32 v46, v3;
	v5 =	vbroadcast v48, $0xF;
	v1 =	vsel vm1, v47, v45  }
0x2a7: {  	v49 =	vbroadcast v29, $0xF;
	v1 =	vsel vm2, v1, v2  }
0x2a8: {  	v50 =	vbroadcast v26, $0xF;
	(xrf2) =	vadd.scan.msk.f32 $0xffff, v3;
	v51, _, _ =	vpop (xrf2);
	v1 =	vsel vm3, v1, v5  }
0x2a9: {  	v52 =	vbroadcast v51, $0xF;
	v1 =	vsel vm4, v1, v49  }
0x2aa: {  	v0 =	vbroadcast v63, $0xF;
	v1 =	vsel vm5, v1, v50  }
0x2ab: {  	v53 =	vbroadcast v60, $0xF;
	v54, _, _ =	vpop (xrf2);
	v1 =	vsel vm6, v1, v52  }
0x2ac: {  	v55 =	vbroadcast v54, $0xF;
	v0 =	vsel vm7, v1, v0  }
0x2ad: {  	v56 =	vbroadcast v23, $0xF;
	v0 =	vsel vm8, v0, v53  }
0x2ae: {  	s29 =	sshra.s32 s25, $0x2;
	v57 =	vbroadcast v22, $0xF;
	v58, _, _ =	vpop (xrf2);
	v0 =	vsel vm9, v0, v55  }
0x2af: {  	v60 =	vld [tilespmem:s29+$0x10800];
	v59 =	vbroadcast v58, $0xF;
	v0 =	vsel vm10, v0, v56  }
0x2b0: {  	v61 =	vbroadcast v20, $0xF;
	v0 =	vsel vm11, v0, v57  }
0x2b1: {  	v62 =	vld [tilespmem:s29+$0x10A00];
	v0 =	vsel vm12, v0, v59  }
0x2b2: {  	v63, _, _ =	vpop (xrf2);
	v0 =	vsel vm13, v0, v61  }
0x2b3: {  	v0 =	vsel vm14, v0, v63  }
0x2b4: {  	v0 =	vadd.f32 v0, v60;
	_ =	sdelay $0x1  }
0x2b5: {  	v0 =	vadd.f32 v0, v62;
	_ =	sdelay $0x1  }
0x2b6: {  	v0 =	vsub.f32 $0.0e+00, v0;
	_ =	sdelay $0x1  }
0x2b7: {  	v0 =	vmul.f32 $1.442695020e+00, v0;
	_ =	sdelay $0x1  }
0x2b8: {  	(erf) = vpow2.f32 v0;
	_ =	sdelay $0x8  }
0x2b9: {  	v0 =	vpop (erf)  }
0x2ba: {  	v0 =	vadd.f32 $1.000000000e+00, v0;
	_ =	sdelay $0x1  }
0x2bb: {  	(erf) = vrcp.f32 v0;
	_ =	sdelay $0x8  }
0x2bc: {  	v0 =	vpop (erf)  }
0x2bd: {  	s21 =	sadd.s32 $0x1, s21;
	v0 =	vmul.f32 $5.500000000e+00, v0  }
0x2be: {  	p0 =	sne.s32 s21, s9  }
.Ltmp1:
0x2bf: {  	[tilespmem:s29+$0x10C00] =	vst v0;
	(pc) =	sbr.rel @p0 .LBB2_1-.Ltmp1, $4  }
0x2c0: {  	[hbm4b:s8+s1] =	stream.linear.scatter [tilespmem:s19], [sflag:$0x2], $0x200, $0x38;
	[tilespmem:$0x10E00] =	vst v63  }
0x2c1: {  	_ =	swait.ge [sflag:s10], $0x200  }
0x2c2: {  	[sflag:s10] =	ssyncset.done $0x0  }
0x2c3: {  	[sflag:s10] =	ssyncadd.s32 $0xFFFFFE00  }
0x2c4: {  	_ =	sfence.sel $0x180000  }
0x2c5: {  	[bflag:$0x0] =	sbarrier.arrive $0xFFFF  }
0x2c6: {  	_ =	strace $0x90000047  }
0x2c7: {  	s0 =	stileid.u32;
	[bflag:$0x2] =	sbarrier.arrive $0xFFFF  }
0x2c8: {  	p0 =	sne.s32 s0, $0x0;
	s0 =	rddreg [dreg:$0x2]  }
0x2c9: {  	s0 =	sadd.s32 @!p0 $0x100000, s0  }
0x2ca: {  	[sflag:s0] =	ssyncadd.tile.s32 @!p0 $0x1;
	_ =	shalt  }
.Lfunc_end2:
_tile_overlayer_lowered:
.L_overlay_start_2:
0x2cb: {  	(tag) =	ssettag $0x2  }
0x2cc: {  	s0 =	rddreg [dreg:$0x0];
	s2 =	stileid.u32  }
0x2cd: {  	s1 =	rddreg [dreg:$0x1];
	p0 =	sne.s32 s2, $0x0  }
0x2ce: {  	s3 =	rddreg [dreg:$0x2];
	[bflag:$0x3] =	sbarrier.arrive $0xFFFF;
	s2 =	simm.s32 @!p0 $0x1C02  }
0x2cf: {  	[timem:s3], [sflag:s2] =	dma.local @!p0 [hbm:s0], s1  }
0x2d0: {  	s0 =	simm.s32 @!p0 $0x2  }
0x2d1: {  	_ =	swait.ge @!p0 [sflag:s0], s1  }
0x2d2: {  	s1 =	ssub.s32 @!p0 $0x0, s1;
	[sflag:s0] =	ssyncset.done @!p0 $0x0  }
0x2d3: {  	[sflag:s0] =	ssyncadd.s32 @!p0 s1  }
0x2d4: {  	[bflag:$0x3] =	sbarrier.arrive $0xFFFF  }
0x2d5: {  	_ =	shalt  }

</sc_bundles>
